<compile_context>
chip_gen: v7x
topology: tpu7x:2x2x1
jax: 0.10.2.dev20260603
libtpu: 0.0.44.dev20260713+nightly
codegen_flags: <defaults>
</compile_context>

<pallas_src>
import functools

import jax
import jax.numpy as jnp
from jax import lax
from jax.experimental import pallas as pl
from jax.experimental.pallas import tpu as pltpu
from jax.experimental.pallas import tpu_sc as plsc

_N = 10000
_E = 320000
_DN = 128
_DE = 16
_H1 = 288
_SLAB = _H1 // 2
_CH = 32
_NCH = _E // _CH
_NC, _NS, _L = 2, 16, 16
_AM = 128
_RPS = _N // _NS


def _leaky(v):
    return jnp.where(v > 0, v, 0.01 * v)



def _g_body(x_ref, w_ref, b_ref, o_ref):
    o_ref[...] = (
        jnp.dot(x_ref[...], w_ref[0], preferred_element_type=jnp.float32)
        + b_ref[0]
    )


def _proj_g(x, W1a3, b1r):
    nb = 5
    blk = _N // nb
    return pl.pallas_call(
        _g_body,
        grid=(_NC, nb),
        in_specs=[
            pl.BlockSpec((blk, _DN), lambda c, i: (i, 0)),
            pl.BlockSpec((1, _DN, _SLAB), lambda c, i: (c, 0, 0)),
            pl.BlockSpec((1, 1, _SLAB), lambda c, i: (c, 0, 0)),
        ],
        out_specs=pl.BlockSpec((blk, _SLAB), lambda c, i: (c * nb + i, 0)),
        out_shape=jax.ShapeDtypeStruct((_NC * _N, _SLAB), jnp.float32),
    )(x, W1a3, b1r)


def _a_body(e_ref, w_ref, o_ref):
    o_ref[...] = jnp.dot(e_ref[...], w_ref[0], preferred_element_type=jnp.float32)


def _proj_a(edge_attr, W1bm3):
    nb = 80
    blk = _E // nb
    return pl.pallas_call(
        _a_body,
        grid=(_NC, nb),
        in_specs=[
            pl.BlockSpec((blk, _DE), lambda c, i: (i, 0)),
            pl.BlockSpec((1, _DE, _AM), lambda c, i: (c, 0, 0)),
        ],
        out_specs=pl.BlockSpec((blk, _AM), lambda c, i: (c * nb + i, 0)),
        out_shape=jax.ShapeDtypeStruct((_NC * _E, _AM), jnp.float32),
    )(edge_attr, W1bm3)


def _atail_body(e8_ref, w_ref, o_ref):
    o_ref[...] = jnp.dot(e8_ref[...], w_ref[0], preferred_element_type=jnp.float32)


def _proj_atail(E8, W8blk):
    nb = 20
    blk = (_E // 8) // nb
    return pl.pallas_call(
        _atail_body,
        grid=(_NC, nb),
        in_specs=[
            pl.BlockSpec((blk, 8 * _DE), lambda c, i: (i, 0)),
            pl.BlockSpec((1, 8 * _DE, _AM), lambda c, i: (c, 0, 0)),
        ],
        out_specs=pl.BlockSpec((blk, _AM), lambda c, i: (c * nb + i, 0)),
        out_shape=jax.ShapeDtypeStruct((_NC * (_E // 8), _AM), jnp.float32),
    )(E8, W8blk)



_KPS = _NCH // _NS
_KMAIN = (_KPS - 1) // 4 * 4


def _sc_edge(row, col, g_all, a01, atail):
    mesh = plsc.VectorSubcoreMesh(core_axis_name="c", subcore_axis_name="s")

    @functools.partial(
        pl.kernel,
        out_type=[
            jax.ShapeDtypeStruct((_NC * _N, _SLAB), jnp.float32),
            jax.ShapeDtypeStruct((_NC * _NS, _N), jnp.int32),
        ],
        mesh=mesh,
        compiler_params=pltpu.CompilerParams(
            use_tc_tiling_on_sc=False, needs_layout_passes=False
        ),
        scratch_types=(
            [pltpu.VMEM((_CH,), jnp.int32)] * 8
            + [pltpu.VMEM((_CH, _SLAB), jnp.float32)] * 2
            + [pltpu.VMEM((_CH, _SLAB), jnp.float32)] * 2
            + [pltpu.VMEM((_N,), jnp.int32)]
            + [pltpu.VMEM_SHARED((_N, _SLAB), jnp.float32)]
            + [pltpu.SemaphoreType.DMA] * 16
        ),
    )
    def k(row_h, col_h, g_h, am_h, at_h, acc_out, cnt_out, *scr):
        rowb = scr[0:4]
        colb = scr[4:8]
        gb = scr[8:10]
        ab = scr[10:12]
        cntb = scr[12]
        acc = scr[13]
        gsem = scr[14:16]
        asem = scr[16:18]
        tsem = scr[18:20]
        ssem = scr[20:22]
        irs = scr[22:26]
        ics = scr[26:30]

        c = lax.axis_index("c")
        s = lax.axis_index("s")
        roff = c * _N
        kbase = s * _KPS

        def e_of(kk):
            return (kbase + kk) * _CH

        def zrow(i, _):
            for j in range(_SLAB // _L):
                gb[0][i, pl.ds(j * _L, _L)] = jnp.zeros((_L,), jnp.float32)
            return 0
        lax.fori_loop(0, _CH, zrow, 0)
        base = s * _RPS
        nfull = _RPS // _CH
        for kb in range(nfull):
            pltpu.sync_copy(gb[0], acc.at[pl.ds(base + kb * _CH, _CH)])
        rem = _RPS - nfull * _CH
        pltpu.sync_copy(gb[0].at[pl.ds(0, rem)],
                        acc.at[pl.ds(base + nfull * _CH, rem)])

        def zc(i, _):
            cntb[pl.ds(i * _L, _L)] = jnp.zeros((_L,), jnp.int32)
            return 0
        lax.fori_loop(0, _N // _L, zc, 0)
        plsc.subcore_barrier()

        ones = jnp.ones((_L,), jnp.int32)

        def idx_issue(kk, slot):
            pltpu.async_copy(row_h.at[pl.ds(e_of(kk), _CH)], rowb[slot],
                             irs[slot])
            pltpu.async_copy(col_h.at[pl.ds(e_of(kk), _CH)], colb[slot],
                             ics[slot])

        def idx_wait(kk, slot):
            pltpu.make_async_copy(row_h.at[pl.ds(e_of(kk), _CH)], rowb[slot],
                                  irs[slot]).wait()
            pltpu.make_async_copy(col_h.at[pl.ds(e_of(kk), _CH)], colb[slot],
                                  ics[slot]).wait()

        def offset_rows(slot):
            for j in range(_CH // _L):
                rowb[slot][pl.ds(j * _L, _L)] = (
                    rowb[slot][pl.ds(j * _L, _L)] + roff)

        def ga_issue(kk, p, slot):
            pltpu.async_copy(g_h.at[rowb[slot]], gb[p], gsem[p])
            pltpu.async_copy(am_h.at[pl.ds(c * _E + e_of(kk), _CH)],
                             ab[p].at[:, pl.ds(0, _AM)], asem[p])
            pltpu.async_copy(at_h.at[pl.ds(c * _E + e_of(kk), _CH)],
                             ab[p].at[:, pl.ds(_AM, _DE)], tsem[p])

        def ga_wait(kk, p, slot):
            pltpu.make_async_copy(g_h.at[rowb[slot]], gb[p], gsem[p]).wait()
            pltpu.make_async_copy(am_h.at[pl.ds(c * _E + e_of(kk), _CH)],
                                  ab[p].at[:, pl.ds(0, _AM)], asem[p]).wait()
            pltpu.make_async_copy(at_h.at[pl.ds(c * _E + e_of(kk), _CH)],
                                  ab[p].at[:, pl.ds(_AM, _DE)], tsem[p]).wait()

        def scat_issue(p, slot):
            pltpu.async_copy(gb[p], acc.at[colb[slot]], ssem[p], add=True)

        def scat_wait(p, slot):
            pltpu.make_async_copy(gb[p], acc.at[colb[slot]], ssem[p]).wait()

        def compute(p):
            def rowfn(i, _):
                for j in range(_SLAB // _L):
                    v = (gb[p][i, pl.ds(j * _L, _L)]
                         + ab[p][i, pl.ds(j * _L, _L)])
                    gb[p][i, pl.ds(j * _L, _L)] = jnp.maximum(v, v * 0.01)
                return 0
            lax.fori_loop(0, _CH, rowfn, 0)

        def count(slot):
            for j in range(_CH // _L):
                plsc.addupdate_scatter(
                    cntb, [colb[slot][pl.ds(j * _L, _L)]], ones)

        idx_issue(0, 0)
        idx_issue(1, 1)
        idx_wait(0, 0)
        offset_rows(0)
        ga_issue(0, 0, 0)

        def group(outer, _):
            for b in range(4):
                kk = outer * 4 + b
                p = b % 2
                q = 1 - p
                sl = b
                sl1 = (b + 1) % 4
                sl2 = (b + 2) % 4
                @pl.when(kk >= 1)
                def _():
                    scat_wait(q, (b + 3) % 4)
                idx_wait(kk + 1, sl1)
                offset_rows(sl1)
                ga_issue(kk + 1, q, sl1)
                @pl.when(kk + 2 <= _KPS - 1)
                def _():
                    idx_issue(kk + 2, sl2)
                ga_wait(kk, p, sl)
                compute(p)
                scat_issue(p, sl)
                count(sl)
            return 0
        lax.fori_loop(0, _KMAIN // 4, group, 0)

        kk = _KPS - 1
        scat_wait(1, 3)
        ga_wait(kk, 0, 0)
        compute(0)
        scat_issue(0, 0)
        count(0)
        scat_wait(0, 0)

        plsc.subcore_barrier()
        pltpu.sync_copy(acc.at[pl.ds(base, _RPS)],
                        acc_out.at[pl.ds(c * _N + base, _RPS)])
        wid = s * _NC + c
        pltpu.sync_copy(cntb, cnt_out.at[wid])

    return k(row, col, g_all, a01, atail)



def _final_body(x_ref, a0_ref, a1_ref, cnt_ref, w2_ref, b2_ref, w3_ref, b3_ref,
                w4_ref, b4_ref, o_ref):
    cnt = jnp.sum(cnt_ref[...], axis=1).astype(jnp.float32) * 0.5
    inv = 1.0 / jnp.maximum(cnt, 1.0)
    mask = (cnt > 0).astype(jnp.float32)
    hm0 = a0_ref[...] * inv[:, None]
    hm1 = a1_ref[...] * inv[:, None]
    w2 = w2_ref[...]
    mean = (
        jnp.dot(hm0, w2[:_SLAB], preferred_element_type=jnp.float32)
        + jnp.dot(hm1, w2[_SLAB:], preferred_element_type=jnp.float32)
        + mask[:, None] * b2_ref[...]
    )
    w3 = w3_ref[...]
    t = _leaky(
        jnp.dot(x_ref[...], w3[:_DN], preferred_element_type=jnp.float32)
        + jnp.dot(mean, w3[_DN:], preferred_element_type=jnp.float32)
        + b3_ref[...]
    )
    o_ref[...] = (
        jnp.dot(t, w4_ref[...], preferred_element_type=jnp.float32) + b4_ref[...]
    )


def _final(x, acc_all, cnt_all, W2, b2r, W3, b3r, W4, b4r):
    nb = 5
    blk = _N // nb
    h2 = 2 * (_SLAB + _DN)
    return pl.pallas_call(
        _final_body,
        grid=(nb,),
        in_specs=[
            pl.BlockSpec((blk, _DN), lambda i: (i, 0)),
            pl.BlockSpec((blk, _SLAB), lambda i: (i, 0)),
            pl.BlockSpec((blk, _SLAB), lambda i: (nb + i, 0)),
            pl.BlockSpec((blk, _NC * _NS), lambda i: (i, 0)),
            pl.BlockSpec((_H1, _SLAB), lambda i: (0, 0)),
            pl.BlockSpec((1, _SLAB), lambda i: (0, 0)),
            pl.BlockSpec((_SLAB + _DN, h2), lambda i: (0, 0)),
            pl.BlockSpec((1, h2), lambda i: (0, 0)),
            pl.BlockSpec((h2, _DN), lambda i: (0, 0)),
            pl.BlockSpec((1, _DN), lambda i: (0, 0)),
        ],
        out_specs=pl.BlockSpec((blk, _DN), lambda i: (i, 0)),
        out_shape=jax.ShapeDtypeStruct((_N, _DN), jnp.float32),
    )(x, acc_all, acc_all, cnt_all.T, W2, b2r, W3, b3r, W4, b4r)


def kernel(x, edge_index, edge_attr, u, batch, W1, b1, W2, b2, W3, b3, W4, b4):
    row = edge_index[0]
    col = edge_index[1]
    W1a3 = W1[:_DN].reshape(_DN, _NC, _SLAB).transpose(1, 0, 2)
    W1b = W1[_DN:]
    W1bm3 = jnp.stack([W1b[:, :_AM], W1b[:, _SLAB:_SLAB + _AM]])
    eye8 = jnp.eye(8, dtype=W1.dtype)
    W8blk = jnp.stack([
        jnp.kron(eye8, W1b[:, _AM:_SLAB]),
        jnp.kron(eye8, W1b[:, _SLAB + _AM:]),
    ])
    E8 = edge_attr.reshape(_E // 8, 8 * _DE)
    b1r = b1.reshape(_NC, 1, _SLAB)
    g_all = _proj_g(x, W1a3, b1r)
    a01 = _proj_a(edge_attr, W1bm3)
    atail = _proj_atail(E8, W8blk).reshape(_NC * _E, _DE)
    acc_all, cnt_all = _sc_edge(row, col, g_all, a01, atail)
    return _final(x, acc_all, cnt_all, W2, b2.reshape(1, -1), W3,
                  b3.reshape(1, -1), W4, b4.reshape(1, -1))

# --- scband reference (transcript-rebuilt; emitter-appended) ---
"""Pipeline reference for scband-node-model-26396869001529 (READ-ONLY COPY).

The authoritative reference and input builder live on the scoring server;
editing this copy changes nothing except your own understanding.
"""

import jax, jax.numpy as jnp
import numpy as np

N = 10000
E = 320000
DN = 128
DE = 16
FINAL = 128


def _leaky(x):
    return jnp.where(x > 0, x, 0.01 * x)


def setup_inputs(seed: int = 0) -> dict:
    key = jax.random.key(seed)
    ks = jax.random.split(key, 16)
    x = jax.random.normal(ks[0], (N, DN), dtype=jnp.float32)
    edge_index = jax.random.randint(ks[1], (2, E), 0, N)
    edge_attr = jax.random.normal(ks[2], (E, DE), dtype=jnp.float32)
    u = jax.random.normal(ks[3], (1, DE), dtype=jnp.float32)
    batch = jnp.zeros((N,), dtype=jnp.int32)
    # node_mlp_1: in=DN+DE=144, hidden=288, out=144
    in1 = DN + DE
    h1 = in1 * 2
    o1 = h1 // 2
    W1 = jax.random.normal(ks[4], (in1, h1), dtype=jnp.float32) / np.sqrt(in1)
    b1 = jnp.zeros((h1,), dtype=jnp.float32)
    W2 = jax.random.normal(ks[5], (h1, o1), dtype=jnp.float32) / np.sqrt(h1)
    b2 = jnp.zeros((o1,), dtype=jnp.float32)
    # node_mlp_2: in=o1+DN=272, hidden=544, out=FINAL
    in2 = o1 + DN
    h2 = in2 * 2
    W3 = jax.random.normal(ks[6], (in2, h2), dtype=jnp.float32) / np.sqrt(in2)
    b3 = jnp.zeros((h2,), dtype=jnp.float32)
    W4 = jax.random.normal(ks[7], (h2, FINAL), dtype=jnp.float32) / np.sqrt(h2)
    b4 = jnp.zeros((FINAL,), dtype=jnp.float32)
    return {"x": x, "edge_index": edge_index, "edge_attr": edge_attr, "u": u,
            "batch": batch, "W1": W1, "b1": b1, "W2": W2, "b2": b2,
            "W3": W3, "b3": b3, "W4": W4, "b4": b4}


def reference(x, edge_index, edge_attr, u, batch, W1, b1, W2, b2, W3, b3, W4, b4):
    n = x.shape[0]
    row = edge_index[0]
    col = edge_index[1]
    out = jnp.concatenate([x[row], edge_attr], axis=1)
    out = _leaky(out @ W1 + b1)
    out = out @ W2 + b2
    s = jax.ops.segment_sum(out, col, num_segments=n)
    cnt = jax.ops.segment_sum(jnp.ones((out.shape[0],), dtype=out.dtype), col, num_segments=n)
    mean = s / jnp.clip(cnt, 1.0)[:, None]
    out = jnp.concatenate([x, mean], axis=1)
    out = _leaky(out @ W3 + b3)
    out = out @ W4 + b4
    return out

if __name__ == "__main__":
    import jax
    _d = setup_inputs()
    print(jax.jit(kernel)(*tuple(_d.values())))

</pallas_src>

<mosaic_0001>
#map = affine_map<(d0, d1) -> (0)>
#map1 = affine_map<(d0, d1) -> (0, 0)>
module attributes {stable_mosaic.version = 14 : i64} {
  func.func @k(%arg0: i32, %arg1: i32, %arg2: memref<320000xi32, #tpu.memory_space<hbm>>, %arg3: memref<320000xi32, #tpu.memory_space<hbm>>, %arg4: memref<20000x144xf32, #tpu.memory_space<hbm>>, %arg5: memref<640000x128xf32, #tpu.memory_space<hbm>>, %arg6: memref<640000x16xf32, #tpu.memory_space<hbm>>, %arg7: memref<20000x144xf32, #tpu.memory_space<hbm>>, %arg8: memref<32x10000xi32, #tpu.memory_space<hbm>>, %arg9: memref<32xi32, #tpu.memory_space<vmem>>, %arg10: memref<32xi32, #tpu.memory_space<vmem>>, %arg11: memref<32xi32, #tpu.memory_space<vmem>>, %arg12: memref<32xi32, #tpu.memory_space<vmem>>, %arg13: memref<32xi32, #tpu.memory_space<vmem>>, %arg14: memref<32xi32, #tpu.memory_space<vmem>>, %arg15: memref<32xi32, #tpu.memory_space<vmem>>, %arg16: memref<32xi32, #tpu.memory_space<vmem>>, %arg17: memref<32x144xf32, #tpu.memory_space<vmem>>, %arg18: memref<32x144xf32, #tpu.memory_space<vmem>>, %arg19: memref<32x144xf32, #tpu.memory_space<vmem>>, %arg20: memref<32x144xf32, #tpu.memory_space<vmem>>, %arg21: memref<10000xi32, #tpu.memory_space<vmem>>, %arg22: memref<10000x144xf32, #tpu.memory_space<vmem_shared>>, %arg23: memref<!tpu.dma_semaphore, #tpu.memory_space<semaphore_mem>>, %arg24: memref<!tpu.dma_semaphore, #tpu.memory_space<semaphore_mem>>, %arg25: memref<!tpu.dma_semaphore, #tpu.memory_space<semaphore_mem>>, %arg26: memref<!tpu.dma_semaphore, #tpu.memory_space<semaphore_mem>>, %arg27: memref<!tpu.dma_semaphore, #tpu.memory_space<semaphore_mem>>, %arg28: memref<!tpu.dma_semaphore, #tpu.memory_space<semaphore_mem>>, %arg29: memref<!tpu.dma_semaphore, #tpu.memory_space<semaphore_mem>>, %arg30: memref<!tpu.dma_semaphore, #tpu.memory_space<semaphore_mem>>, %arg31: memref<!tpu.dma_semaphore, #tpu.memory_space<semaphore_mem>>, %arg32: memref<!tpu.dma_semaphore, #tpu.memory_space<semaphore_mem>>, %arg33: memref<!tpu.dma_semaphore, #tpu.memory_space<semaphore_mem>>, %arg34: memref<!tpu.dma_semaphore, #tpu.memory_space<semaphore_mem>>, %arg35: memref<!tpu.dma_semaphore, #tpu.memory_space<semaphore_mem>>, %arg36: memref<!tpu.dma_semaphore, #tpu.memory_space<semaphore_mem>>, %arg37: memref<!tpu.dma_semaphore, #tpu.memory_space<semaphore_mem>>, %arg38: memref<!tpu.dma_semaphore, #tpu.memory_space<semaphore_mem>>) attributes {dimension_semantics = [#tpu.dimension_semantics<core_parallel>, #tpu.dimension_semantics<subcore_parallel>], iteration_bounds = array<i64: 2, 16>, scalar_prefetch = 0 : i64, scratch_operands = 30 : i64, tpu.core_type = #tpu.core_type<sc_vector_subcore>, window_params = [{transform_indices = #map}, {transform_indices = #map}, {transform_indices = #map1}, {transform_indices = #map1}, {transform_indices = #map1}, {transform_indices = #map1}, {transform_indices = #map1}]} {
    %mul3A = arith.constant 10000 : i32
    %mul3A_0 = arith.muli %arg0, %mul3A : i32
    %mul3A_1 = arith.constant 625 : i32
    %mul3A_2 = arith.muli %arg1, %mul3A_1 : i32
    %scan3A = arith.constant 0 : i32
    %scan3A_3 = arith.constant 0 : i32
    %scan3A_4 = arith.constant 32 : i32
    %scan3A_5 = arith.addi %scan3A_3, %scan3A_4 : i32
    %scan3A_6 = arith.constant 1 : i32
    %scan3A_7 = scf.for %scan3A_210 = %scan3A_3 to %scan3A_5 step %scan3A_6 iter_args(%scan3A_211 = %scan3A) -> (i32)  : i32 {
      %broadcast_in_dim3A_212 = arith.constant 0.000000e+00 : f32
      %broadcast_in_dim3A_213 = vector.broadcast %broadcast_in_dim3A_212 : f32 to vector<16xf32>
      %swap3A_214 = arith.index_cast %scan3A_210 : i32 to index
      %swap3A_215 = arith.constant 0 : index
      %swap3A_216 = tpu.vector_load %arg17[%swap3A_214, %swap3A_215] {strides = array<i32>} : memref<32x144xf32, #tpu.memory_space<vmem>>, vector<16xf32>,
      tpu.vector_store %arg17[%swap3A_214, %swap3A_215], %broadcast_in_dim3A_213 {strides = array<i32>} : memref<32x144xf32, #tpu.memory_space<vmem>>, vector<16xf32>,
      %broadcast_in_dim3A_217 = arith.constant 0.000000e+00 : f32
      %broadcast_in_dim3A_218 = vector.broadcast %broadcast_in_dim3A_217 : f32 to vector<16xf32>
      %swap3A_219 = arith.index_cast %scan3A_210 : i32 to index
      %swap3A_220 = arith.constant 16 : index
      %swap3A_221 = tpu.vector_load %arg17[%swap3A_219, %swap3A_220] {strides = array<i32>} : memref<32x144xf32, #tpu.memory_space<vmem>>, vector<16xf32>,
      tpu.vector_store %arg17[%swap3A_219, %swap3A_220], %broadcast_in_dim3A_218 {strides = array<i32>} : memref<32x144xf32, #tpu.memory_space<vmem>>, vector<16xf32>,
      %broadcast_in_dim3A_222 = arith.constant 0.000000e+00 : f32
      %broadcast_in_dim3A_223 = vector.broadcast %broadcast_in_dim3A_222 : f32 to vector<16xf32>
      %swap3A_224 = arith.index_cast %scan3A_210 : i32 to index
      %swap3A_225 = arith.constant 32 : index
      %swap3A_226 = tpu.vector_load %arg17[%swap3A_224, %swap3A_225] {strides = array<i32>} : memref<32x144xf32, #tpu.memory_space<vmem>>, vector<16xf32>,
      tpu.vector_store %arg17[%swap3A_224, %swap3A_225], %broadcast_in_dim3A_223 {strides = array<i32>} : memref<32x144xf32, #tpu.memory_space<vmem>>, vector<16xf32>,
      %broadcast_in_dim3A_227 = arith.constant 0.000000e+00 : f32
      %broadcast_in_dim3A_228 = vector.broadcast %broadcast_in_dim3A_227 : f32 to vector<16xf32>
      %swap3A_229 = arith.index_cast %scan3A_210 : i32 to index
      %swap3A_230 = arith.constant 48 : index
      %swap3A_231 = tpu.vector_load %arg17[%swap3A_229, %swap3A_230] {strides = array<i32>} : memref<32x144xf32, #tpu.memory_space<vmem>>, vector<16xf32>,
      tpu.vector_store %arg17[%swap3A_229, %swap3A_230], %broadcast_in_dim3A_228 {strides = array<i32>} : memref<32x144xf32, #tpu.memory_space<vmem>>, vector<16xf32>,
      %broadcast_in_dim3A_232 = arith.constant 0.000000e+00 : f32
      %broadcast_in_dim3A_233 = vector.broadcast %broadcast_in_dim3A_232 : f32 to vector<16xf32>
      %swap3A_234 = arith.index_cast %scan3A_210 : i32 to index
      %swap3A_235 = arith.constant 64 : index
      %swap3A_236 = tpu.vector_load %arg17[%swap3A_234, %swap3A_235] {strides = array<i32>} : memref<32x144xf32, #tpu.memory_space<vmem>>, vector<16xf32>,
      tpu.vector_store %arg17[%swap3A_234, %swap3A_235], %broadcast_in_dim3A_233 {strides = array<i32>} : memref<32x144xf32, #tpu.memory_space<vmem>>, vector<16xf32>,
      %broadcast_in_dim3A_237 = arith.constant 0.000000e+00 : f32
      %broadcast_in_dim3A_238 = vector.broadcast %broadcast_in_dim3A_237 : f32 to vector<16xf32>
      %swap3A_239 = arith.index_cast %scan3A_210 : i32 to index
      %swap3A_240 = arith.constant 80 : index
      %swap3A_241 = tpu.vector_load %arg17[%swap3A_239, %swap3A_240] {strides = array<i32>} : memref<32x144xf32, #tpu.memory_space<vmem>>, vector<16xf32>,
      tpu.vector_store %arg17[%swap3A_239, %swap3A_240], %broadcast_in_dim3A_238 {strides = array<i32>} : memref<32x144xf32, #tpu.memory_space<vmem>>, vector<16xf32>,
      %broadcast_in_dim3A_242 = arith.constant 0.000000e+00 : f32
      %broadcast_in_dim3A_243 = vector.broadcast %broadcast_in_dim3A_242 : f32 to vector<16xf32>
      %swap3A_244 = arith.index_cast %scan3A_210 : i32 to index
      %swap3A_245 = arith.constant 96 : index
      %swap3A_246 = tpu.vector_load %arg17[%swap3A_244, %swap3A_245] {strides = array<i32>} : memref<32x144xf32, #tpu.memory_space<vmem>>, vector<16xf32>,
      tpu.vector_store %arg17[%swap3A_244, %swap3A_245], %broadcast_in_dim3A_243 {strides = array<i32>} : memref<32x144xf32, #tpu.memory_space<vmem>>, vector<16xf32>,
      %broadcast_in_dim3A_247 = arith.constant 0.000000e+00 : f32
      %broadcast_in_dim3A_248 = vector.broadcast %broadcast_in_dim3A_247 : f32 to vector<16xf32>
      %swap3A_249 = arith.index_cast %scan3A_210 : i32 to index
      %swap3A_250 = arith.constant 112 : index
      %swap3A_251 = tpu.vector_load %arg17[%swap3A_249, %swap3A_250] {strides = array<i32>} : memref<32x144xf32, #tpu.memory_space<vmem>>, vector<16xf32>,
      tpu.vector_store %arg17[%swap3A_249, %swap3A_250], %broadcast_in_dim3A_248 {strides = array<i32>} : memref<32x144xf32, #tpu.memory_space<vmem>>, vector<16xf32>,
      %broadcast_in_dim3A_252 = arith.constant 0.000000e+00 : f32
      %broadcast_in_dim3A_253 = vector.broadcast %broadcast_in_dim3A_252 : f32 to vector<16xf32>
      %swap3A_254 = arith.index_cast %scan3A_210 : i32 to index
      %swap3A_255 = arith.constant 128 : index
      %swap3A_256 = tpu.vector_load %arg17[%swap3A_254, %swap3A_255] {strides = array<i32>} : memref<32x144xf32, #tpu.memory_space<vmem>>, vector<16xf32>,
      tpu.vector_store %arg17[%swap3A_254, %swap3A_255], %broadcast_in_dim3A_253 {strides = array<i32>} : memref<32x144xf32, #tpu.memory_space<vmem>>, vector<16xf32>,
      %scan3A_257 = arith.constant 0 : i32
      scf.yield %scan3A_257 : i32
    }
    %scan3A_8 = arith.constant 32 : i32
    %mul3A_9 = arith.constant 625 : i32
    %mul3A_10 = arith.muli %arg1, %mul3A_9 : i32
    %add3A = arith.constant 0 : i32
    %add3A_11 = arith.addi %mul3A_10, %add3A : i32
    "tpu.region"() ({
      %run_scoped3A = tpu.sem_alloc : memref<!tpu.dma_semaphore, #tpu.memory_space<semaphore_mem>>
      %dma_start3A_210 = arith.constant 0 : i32
      %dma_start3A_211 = tpu.memref_slice %arg22[%add3A_11, %dma_start3A_210] : memref<10000x144xf32, #tpu.memory_space<vmem_shared>> -> memref<32x144xf32, #tpu.memory_space<vmem_shared>>
      %dma_start3A_212 = arith.constant 0 : i32
      %dma_start3A_213 = tpu.memref_slice %arg22[%add3A_11, %dma_start3A_212] : memref<10000x144xf32, #tpu.memory_space<vmem_shared>> -> memref<32x144xf32, #tpu.memory_space<vmem_shared>>
      tpu.enqueue_dma source(%arg17 : memref<32x144xf32, #tpu.memory_space<vmem>>) target(%dma_start3A_213 : memref<32x144xf32, #tpu.memory_space<vmem_shared>>) target_semaphore(%run_scoped3A : memref<!tpu.dma_semaphore, #tpu.memory_space<semaphore_mem>>)
      %dma_wait3A_214 = arith.constant 0 : i32
      %dma_wait3A_215 = tpu.memref_slice %arg22[%add3A_11, %dma_wait3A_214] : memref<10000x144xf32, #tpu.memory_space<vmem_shared>> -> memref<32x144xf32, #tpu.memory_space<vmem_shared>>
      %dma_wait3A_216 = arith.constant 0 : i32
      %dma_wait3A_217 = tpu.memref_slice %arg22[%add3A_11, %dma_wait3A_216] : memref<10000x144xf32, #tpu.memory_space<vmem_shared>> -> memref<32x144xf32, #tpu.memory_space<vmem_shared>>
      tpu.wait_dma2 semaphore(%run_scoped3A : memref<!tpu.dma_semaphore, #tpu.memory_space<semaphore_mem>>) src(%arg17 : memref<32x144xf32, #tpu.memory_space<vmem>>) dst(%dma_wait3A_217 : memref<32x144xf32, #tpu.memory_space<vmem_shared>>)
      tpu.yield
    }) : () -> ()
    %add3A_12 = arith.constant 32 : i32
    %add3A_13 = arith.addi %mul3A_10, %add3A_12 : i32
    "tpu.region"() ({
      %run_scoped3A = tpu.sem_alloc : memref<!tpu.dma_semaphore, #tpu.memory_space<semaphore_mem>>
      %dma_start3A_210 = arith.constant 0 : i32
      %dma_start3A_211 = tpu.memref_slice %arg22[%add3A_13, %dma_start3A_210] : memref<10000x144xf32, #tpu.memory_space<vmem_shared>> -> memref<32x144xf32, #tpu.memory_space<vmem_shared>>
      %dma_start3A_212 = arith.constant 0 : i32
      %dma_start3A_213 = tpu.memref_slice %arg22[%add3A_13, %dma_start3A_212] : memref<10000x144xf32, #tpu.memory_space<vmem_shared>> -> memref<32x144xf32, #tpu.memory_space<vmem_shared>>
      tpu.enqueue_dma source(%arg17 : memref<32x144xf32, #tpu.memory_space<vmem>>) target(%dma_start3A_213 : memref<32x144xf32, #tpu.memory_space<vmem_shared>>) target_semaphore(%run_scoped3A : memref<!tpu.dma_semaphore, #tpu.memory_space<semaphore_mem>>)
      %dma_wait3A_214 = arith.constant 0 : i32
      %dma_wait3A_215 = tpu.memref_slice %arg22[%add3A_13, %dma_wait3A_214] : memref<10000x144xf32, #tpu.memory_space<vmem_shared>> -> memref<32x144xf32, #tpu.memory_space<vmem_shared>>
      %dma_wait3A_216 = arith.constant 0 : i32
      %dma_wait3A_217 = tpu.memref_slice %arg22[%add3A_13, %dma_wait3A_216] : memref<10000x144xf32, #tpu.memory_space<vmem_shared>> -> memref<32x144xf32, #tpu.memory_space<vmem_shared>>
      tpu.wait_dma2 semaphore(%run_scoped3A : memref<!tpu.dma_semaphore, #tpu.memory_space<semaphore_mem>>) src(%arg17 : memref<32x144xf32, #tpu.memory_space<vmem>>) dst(%dma_wait3A_217 : memref<32x144xf32, #tpu.memory_space<vmem_shared>>)
      tpu.yield
    }) : () -> ()
    %add3A_14 = arith.constant 64 : i32
    %add3A_15 = arith.addi %mul3A_10, %add3A_14 : i32
    "tpu.region"() ({
      %run_scoped3A = tpu.sem_alloc : memref<!tpu.dma_semaphore, #tpu.memory_space<semaphore_mem>>
      %dma_start3A_210 = arith.constant 0 : i32
      %dma_start3A_211 = tpu.memref_slice %arg22[%add3A_15, %dma_start3A_210] : memref<10000x144xf32, #tpu.memory_space<vmem_shared>> -> memref<32x144xf32, #tpu.memory_space<vmem_shared>>
      %dma_start3A_212 = arith.constant 0 : i32
      %dma_start3A_213 = tpu.memref_slice %arg22[%add3A_15, %dma_start3A_212] : memref<10000x144xf32, #tpu.memory_space<vmem_shared>> -> memref<32x144xf32, #tpu.memory_space<vmem_shared>>
      tpu.enqueue_dma source(%arg17 : memref<32x144xf32, #tpu.memory_space<vmem>>) target(%dma_start3A_213 : memref<32x144xf32, #tpu.memory_space<vmem_shared>>) target_semaphore(%run_scoped3A : memref<!tpu.dma_semaphore, #tpu.memory_space<semaphore_mem>>)
      %dma_wait3A_214 = arith.constant 0 : i32
      %dma_wait3A_215 = tpu.memref_slice %arg22[%add3A_15, %dma_wait3A_214] : memref<10000x144xf32, #tpu.memory_space<vmem_shared>> -> memref<32x144xf32, #tpu.memory_space<vmem_shared>>
      %dma_wait3A_216 = arith.constant 0 : i32
      %dma_wait3A_217 = tpu.memref_slice %arg22[%add3A_15, %dma_wait3A_216] : memref<10000x144xf32, #tpu.memory_space<vmem_shared>> -> memref<32x144xf32, #tpu.memory_space<vmem_shared>>
      tpu.wait_dma2 semaphore(%run_scoped3A : memref<!tpu.dma_semaphore, #tpu.memory_space<semaphore_mem>>) src(%arg17 : memref<32x144xf32, #tpu.memory_space<vmem>>) dst(%dma_wait3A_217 : memref<32x144xf32, #tpu.memory_space<vmem_shared>>)
      tpu.yield
    }) : () -> ()
    %add3A_16 = arith.constant 96 : i32
    %add3A_17 = arith.addi %mul3A_10, %add3A_16 : i32
    "tpu.region"() ({
      %run_scoped3A = tpu.sem_alloc : memref<!tpu.dma_semaphore, #tpu.memory_space<semaphore_mem>>
      %dma_start3A_210 = arith.constant 0 : i32
      %dma_start3A_211 = tpu.memref_slice %arg22[%add3A_17, %dma_start3A_210] : memref<10000x144xf32, #tpu.memory_space<vmem_shared>> -> memref<32x144xf32, #tpu.memory_space<vmem_shared>>
      %dma_start3A_212 = arith.constant 0 : i32
      %dma_start3A_213 = tpu.memref_slice %arg22[%add3A_17, %dma_start3A_212] : memref<10000x144xf32, #tpu.memory_space<vmem_shared>> -> memref<32x144xf32, #tpu.memory_space<vmem_shared>>
      tpu.enqueue_dma source(%arg17 : memref<32x144xf32, #tpu.memory_space<vmem>>) target(%dma_start3A_213 : memref<32x144xf32, #tpu.memory_space<vmem_shared>>) target_semaphore(%run_scoped3A : memref<!tpu.dma_semaphore, #tpu.memory_space<semaphore_mem>>)
      %dma_wait3A_214 = arith.constant 0 : i32
      %dma_wait3A_215 = tpu.memref_slice %arg22[%add3A_17, %dma_wait3A_214] : memref<10000x144xf32, #tpu.memory_space<vmem_shared>> -> memref<32x144xf32, #tpu.memory_space<vmem_shared>>
      %dma_wait3A_216 = arith.constant 0 : i32
      %dma_wait3A_217 = tpu.memref_slice %arg22[%add3A_17, %dma_wait3A_216] : memref<10000x144xf32, #tpu.memory_space<vmem_shared>> -> memref<32x144xf32, #tpu.memory_space<vmem_shared>>
      tpu.wait_dma2 semaphore(%run_scoped3A : memref<!tpu.dma_semaphore, #tpu.memory_space<semaphore_mem>>) src(%arg17 : memref<32x144xf32, #tpu.memory_space<vmem>>) dst(%dma_wait3A_217 : memref<32x144xf32, #tpu.memory_space<vmem_shared>>)
      tpu.yield
    }) : () -> ()
    %add3A_18 = arith.constant 128 : i32
    %add3A_19 = arith.addi %mul3A_10, %add3A_18 : i32
    "tpu.region"() ({
      %run_scoped3A = tpu.sem_alloc : memref<!tpu.dma_semaphore, #tpu.memory_space<semaphore_mem>>
      %dma_start3A_210 = arith.constant 0 : i32
      %dma_start3A_211 = tpu.memref_slice %arg22[%add3A_19, %dma_start3A_210] : memref<10000x144xf32, #tpu.memory_space<vmem_shared>> -> memref<32x144xf32, #tpu.memory_space<vmem_shared>>
      %dma_start3A_212 = arith.constant 0 : i32
      %dma_start3A_213 = tpu.memref_slice %arg22[%add3A_19, %dma_start3A_212] : memref<10000x144xf32, #tpu.memory_space<vmem_shared>> -> memref<32x144xf32, #tpu.memory_space<vmem_shared>>
      tpu.enqueue_dma source(%arg17 : memref<32x144xf32, #tpu.memory_space<vmem>>) target(%dma_start3A_213 : memref<32x144xf32, #tpu.memory_space<vmem_shared>>) target_semaphore(%run_scoped3A : memref<!tpu.dma_semaphore, #tpu.memory_space<semaphore_mem>>)
      %dma_wait3A_214 = arith.constant 0 : i32
      %dma_wait3A_215 = tpu.memref_slice %arg22[%add3A_19, %dma_wait3A_214] : memref<10000x144xf32, #tpu.memory_space<vmem_shared>> -> memref<32x144xf32, #tpu.memory_space<vmem_shared>>
      %dma_wait3A_216 = arith.constant 0 : i32
      %dma_wait3A_217 = tpu.memref_slice %arg22[%add3A_19, %dma_wait3A_216] : memref<10000x144xf32, #tpu.memory_space<vmem_shared>> -> memref<32x144xf32, #tpu.memory_space<vmem_shared>>
      tpu.wait_dma2 semaphore(%run_scoped3A : memref<!tpu.dma_semaphore, #tpu.memory_space<semaphore_mem>>) src(%arg17 : memref<32x144xf32, #tpu.memory_space<vmem>>) dst(%dma_wait3A_217 : memref<32x144xf32, #tpu.memory_space<vmem_shared>>)
      tpu.yield
    }) : () -> ()
    %add3A_20 = arith.constant 160 : i32
    %add3A_21 = arith.addi %mul3A_10, %add3A_20 : i32
    "tpu.region"() ({
      %run_scoped3A = tpu.sem_alloc : memref<!tpu.dma_semaphore, #tpu.memory_space<semaphore_mem>>
      %dma_start3A_210 = arith.constant 0 : i32
      %dma_start3A_211 = tpu.memref_slice %arg22[%add3A_21, %dma_start3A_210] : memref<10000x144xf32, #tpu.memory_space<vmem_shared>> -> memref<32x144xf32, #tpu.memory_space<vmem_shared>>
      %dma_start3A_212 = arith.constant 0 : i32
      %dma_start3A_213 = tpu.memref_slice %arg22[%add3A_21, %dma_start3A_212] : memref<10000x144xf32, #tpu.memory_space<vmem_shared>> -> memref<32x144xf32, #tpu.memory_space<vmem_shared>>
      tpu.enqueue_dma source(%arg17 : memref<32x144xf32, #tpu.memory_space<vmem>>) target(%dma_start3A_213 : memref<32x144xf32, #tpu.memory_space<vmem_shared>>) target_semaphore(%run_scoped3A : memref<!tpu.dma_semaphore, #tpu.memory_space<semaphore_mem>>)
      %dma_wait3A_214 = arith.constant 0 : i32
      %dma_wait3A_215 = tpu.memref_slice %arg22[%add3A_21, %dma_wait3A_214] : memref<10000x144xf32, #tpu.memory_space<vmem_shared>> -> memref<32x144xf32, #tpu.memory_space<vmem_shared>>
      %dma_wait3A_216 = arith.constant 0 : i32
      %dma_wait3A_217 = tpu.memref_slice %arg22[%add3A_21, %dma_wait3A_216] : memref<10000x144xf32, #tpu.memory_space<vmem_shared>> -> memref<32x144xf32, #tpu.memory_space<vmem_shared>>
      tpu.wait_dma2 semaphore(%run_scoped3A : memref<!tpu.dma_semaphore, #tpu.memory_space<semaphore_mem>>) src(%arg17 : memref<32x144xf32, #tpu.memory_space<vmem>>) dst(%dma_wait3A_217 : memref<32x144xf32, #tpu.memory_space<vmem_shared>>)
      tpu.yield
    }) : () -> ()
    %add3A_22 = arith.constant 192 : i32
    %add3A_23 = arith.addi %mul3A_10, %add3A_22 : i32
    "tpu.region"() ({
      %run_scoped3A = tpu.sem_alloc : memref<!tpu.dma_semaphore, #tpu.memory_space<semaphore_mem>>
      %dma_start3A_210 = arith.constant 0 : i32
      %dma_start3A_211 = tpu.memref_slice %arg22[%add3A_23, %dma_start3A_210] : memref<10000x144xf32, #tpu.memory_space<vmem_shared>> -> memref<32x144xf32, #tpu.memory_space<vmem_shared>>
      %dma_start3A_212 = arith.constant 0 : i32
      %dma_start3A_213 = tpu.memref_slice %arg22[%add3A_23, %dma_start3A_212] : memref<10000x144xf32, #tpu.memory_space<vmem_shared>> -> memref<32x144xf32, #tpu.memory_space<vmem_shared>>
      tpu.enqueue_dma source(%arg17 : memref<32x144xf32, #tpu.memory_space<vmem>>) target(%dma_start3A_213 : memref<32x144xf32, #tpu.memory_space<vmem_shared>>) target_semaphore(%run_scoped3A : memref<!tpu.dma_semaphore, #tpu.memory_space<semaphore_mem>>)
      %dma_wait3A_214 = arith.constant 0 : i32
      %dma_wait3A_215 = tpu.memref_slice %arg22[%add3A_23, %dma_wait3A_214] : memref<10000x144xf32, #tpu.memory_space<vmem_shared>> -> memref<32x144xf32, #tpu.memory_space<vmem_shared>>
      %dma_wait3A_216 = arith.constant 0 : i32
      %dma_wait3A_217 = tpu.memref_slice %arg22[%add3A_23, %dma_wait3A_216] : memref<10000x144xf32, #tpu.memory_space<vmem_shared>> -> memref<32x144xf32, #tpu.memory_space<vmem_shared>>
      tpu.wait_dma2 semaphore(%run_scoped3A : memref<!tpu.dma_semaphore, #tpu.memory_space<semaphore_mem>>) src(%arg17 : memref<32x144xf32, #tpu.memory_space<vmem>>) dst(%dma_wait3A_217 : memref<32x144xf32, #tpu.memory_space<vmem_shared>>)
      tpu.yield
    }) : () -> ()
    %add3A_24 = arith.constant 224 : i32
    %add3A_25 = arith.addi %mul3A_10, %add3A_24 : i32
    "tpu.region"() ({
      %run_scoped3A = tpu.sem_alloc : memref<!tpu.dma_semaphore, #tpu.memory_space<semaphore_mem>>
      %dma_start3A_210 = arith.constant 0 : i32
      %dma_start3A_211 = tpu.memref_slice %arg22[%add3A_25, %dma_start3A_210] : memref<10000x144xf32, #tpu.memory_space<vmem_shared>> -> memref<32x144xf32, #tpu.memory_space<vmem_shared>>
      %dma_start3A_212 = arith.constant 0 : i32
      %dma_start3A_213 = tpu.memref_slice %arg22[%add3A_25, %dma_start3A_212] : memref<10000x144xf32, #tpu.memory_space<vmem_shared>> -> memref<32x144xf32, #tpu.memory_space<vmem_shared>>
      tpu.enqueue_dma source(%arg17 : memref<32x144xf32, #tpu.memory_space<vmem>>) target(%dma_start3A_213 : memref<32x144xf32, #tpu.memory_space<vmem_shared>>) target_semaphore(%run_scoped3A : memref<!tpu.dma_semaphore, #tpu.memory_space<semaphore_mem>>)
      %dma_wait3A_214 = arith.constant 0 : i32
      %dma_wait3A_215 = tpu.memref_slice %arg22[%add3A_25, %dma_wait3A_214] : memref<10000x144xf32, #tpu.memory_space<vmem_shared>> -> memref<32x144xf32, #tpu.memory_space<vmem_shared>>
      %dma_wait3A_216 = arith.constant 0 : i32
      %dma_wait3A_217 = tpu.memref_slice %arg22[%add3A_25, %dma_wait3A_216] : memref<10000x144xf32, #tpu.memory_space<vmem_shared>> -> memref<32x144xf32, #tpu.memory_space<vmem_shared>>
      tpu.wait_dma2 semaphore(%run_scoped3A : memref<!tpu.dma_semaphore, #tpu.memory_space<semaphore_mem>>) src(%arg17 : memref<32x144xf32, #tpu.memory_space<vmem>>) dst(%dma_wait3A_217 : memref<32x144xf32, #tpu.memory_space<vmem_shared>>)
      tpu.yield
    }) : () -> ()
    %add3A_26 = arith.constant 256 : i32
    %add3A_27 = arith.addi %mul3A_10, %add3A_26 : i32
    "tpu.region"() ({
      %run_scoped3A = tpu.sem_alloc : memref<!tpu.dma_semaphore, #tpu.memory_space<semaphore_mem>>
      %dma_start3A_210 = arith.constant 0 : i32
      %dma_start3A_211 = tpu.memref_slice %arg22[%add3A_27, %dma_start3A_210] : memref<10000x144xf32, #tpu.memory_space<vmem_shared>> -> memref<32x144xf32, #tpu.memory_space<vmem_shared>>
      %dma_start3A_212 = arith.constant 0 : i32
      %dma_start3A_213 = tpu.memref_slice %arg22[%add3A_27, %dma_start3A_212] : memref<10000x144xf32, #tpu.memory_space<vmem_shared>> -> memref<32x144xf32, #tpu.memory_space<vmem_shared>>
      tpu.enqueue_dma source(%arg17 : memref<32x144xf32, #tpu.memory_space<vmem>>) target(%dma_start3A_213 : memref<32x144xf32, #tpu.memory_space<vmem_shared>>) target_semaphore(%run_scoped3A : memref<!tpu.dma_semaphore, #tpu.memory_space<semaphore_mem>>)
      %dma_wait3A_214 = arith.constant 0 : i32
      %dma_wait3A_215 = tpu.memref_slice %arg22[%add3A_27, %dma_wait3A_214] : memref<10000x144xf32, #tpu.memory_space<vmem_shared>> -> memref<32x144xf32, #tpu.memory_space<vmem_shared>>
      %dma_wait3A_216 = arith.constant 0 : i32
      %dma_wait3A_217 = tpu.memref_slice %arg22[%add3A_27, %dma_wait3A_216] : memref<10000x144xf32, #tpu.memory_space<vmem_shared>> -> memref<32x144xf32, #tpu.memory_space<vmem_shared>>
      tpu.wait_dma2 semaphore(%run_scoped3A : memref<!tpu.dma_semaphore, #tpu.memory_space<semaphore_mem>>) src(%arg17 : memref<32x144xf32, #tpu.memory_space<vmem>>) dst(%dma_wait3A_217 : memref<32x144xf32, #tpu.memory_space<vmem_shared>>)
      tpu.yield
    }) : () -> ()
    %add3A_28 = arith.constant 288 : i32
    %add3A_29 = arith.addi %mul3A_10, %add3A_28 : i32
    "tpu.region"() ({
      %run_scoped3A = tpu.sem_alloc : memref<!tpu.dma_semaphore, #tpu.memory_space<semaphore_mem>>
      %dma_start3A_210 = arith.constant 0 : i32
      %dma_start3A_211 = tpu.memref_slice %arg22[%add3A_29, %dma_start3A_210] : memref<10000x144xf32, #tpu.memory_space<vmem_shared>> -> memref<32x144xf32, #tpu.memory_space<vmem_shared>>
      %dma_start3A_212 = arith.constant 0 : i32
      %dma_start3A_213 = tpu.memref_slice %arg22[%add3A_29, %dma_start3A_212] : memref<10000x144xf32, #tpu.memory_space<vmem_shared>> -> memref<32x144xf32, #tpu.memory_space<vmem_shared>>
      tpu.enqueue_dma source(%arg17 : memref<32x144xf32, #tpu.memory_space<vmem>>) target(%dma_start3A_213 : memref<32x144xf32, #tpu.memory_space<vmem_shared>>) target_semaphore(%run_scoped3A : memref<!tpu.dma_semaphore, #tpu.memory_space<semaphore_mem>>)
      %dma_wait3A_214 = arith.constant 0 : i32
      %dma_wait3A_215 = tpu.memref_slice %arg22[%add3A_29, %dma_wait3A_214] : memref<10000x144xf32, #tpu.memory_space<vmem_shared>> -> memref<32x144xf32, #tpu.memory_space<vmem_shared>>
      %dma_wait3A_216 = arith.constant 0 : i32
      %dma_wait3A_217 = tpu.memref_slice %arg22[%add3A_29, %dma_wait3A_216] : memref<10000x144xf32, #tpu.memory_space<vmem_shared>> -> memref<32x144xf32, #tpu.memory_space<vmem_shared>>
      tpu.wait_dma2 semaphore(%run_scoped3A : memref<!tpu.dma_semaphore, #tpu.memory_space<semaphore_mem>>) src(%arg17 : memref<32x144xf32, #tpu.memory_space<vmem>>) dst(%dma_wait3A_217 : memref<32x144xf32, #tpu.memory_space<vmem_shared>>)
      tpu.yield
    }) : () -> ()
    %add3A_30 = arith.constant 320 : i32
    %add3A_31 = arith.addi %mul3A_10, %add3A_30 : i32
    "tpu.region"() ({
      %run_scoped3A = tpu.sem_alloc : memref<!tpu.dma_semaphore, #tpu.memory_space<semaphore_mem>>
      %dma_start3A_210 = arith.constant 0 : i32
      %dma_start3A_211 = tpu.memref_slice %arg22[%add3A_31, %dma_start3A_210] : memref<10000x144xf32, #tpu.memory_space<vmem_shared>> -> memref<32x144xf32, #tpu.memory_space<vmem_shared>>
      %dma_start3A_212 = arith.constant 0 : i32
      %dma_start3A_213 = tpu.memref_slice %arg22[%add3A_31, %dma_start3A_212] : memref<10000x144xf32, #tpu.memory_space<vmem_shared>> -> memref<32x144xf32, #tpu.memory_space<vmem_shared>>
      tpu.enqueue_dma source(%arg17 : memref<32x144xf32, #tpu.memory_space<vmem>>) target(%dma_start3A_213 : memref<32x144xf32, #tpu.memory_space<vmem_shared>>) target_semaphore(%run_scoped3A : memref<!tpu.dma_semaphore, #tpu.memory_space<semaphore_mem>>)
      %dma_wait3A_214 = arith.constant 0 : i32
      %dma_wait3A_215 = tpu.memref_slice %arg22[%add3A_31, %dma_wait3A_214] : memref<10000x144xf32, #tpu.memory_space<vmem_shared>> -> memref<32x144xf32, #tpu.memory_space<vmem_shared>>
      %dma_wait3A_216 = arith.constant 0 : i32
      %dma_wait3A_217 = tpu.memref_slice %arg22[%add3A_31, %dma_wait3A_216] : memref<10000x144xf32, #tpu.memory_space<vmem_shared>> -> memref<32x144xf32, #tpu.memory_space<vmem_shared>>
      tpu.wait_dma2 semaphore(%run_scoped3A : memref<!tpu.dma_semaphore, #tpu.memory_space<semaphore_mem>>) src(%arg17 : memref<32x144xf32, #tpu.memory_space<vmem>>) dst(%dma_wait3A_217 : memref<32x144xf32, #tpu.memory_space<vmem_shared>>)
      tpu.yield
    }) : () -> ()
    %add3A_32 = arith.constant 352 : i32
    %add3A_33 = arith.addi %mul3A_10, %add3A_32 : i32
    "tpu.region"() ({
      %run_scoped3A = tpu.sem_alloc : memref<!tpu.dma_semaphore, #tpu.memory_space<semaphore_mem>>
      %dma_start3A_210 = arith.constant 0 : i32
      %dma_start3A_211 = tpu.memref_slice %arg22[%add3A_33, %dma_start3A_210] : memref<10000x144xf32, #tpu.memory_space<vmem_shared>> -> memref<32x144xf32, #tpu.memory_space<vmem_shared>>
      %dma_start3A_212 = arith.constant 0 : i32
      %dma_start3A_213 = tpu.memref_slice %arg22[%add3A_33, %dma_start3A_212] : memref<10000x144xf32, #tpu.memory_space<vmem_shared>> -> memref<32x144xf32, #tpu.memory_space<vmem_shared>>
      tpu.enqueue_dma source(%arg17 : memref<32x144xf32, #tpu.memory_space<vmem>>) target(%dma_start3A_213 : memref<32x144xf32, #tpu.memory_space<vmem_shared>>) target_semaphore(%run_scoped3A : memref<!tpu.dma_semaphore, #tpu.memory_space<semaphore_mem>>)
      %dma_wait3A_214 = arith.constant 0 : i32
      %dma_wait3A_215 = tpu.memref_slice %arg22[%add3A_33, %dma_wait3A_214] : memref<10000x144xf32, #tpu.memory_space<vmem_shared>> -> memref<32x144xf32, #tpu.memory_space<vmem_shared>>
      %dma_wait3A_216 = arith.constant 0 : i32
      %dma_wait3A_217 = tpu.memref_slice %arg22[%add3A_33, %dma_wait3A_216] : memref<10000x144xf32, #tpu.memory_space<vmem_shared>> -> memref<32x144xf32, #tpu.memory_space<vmem_shared>>
      tpu.wait_dma2 semaphore(%run_scoped3A : memref<!tpu.dma_semaphore, #tpu.memory_space<semaphore_mem>>) src(%arg17 : memref<32x144xf32, #tpu.memory_space<vmem>>) dst(%dma_wait3A_217 : memref<32x144xf32, #tpu.memory_space<vmem_shared>>)
      tpu.yield
    }) : () -> ()
    %add3A_34 = arith.constant 384 : i32
    %add3A_35 = arith.addi %mul3A_10, %add3A_34 : i32
    "tpu.region"() ({
      %run_scoped3A = tpu.sem_alloc : memref<!tpu.dma_semaphore, #tpu.memory_space<semaphore_mem>>
      %dma_start3A_210 = arith.constant 0 : i32
      %dma_start3A_211 = tpu.memref_slice %arg22[%add3A_35, %dma_start3A_210] : memref<10000x144xf32, #tpu.memory_space<vmem_shared>> -> memref<32x144xf32, #tpu.memory_space<vmem_shared>>
      %dma_start3A_212 = arith.constant 0 : i32
      %dma_start3A_213 = tpu.memref_slice %arg22[%add3A_35, %dma_start3A_212] : memref<10000x144xf32, #tpu.memory_space<vmem_shared>> -> memref<32x144xf32, #tpu.memory_space<vmem_shared>>
      tpu.enqueue_dma source(%arg17 : memref<32x144xf32, #tpu.memory_space<vmem>>) target(%dma_start3A_213 : memref<32x144xf32, #tpu.memory_space<vmem_shared>>) target_semaphore(%run_scoped3A : memref<!tpu.dma_semaphore, #tpu.memory_space<semaphore_mem>>)
      %dma_wait3A_214 = arith.constant 0 : i32
      %dma_wait3A_215 = tpu.memref_slice %arg22[%add3A_35, %dma_wait3A_214] : memref<10000x144xf32, #tpu.memory_space<vmem_shared>> -> memref<32x144xf32, #tpu.memory_space<vmem_shared>>
      %dma_wait3A_216 = arith.constant 0 : i32
      %dma_wait3A_217 = tpu.memref_slice %arg22[%add3A_35, %dma_wait3A_216] : memref<10000x144xf32, #tpu.memory_space<vmem_shared>> -> memref<32x144xf32, #tpu.memory_space<vmem_shared>>
      tpu.wait_dma2 semaphore(%run_scoped3A : memref<!tpu.dma_semaphore, #tpu.memory_space<semaphore_mem>>) src(%arg17 : memref<32x144xf32, #tpu.memory_space<vmem>>) dst(%dma_wait3A_217 : memref<32x144xf32, #tpu.memory_space<vmem_shared>>)
      tpu.yield
    }) : () -> ()
    %add3A_36 = arith.constant 416 : i32
    %add3A_37 = arith.addi %mul3A_10, %add3A_36 : i32
    "tpu.region"() ({
      %run_scoped3A = tpu.sem_alloc : memref<!tpu.dma_semaphore, #tpu.memory_space<semaphore_mem>>
      %dma_start3A_210 = arith.constant 0 : i32
      %dma_start3A_211 = tpu.memref_slice %arg22[%add3A_37, %dma_start3A_210] : memref<10000x144xf32, #tpu.memory_space<vmem_shared>> -> memref<32x144xf32, #tpu.memory_space<vmem_shared>>
      %dma_start3A_212 = arith.constant 0 : i32
      %dma_start3A_213 = tpu.memref_slice %arg22[%add3A_37, %dma_start3A_212] : memref<10000x144xf32, #tpu.memory_space<vmem_shared>> -> memref<32x144xf32, #tpu.memory_space<vmem_shared>>
      tpu.enqueue_dma source(%arg17 : memref<32x144xf32, #tpu.memory_space<vmem>>) target(%dma_start3A_213 : memref<32x144xf32, #tpu.memory_space<vmem_shared>>) target_semaphore(%run_scoped3A : memref<!tpu.dma_semaphore, #tpu.memory_space<semaphore_mem>>)
      %dma_wait3A_214 = arith.constant 0 : i32
      %dma_wait3A_215 = tpu.memref_slice %arg22[%add3A_37, %dma_wait3A_214] : memref<10000x144xf32, #tpu.memory_space<vmem_shared>> -> memref<32x144xf32, #tpu.memory_space<vmem_shared>>
      %dma_wait3A_216 = arith.constant 0 : i32
      %dma_wait3A_217 = tpu.memref_slice %arg22[%add3A_37, %dma_wait3A_216] : memref<10000x144xf32, #tpu.memory_space<vmem_shared>> -> memref<32x144xf32, #tpu.memory_space<vmem_shared>>
      tpu.wait_dma2 semaphore(%run_scoped3A : memref<!tpu.dma_semaphore, #tpu.memory_space<semaphore_mem>>) src(%arg17 : memref<32x144xf32, #tpu.memory_space<vmem>>) dst(%dma_wait3A_217 : memref<32x144xf32, #tpu.memory_space<vmem_shared>>)
      tpu.yield
    }) : () -> ()
    %add3A_38 = arith.constant 448 : i32
    %add3A_39 = arith.addi %mul3A_10, %add3A_38 : i32
    "tpu.region"() ({
      %run_scoped3A = tpu.sem_alloc : memref<!tpu.dma_semaphore, #tpu.memory_space<semaphore_mem>>
      %dma_start3A_210 = arith.constant 0 : i32
      %dma_start3A_211 = tpu.memref_slice %arg22[%add3A_39, %dma_start3A_210] : memref<10000x144xf32, #tpu.memory_space<vmem_shared>> -> memref<32x144xf32, #tpu.memory_space<vmem_shared>>
      %dma_start3A_212 = arith.constant 0 : i32
      %dma_start3A_213 = tpu.memref_slice %arg22[%add3A_39, %dma_start3A_212] : memref<10000x144xf32, #tpu.memory_space<vmem_shared>> -> memref<32x144xf32, #tpu.memory_space<vmem_shared>>
      tpu.enqueue_dma source(%arg17 : memref<32x144xf32, #tpu.memory_space<vmem>>) target(%dma_start3A_213 : memref<32x144xf32, #tpu.memory_space<vmem_shared>>) target_semaphore(%run_scoped3A : memref<!tpu.dma_semaphore, #tpu.memory_space<semaphore_mem>>)
      %dma_wait3A_214 = arith.constant 0 : i32
      %dma_wait3A_215 = tpu.memref_slice %arg22[%add3A_39, %dma_wait3A_214] : memref<10000x144xf32, #tpu.memory_space<vmem_shared>> -> memref<32x144xf32, #tpu.memory_space<vmem_shared>>
      %dma_wait3A_216 = arith.constant 0 : i32
      %dma_wait3A_217 = tpu.memref_slice %arg22[%add3A_39, %dma_wait3A_216] : memref<10000x144xf32, #tpu.memory_space<vmem_shared>> -> memref<32x144xf32, #tpu.memory_space<vmem_shared>>
      tpu.wait_dma2 semaphore(%run_scoped3A : memref<!tpu.dma_semaphore, #tpu.memory_space<semaphore_mem>>) src(%arg17 : memref<32x144xf32, #tpu.memory_space<vmem>>) dst(%dma_wait3A_217 : memref<32x144xf32, #tpu.memory_space<vmem_shared>>)
      tpu.yield
    }) : () -> ()
    %add3A_40 = arith.constant 480 : i32
    %add3A_41 = arith.addi %mul3A_10, %add3A_40 : i32
    "tpu.region"() ({
      %run_scoped3A = tpu.sem_alloc : memref<!tpu.dma_semaphore, #tpu.memory_space<semaphore_mem>>
      %dma_start3A_210 = arith.constant 0 : i32
      %dma_start3A_211 = tpu.memref_slice %arg22[%add3A_41, %dma_start3A_210] : memref<10000x144xf32, #tpu.memory_space<vmem_shared>> -> memref<32x144xf32, #tpu.memory_space<vmem_shared>>
      %dma_start3A_212 = arith.constant 0 : i32
      %dma_start3A_213 = tpu.memref_slice %arg22[%add3A_41, %dma_start3A_212] : memref<10000x144xf32, #tpu.memory_space<vmem_shared>> -> memref<32x144xf32, #tpu.memory_space<vmem_shared>>
      tpu.enqueue_dma source(%arg17 : memref<32x144xf32, #tpu.memory_space<vmem>>) target(%dma_start3A_213 : memref<32x144xf32, #tpu.memory_space<vmem_shared>>) target_semaphore(%run_scoped3A : memref<!tpu.dma_semaphore, #tpu.memory_space<semaphore_mem>>)
      %dma_wait3A_214 = arith.constant 0 : i32
      %dma_wait3A_215 = tpu.memref_slice %arg22[%add3A_41, %dma_wait3A_214] : memref<10000x144xf32, #tpu.memory_space<vmem_shared>> -> memref<32x144xf32, #tpu.memory_space<vmem_shared>>
      %dma_wait3A_216 = arith.constant 0 : i32
      %dma_wait3A_217 = tpu.memref_slice %arg22[%add3A_41, %dma_wait3A_216] : memref<10000x144xf32, #tpu.memory_space<vmem_shared>> -> memref<32x144xf32, #tpu.memory_space<vmem_shared>>
      tpu.wait_dma2 semaphore(%run_scoped3A : memref<!tpu.dma_semaphore, #tpu.memory_space<semaphore_mem>>) src(%arg17 : memref<32x144xf32, #tpu.memory_space<vmem>>) dst(%dma_wait3A_217 : memref<32x144xf32, #tpu.memory_space<vmem_shared>>)
      tpu.yield
    }) : () -> ()
    %add3A_42 = arith.constant 512 : i32
    %add3A_43 = arith.addi %mul3A_10, %add3A_42 : i32
    "tpu.region"() ({
      %run_scoped3A = tpu.sem_alloc : memref<!tpu.dma_semaphore, #tpu.memory_space<semaphore_mem>>
      %dma_start3A_210 = arith.constant 0 : i32
      %dma_start3A_211 = tpu.memref_slice %arg22[%add3A_43, %dma_start3A_210] : memref<10000x144xf32, #tpu.memory_space<vmem_shared>> -> memref<32x144xf32, #tpu.memory_space<vmem_shared>>
      %dma_start3A_212 = arith.constant 0 : i32
      %dma_start3A_213 = tpu.memref_slice %arg22[%add3A_43, %dma_start3A_212] : memref<10000x144xf32, #tpu.memory_space<vmem_shared>> -> memref<32x144xf32, #tpu.memory_space<vmem_shared>>
      tpu.enqueue_dma source(%arg17 : memref<32x144xf32, #tpu.memory_space<vmem>>) target(%dma_start3A_213 : memref<32x144xf32, #tpu.memory_space<vmem_shared>>) target_semaphore(%run_scoped3A : memref<!tpu.dma_semaphore, #tpu.memory_space<semaphore_mem>>)
      %dma_wait3A_214 = arith.constant 0 : i32
      %dma_wait3A_215 = tpu.memref_slice %arg22[%add3A_43, %dma_wait3A_214] : memref<10000x144xf32, #tpu.memory_space<vmem_shared>> -> memref<32x144xf32, #tpu.memory_space<vmem_shared>>
      %dma_wait3A_216 = arith.constant 0 : i32
      %dma_wait3A_217 = tpu.memref_slice %arg22[%add3A_43, %dma_wait3A_216] : memref<10000x144xf32, #tpu.memory_space<vmem_shared>> -> memref<32x144xf32, #tpu.memory_space<vmem_shared>>
      tpu.wait_dma2 semaphore(%run_scoped3A : memref<!tpu.dma_semaphore, #tpu.memory_space<semaphore_mem>>) src(%arg17 : memref<32x144xf32, #tpu.memory_space<vmem>>) dst(%dma_wait3A_217 : memref<32x144xf32, #tpu.memory_space<vmem_shared>>)
      tpu.yield
    }) : () -> ()
    %add3A_44 = arith.constant 544 : i32
    %add3A_45 = arith.addi %mul3A_10, %add3A_44 : i32
    "tpu.region"() ({
      %run_scoped3A = tpu.sem_alloc : memref<!tpu.dma_semaphore, #tpu.memory_space<semaphore_mem>>
      %dma_start3A_210 = arith.constant 0 : i32
      %dma_start3A_211 = tpu.memref_slice %arg22[%add3A_45, %dma_start3A_210] : memref<10000x144xf32, #tpu.memory_space<vmem_shared>> -> memref<32x144xf32, #tpu.memory_space<vmem_shared>>
      %dma_start3A_212 = arith.constant 0 : i32
      %dma_start3A_213 = tpu.memref_slice %arg22[%add3A_45, %dma_start3A_212] : memref<10000x144xf32, #tpu.memory_space<vmem_shared>> -> memref<32x144xf32, #tpu.memory_space<vmem_shared>>
      tpu.enqueue_dma source(%arg17 : memref<32x144xf32, #tpu.memory_space<vmem>>) target(%dma_start3A_213 : memref<32x144xf32, #tpu.memory_space<vmem_shared>>) target_semaphore(%run_scoped3A : memref<!tpu.dma_semaphore, #tpu.memory_space<semaphore_mem>>)
      %dma_wait3A_214 = arith.constant 0 : i32
      %dma_wait3A_215 = tpu.memref_slice %arg22[%add3A_45, %dma_wait3A_214] : memref<10000x144xf32, #tpu.memory_space<vmem_shared>> -> memref<32x144xf32, #tpu.memory_space<vmem_shared>>
      %dma_wait3A_216 = arith.constant 0 : i32
      %dma_wait3A_217 = tpu.memref_slice %arg22[%add3A_45, %dma_wait3A_216] : memref<10000x144xf32, #tpu.memory_space<vmem_shared>> -> memref<32x144xf32, #tpu.memory_space<vmem_shared>>
      tpu.wait_dma2 semaphore(%run_scoped3A : memref<!tpu.dma_semaphore, #tpu.memory_space<semaphore_mem>>) src(%arg17 : memref<32x144xf32, #tpu.memory_space<vmem>>) dst(%dma_wait3A_217 : memref<32x144xf32, #tpu.memory_space<vmem_shared>>)
      tpu.yield
    }) : () -> ()
    %add3A_46 = arith.constant 576 : i32
    %add3A_47 = arith.addi %mul3A_10, %add3A_46 : i32
    "tpu.region"() ({
      %run_scoped3A = tpu.sem_alloc : memref<!tpu.dma_semaphore, #tpu.memory_space<semaphore_mem>>
      %dma_start3A_210 = arith.constant 0 : i32
      %dma_start3A_211 = tpu.memref_slice %arg22[%add3A_47, %dma_start3A_210] : memref<10000x144xf32, #tpu.memory_space<vmem_shared>> -> memref<32x144xf32, #tpu.memory_space<vmem_shared>>
      %dma_start3A_212 = arith.constant 0 : i32
      %dma_start3A_213 = tpu.memref_slice %arg22[%add3A_47, %dma_start3A_212] : memref<10000x144xf32, #tpu.memory_space<vmem_shared>> -> memref<32x144xf32, #tpu.memory_space<vmem_shared>>
      tpu.enqueue_dma source(%arg17 : memref<32x144xf32, #tpu.memory_space<vmem>>) target(%dma_start3A_213 : memref<32x144xf32, #tpu.memory_space<vmem_shared>>) target_semaphore(%run_scoped3A : memref<!tpu.dma_semaphore, #tpu.memory_space<semaphore_mem>>)
      %dma_wait3A_214 = arith.constant 0 : i32
      %dma_wait3A_215 = tpu.memref_slice %arg22[%add3A_47, %dma_wait3A_214] : memref<10000x144xf32, #tpu.memory_space<vmem_shared>> -> memref<32x144xf32, #tpu.memory_space<vmem_shared>>
      %dma_wait3A_216 = arith.constant 0 : i32
      %dma_wait3A_217 = tpu.memref_slice %arg22[%add3A_47, %dma_wait3A_216] : memref<10000x144xf32, #tpu.memory_space<vmem_shared>> -> memref<32x144xf32, #tpu.memory_space<vmem_shared>>
      tpu.wait_dma2 semaphore(%run_scoped3A : memref<!tpu.dma_semaphore, #tpu.memory_space<semaphore_mem>>) src(%arg17 : memref<32x144xf32, #tpu.memory_space<vmem>>) dst(%dma_wait3A_217 : memref<32x144xf32, #tpu.memory_space<vmem_shared>>)
      tpu.yield
    }) : () -> ()
    %add3A_48 = arith.constant 608 : i32
    %add3A_49 = arith.addi %mul3A_10, %add3A_48 : i32
    "tpu.region"() ({
      %run_scoped3A = tpu.sem_alloc : memref<!tpu.dma_semaphore, #tpu.memory_space<semaphore_mem>>
      %dma_start3A_210 = arith.constant 0 : i32
      %dma_start3A_211 = arith.constant 0 : i32
      %dma_start3A_212 = tpu.memref_slice %arg17[%dma_start3A_210, %dma_start3A_211] : memref<32x144xf32, #tpu.memory_space<vmem>> -> memref<17x144xf32, #tpu.memory_space<vmem>>
      %dma_start3A_213 = arith.constant 0 : i32
      %dma_start3A_214 = tpu.memref_slice %arg22[%add3A_49, %dma_start3A_213] : memref<10000x144xf32, #tpu.memory_space<vmem_shared>> -> memref<17x144xf32, #tpu.memory_space<vmem_shared>>
      %dma_start3A_215 = arith.constant 0 : i32
      %dma_start3A_216 = tpu.memref_slice %arg22[%add3A_49, %dma_start3A_215] : memref<10000x144xf32, #tpu.memory_space<vmem_shared>> -> memref<17x144xf32, #tpu.memory_space<vmem_shared>>
      %dma_start3A_217 = arith.constant 0 : i32
      %dma_start3A_218 = arith.constant 0 : i32
      %dma_start3A_219 = tpu.memref_slice %arg17[%dma_start3A_217, %dma_start3A_218] : memref<32x144xf32, #tpu.memory_space<vmem>> -> memref<17x144xf32, #tpu.memory_space<vmem>>
      tpu.enqueue_dma source(%dma_start3A_219 : memref<17x144xf32, #tpu.memory_space<vmem>>) target(%dma_start3A_216 : memref<17x144xf32, #tpu.memory_space<vmem_shared>>) target_semaphore(%run_scoped3A : memref<!tpu.dma_semaphore, #tpu.memory_space<semaphore_mem>>)
      %dma_wait3A_220 = arith.constant 0 : i32
      %dma_wait3A_221 = arith.constant 0 : i32
      %dma_wait3A_222 = tpu.memref_slice %arg17[%dma_wait3A_220, %dma_wait3A_221] : memref<32x144xf32, #tpu.memory_space<vmem>> -> memref<17x144xf32, #tpu.memory_space<vmem>>
      %dma_wait3A_223 = arith.constant 0 : i32
      %dma_wait3A_224 = tpu.memref_slice %arg22[%add3A_49, %dma_wait3A_223] : memref<10000x144xf32, #tpu.memory_space<vmem_shared>> -> memref<17x144xf32, #tpu.memory_space<vmem_shared>>
      %dma_wait3A_225 = arith.constant 0 : i32
      %dma_wait3A_226 = tpu.memref_slice %arg22[%add3A_49, %dma_wait3A_225] : memref<10000x144xf32, #tpu.memory_space<vmem_shared>> -> memref<17x144xf32, #tpu.memory_space<vmem_shared>>
      %dma_wait3A_227 = arith.constant 0 : i32
      %dma_wait3A_228 = arith.constant 0 : i32
      %dma_wait3A_229 = tpu.memref_slice %arg17[%dma_wait3A_227, %dma_wait3A_228] : memref<32x144xf32, #tpu.memory_space<vmem>> -> memref<17x144xf32, #tpu.memory_space<vmem>>
      tpu.wait_dma2 semaphore(%run_scoped3A : memref<!tpu.dma_semaphore, #tpu.memory_space<semaphore_mem>>) src(%dma_wait3A_229 : memref<17x144xf32, #tpu.memory_space<vmem>>) dst(%dma_wait3A_226 : memref<17x144xf32, #tpu.memory_space<vmem_shared>>)
      tpu.yield
    }) : () -> ()
    %scan3A_50 = arith.constant 0 : i32
    %scan3A_51 = arith.constant 0 : i32
    %scan3A_52 = arith.constant 625 : i32
    %scan3A_53 = arith.addi %scan3A_51, %scan3A_52 : i32
    %scan3A_54 = arith.constant 1 : i32
    %scan3A_55 = scf.for %scan3A_210 = %scan3A_51 to %scan3A_53 step %scan3A_54 iter_args(%scan3A_211 = %scan3A_50) -> (i32)  : i32 {
      %broadcast_in_dim3A_212 = arith.constant 0 : i32
      %broadcast_in_dim3A_213 = vector.broadcast %broadcast_in_dim3A_212 : i32 to vector<16xi32>
      %mul3A_214 = arith.constant 16 : i32
      %mul3A_215 = arith.muli %scan3A_210, %mul3A_214 : i32
      %swap3A_216 = arith.index_cast %mul3A_215 : i32 to index
      %swap3A_217 = tpu.vector_load %arg21[%swap3A_216] {strides = array<i32>} : memref<10000xi32, #tpu.memory_space<vmem>>, vector<16xi32>,
      tpu.vector_store %arg21[%swap3A_216], %broadcast_in_dim3A_213 {strides = array<i32>} : memref<10000xi32, #tpu.memory_space<vmem>>, vector<16xi32>,
      %scan3A_218 = arith.constant 0 : i32
      scf.yield %scan3A_218 : i32
    }
    %scan3A_56 = arith.constant 625 : i32
    %barrier3A = arith.constant 0 : index
    tpu.barrier barrier_id(%barrier3A)
    %broadcast_in_dim3A = arith.constant 1 : i32
    %broadcast_in_dim3A_57 = vector.broadcast %broadcast_in_dim3A : i32 to vector<16xi32>
    %add3A_58 = arith.constant 0 : i32
    %add3A_59 = arith.addi %mul3A_2, %add3A_58 : i32
    %mul3A_60 = arith.constant 32 : i32
    %mul3A_61 = arith.muli %add3A_59, %mul3A_60 : i32
    %dma_start3A = tpu.memref_slice %arg2[%mul3A_61] : memref<320000xi32, #tpu.memory_space<hbm>> -> memref<32xi32, #tpu.memory_space<hbm>>
    %dma_start3A_62 = tpu.memref_slice %arg2[%mul3A_61] : memref<320000xi32, #tpu.memory_space<hbm>> -> memref<32xi32, #tpu.memory_space<hbm>>
    tpu.enqueue_dma source(%dma_start3A_62 : memref<32xi32, #tpu.memory_space<hbm>>) target(%arg9 : memref<32xi32, #tpu.memory_space<vmem>>) target_semaphore(%arg31 : memref<!tpu.dma_semaphore, #tpu.memory_space<semaphore_mem>>)
    %add3A_63 = arith.constant 0 : i32
    %add3A_64 = arith.addi %mul3A_2, %add3A_63 : i32
    %mul3A_65 = arith.constant 32 : i32
    %mul3A_66 = arith.muli %add3A_64, %mul3A_65 : i32
    %dma_start3A_67 = tpu.memref_slice %arg3[%mul3A_66] : memref<320000xi32, #tpu.memory_space<hbm>> -> memref<32xi32, #tpu.memory_space<hbm>>
    %dma_start3A_68 = tpu.memref_slice %arg3[%mul3A_66] : memref<320000xi32, #tpu.memory_space<hbm>> -> memref<32xi32, #tpu.memory_space<hbm>>
    tpu.enqueue_dma source(%dma_start3A_68 : memref<32xi32, #tpu.memory_space<hbm>>) target(%arg13 : memref<32xi32, #tpu.memory_space<vmem>>) target_semaphore(%arg35 : memref<!tpu.dma_semaphore, #tpu.memory_space<semaphore_mem>>)
    %add3A_69 = arith.constant 1 : i32
    %add3A_70 = arith.addi %mul3A_2, %add3A_69 : i32
    %mul3A_71 = arith.constant 32 : i32
    %mul3A_72 = arith.muli %add3A_70, %mul3A_71 : i32
    %dma_start3A_73 = tpu.memref_slice %arg2[%mul3A_72] : memref<320000xi32, #tpu.memory_space<hbm>> -> memref<32xi32, #tpu.memory_space<hbm>>
    %dma_start3A_74 = tpu.memref_slice %arg2[%mul3A_72] : memref<320000xi32, #tpu.memory_space<hbm>> -> memref<32xi32, #tpu.memory_space<hbm>>
    tpu.enqueue_dma source(%dma_start3A_74 : memref<32xi32, #tpu.memory_space<hbm>>) target(%arg10 : memref<32xi32, #tpu.memory_space<vmem>>) target_semaphore(%arg32 : memref<!tpu.dma_semaphore, #tpu.memory_space<semaphore_mem>>)
    %add3A_75 = arith.constant 1 : i32
    %add3A_76 = arith.addi %mul3A_2, %add3A_75 : i32
    %mul3A_77 = arith.constant 32 : i32
    %mul3A_78 = arith.muli %add3A_76, %mul3A_77 : i32
    %dma_start3A_79 = tpu.memref_slice %arg3[%mul3A_78] : memref<320000xi32, #tpu.memory_space<hbm>> -> memref<32xi32, #tpu.memory_space<hbm>>
    %dma_start3A_80 = tpu.memref_slice %arg3[%mul3A_78] : memref<320000xi32, #tpu.memory_space<hbm>> -> memref<32xi32, #tpu.memory_space<hbm>>
    tpu.enqueue_dma source(%dma_start3A_80 : memref<32xi32, #tpu.memory_space<hbm>>) target(%arg14 : memref<32xi32, #tpu.memory_space<vmem>>) target_semaphore(%arg36 : memref<!tpu.dma_semaphore, #tpu.memory_space<semaphore_mem>>)
    %add3A_81 = arith.constant 0 : i32
    %add3A_82 = arith.addi %mul3A_2, %add3A_81 : i32
    %mul3A_83 = arith.constant 32 : i32
    %mul3A_84 = arith.muli %add3A_82, %mul3A_83 : i32
    %dma_wait3A = tpu.memref_slice %arg2[%mul3A_84] : memref<320000xi32, #tpu.memory_space<hbm>> -> memref<32xi32, #tpu.memory_space<hbm>>
    %dma_wait3A_85 = tpu.memref_slice %arg2[%mul3A_84] : memref<320000xi32, #tpu.memory_space<hbm>> -> memref<32xi32, #tpu.memory_space<hbm>>
    tpu.wait_dma2 semaphore(%arg31 : memref<!tpu.dma_semaphore, #tpu.memory_space<semaphore_mem>>) src(%dma_wait3A_85 : memref<32xi32, #tpu.memory_space<hbm>>) dst(%arg9 : memref<32xi32, #tpu.memory_space<vmem>>)
    %add3A_86 = arith.constant 0 : i32
    %add3A_87 = arith.addi %mul3A_2, %add3A_86 : i32
    %mul3A_88 = arith.constant 32 : i32
    %mul3A_89 = arith.muli %add3A_87, %mul3A_88 : i32
    %dma_wait3A_90 = tpu.memref_slice %arg3[%mul3A_89] : memref<320000xi32, #tpu.memory_space<hbm>> -> memref<32xi32, #tpu.memory_space<hbm>>
    %dma_wait3A_91 = tpu.memref_slice %arg3[%mul3A_89] : memref<320000xi32, #tpu.memory_space<hbm>> -> memref<32xi32, #tpu.memory_space<hbm>>
    tpu.wait_dma2 semaphore(%arg35 : memref<!tpu.dma_semaphore, #tpu.memory_space<semaphore_mem>>) src(%dma_wait3A_91 : memref<32xi32, #tpu.memory_space<hbm>>) dst(%arg13 : memref<32xi32, #tpu.memory_space<vmem>>)
    %get3A = arith.constant 0 : index
    %get3A_92 = tpu.vector_load %arg9[%get3A] {strides = array<i32>} : memref<32xi32, #tpu.memory_space<vmem>>, vector<16xi32>,
    %add3A_93 = vector.broadcast %mul3A_0 : i32 to vector<16xi32>
    %add3A_94 = arith.addi %get3A_92, %add3A_93 : vector<16xi32>
    %swap3A = arith.constant 0 : index
    %swap3A_95 = tpu.vector_load %arg9[%swap3A] {strides = array<i32>} : memref<32xi32, #tpu.memory_space<vmem>>, vector<16xi32>,
    tpu.vector_store %arg9[%swap3A], %add3A_94 {strides = array<i32>} : memref<32xi32, #tpu.memory_space<vmem>>, vector<16xi32>,
    %get3A_96 = arith.constant 16 : index
    %get3A_97 = tpu.vector_load %arg9[%get3A_96] {strides = array<i32>} : memref<32xi32, #tpu.memory_space<vmem>>, vector<16xi32>,
    %add3A_98 = vector.broadcast %mul3A_0 : i32 to vector<16xi32>
    %add3A_99 = arith.addi %get3A_97, %add3A_98 : vector<16xi32>
    %swap3A_100 = arith.constant 16 : index
    %swap3A_101 = tpu.vector_load %arg9[%swap3A_100] {strides = array<i32>} : memref<32xi32, #tpu.memory_space<vmem>>, vector<16xi32>,
    tpu.vector_store %arg9[%swap3A_100], %add3A_99 {strides = array<i32>} : memref<32xi32, #tpu.memory_space<vmem>>, vector<16xi32>,
    %dma_start3A_102 = arith.constant 0 : i32
    %dma_start3A_103 = arith.constant 0 : i32
    %dma_start3A_104 = tpu.memref_slice %arg4[%dma_start3A_102, %dma_start3A_103] : memref<20000x144xf32, #tpu.memory_space<hbm>> -> memref<20000x144xf32, #tpu.memory_space<hbm>>
    tpu.enqueue_indirect_dma source(%dma_start3A_104 : memref<20000x144xf32, #tpu.memory_space<hbm>>) target(%arg17 : memref<32x144xf32, #tpu.memory_space<vmem>>) offsets(%arg9 : memref<32xi32, #tpu.memory_space<vmem>>) semaphore(%arg23 : memref<!tpu.dma_semaphore, #tpu.memory_space<semaphore_mem>>)
    %mul3A_105 = arith.constant 320000 : i32
    %mul3A_106 = arith.muli %arg0, %mul3A_105 : i32
    %add3A_107 = arith.constant 0 : i32
    %add3A_108 = arith.addi %mul3A_2, %add3A_107 : i32
    %mul3A_109 = arith.constant 32 : i32
    %mul3A_110 = arith.muli %add3A_108, %mul3A_109 : i32
    %add3A_111 = arith.addi %mul3A_106, %mul3A_110 : i32
    %dma_start3A_112 = arith.constant 0 : i32
    %dma_start3A_113 = arith.constant 0 : i32
    %dma_start3A_114 = tpu.memref_slice %arg19[%dma_start3A_112, %dma_start3A_113] : memref<32x144xf32, #tpu.memory_space<vmem>> -> memref<32x128xf32, #tpu.memory_space<vmem>>
    %dma_start3A_115 = arith.constant 0 : i32
    %dma_start3A_116 = tpu.memref_slice %arg5[%add3A_111, %dma_start3A_115] : memref<640000x128xf32, #tpu.memory_space<hbm>> -> memref<32x128xf32, #tpu.memory_space<hbm>>
    %dma_start3A_117 = arith.constant 0 : i32
    %dma_start3A_118 = arith.constant 0 : i32
    %dma_start3A_119 = tpu.memref_slice %arg19[%dma_start3A_117, %dma_start3A_118] : memref<32x144xf32, #tpu.memory_space<vmem>> -> memref<32x128xf32, #tpu.memory_space<vmem>>
    %dma_start3A_120 = arith.constant 0 : i32
    %dma_start3A_121 = tpu.memref_slice %arg5[%add3A_111, %dma_start3A_120] : memref<640000x128xf32, #tpu.memory_space<hbm>> -> memref<32x128xf32, #tpu.memory_space<hbm>>
    tpu.enqueue_dma source(%dma_start3A_121 : memref<32x128xf32, #tpu.memory_space<hbm>>) target(%dma_start3A_119 : memref<32x128xf32, #tpu.memory_space<vmem>>) target_semaphore(%arg25 : memref<!tpu.dma_semaphore, #tpu.memory_space<semaphore_mem>>)
    %mul3A_122 = arith.constant 320000 : i32
    %mul3A_123 = arith.muli %arg0, %mul3A_122 : i32
    %add3A_124 = arith.constant 0 : i32
    %add3A_125 = arith.addi %mul3A_2, %add3A_124 : i32
    %mul3A_126 = arith.constant 32 : i32
    %mul3A_127 = arith.muli %add3A_125, %mul3A_126 : i32
    %add3A_128 = arith.addi %mul3A_123, %mul3A_127 : i32
    %dma_start3A_129 = arith.constant 0 : i32
    %dma_start3A_130 = arith.constant 128 : i32
    %dma_start3A_131 = tpu.memref_slice %arg19[%dma_start3A_129, %dma_start3A_130] : memref<32x144xf32, #tpu.memory_space<vmem>> -> memref<32x16xf32, #tpu.memory_space<vmem>>
    %dma_start3A_132 = arith.constant 0 : i32
    %dma_start3A_133 = tpu.memref_slice %arg6[%add3A_128, %dma_start3A_132] : memref<640000x16xf32, #tpu.memory_space<hbm>> -> memref<32x16xf32, #tpu.memory_space<hbm>>
    %dma_start3A_134 = arith.constant 0 : i32
    %dma_start3A_135 = arith.constant 128 : i32
    %dma_start3A_136 = tpu.memref_slice %arg19[%dma_start3A_134, %dma_start3A_135] : memref<32x144xf32, #tpu.memory_space<vmem>> -> memref<32x16xf32, #tpu.memory_space<vmem>>
    %dma_start3A_137 = arith.constant 0 : i32
    %dma_start3A_138 = tpu.memref_slice %arg6[%add3A_128, %dma_start3A_137] : memref<640000x16xf32, #tpu.memory_space<hbm>> -> memref<32x16xf32, #tpu.memory_space<hbm>>
    tpu.enqueue_dma source(%dma_start3A_138 : memref<32x16xf32, #tpu.memory_space<hbm>>) target(%dma_start3A_136 : memref<32x16xf32, #tpu.memory_space<vmem>>) target_semaphore(%arg27 : memref<!tpu.dma_semaphore, #tpu.memory_space<semaphore_mem>>)
    %scan3A_139 = arith.constant 0 : i32
    %scan3A_140 = arith.constant 0 : i32
    %scan3A_141 = arith.constant 156 : i32
    %scan3A_142 = arith.addi %scan3A_140, %scan3A_141 : i32
    %scan3A_143 = arith.constant 1 : i32
    %scan3A_144 = scf.for %scan3A_210 = %scan3A_140 to %scan3A_142 step %scan3A_143 iter_args(%scan3A_211 = %scan3A_139) -> (i32)  : i32 {
      %mul3A_212 = arith.constant 4 : i32
      %mul3A_213 = arith.muli %scan3A_210, %mul3A_212 : i32
      %add3A_214 = arith.constant 0 : i32
      %add3A_215 = arith.addi %mul3A_213, %add3A_214 : i32
      %ge3A = arith.constant 1 : i32
      %ge3A_216 = arith.cmpi sge, %add3A_215, %ge3A : i32
      %convert_element_type3A = arith.extui %ge3A_216 : i1 to i32
      %cond3A = arith.constant 0 : i32
      %cond3A_217 = arith.cmpi ne, %convert_element_type3A, %cond3A : i32
      scf.if %cond3A_217 {
        %dma_wait3A_713 = arith.constant 0 : i32
        %dma_wait3A_714 = arith.constant 0 : i32
        %dma_wait3A_715 = tpu.memref_slice %arg22[%dma_wait3A_713, %dma_wait3A_714] : memref<10000x144xf32, #tpu.memory_space<vmem_shared>> -> memref<10000x144xf32, #tpu.memory_space<vmem_shared>>
        tpu.wait_indirect_dma semaphore(%arg30 : memref<!tpu.dma_semaphore, #tpu.memory_space<semaphore_mem>>) src(%arg18 : memref<32x144xf32, #tpu.memory_space<vmem>>) dst(%dma_wait3A_715 : memref<10000x144xf32, #tpu.memory_space<vmem_shared>>)
      } else {
      }
      %add3A_218 = arith.constant 1 : i32
      %add3A_219 = arith.addi %add3A_215, %add3A_218 : i32
      %add3A_220 = arith.addi %mul3A_2, %add3A_219 : i32
      %mul3A_221 = arith.constant 32 : i32
      %mul3A_222 = arith.muli %add3A_220, %mul3A_221 : i32
      %dma_wait3A_223 = tpu.memref_slice %arg2[%mul3A_222] : memref<320000xi32, #tpu.memory_space<hbm>> -> memref<32xi32, #tpu.memory_space<hbm>>
      %dma_wait3A_224 = tpu.memref_slice %arg2[%mul3A_222] : memref<320000xi32, #tpu.memory_space<hbm>> -> memref<32xi32, #tpu.memory_space<hbm>>
      tpu.wait_dma2 semaphore(%arg32 : memref<!tpu.dma_semaphore, #tpu.memory_space<semaphore_mem>>) src(%dma_wait3A_224 : memref<32xi32, #tpu.memory_space<hbm>>) dst(%arg10 : memref<32xi32, #tpu.memory_space<vmem>>)
      %add3A_225 = arith.addi %mul3A_2, %add3A_219 : i32
      %mul3A_226 = arith.constant 32 : i32
      %mul3A_227 = arith.muli %add3A_225, %mul3A_226 : i32
      %dma_wait3A_228 = tpu.memref_slice %arg3[%mul3A_227] : memref<320000xi32, #tpu.memory_space<hbm>> -> memref<32xi32, #tpu.memory_space<hbm>>
      %dma_wait3A_229 = tpu.memref_slice %arg3[%mul3A_227] : memref<320000xi32, #tpu.memory_space<hbm>> -> memref<32xi32, #tpu.memory_space<hbm>>
      tpu.wait_dma2 semaphore(%arg36 : memref<!tpu.dma_semaphore, #tpu.memory_space<semaphore_mem>>) src(%dma_wait3A_229 : memref<32xi32, #tpu.memory_space<hbm>>) dst(%arg14 : memref<32xi32, #tpu.memory_space<vmem>>)
      %get3A_230 = arith.constant 0 : index
      %get3A_231 = tpu.vector_load %arg10[%get3A_230] {strides = array<i32>} : memref<32xi32, #tpu.memory_space<vmem>>, vector<16xi32>,
      %add3A_232 = vector.broadcast %mul3A_0 : i32 to vector<16xi32>
      %add3A_233 = arith.addi %get3A_231, %add3A_232 : vector<16xi32>
      %swap3A_234 = arith.constant 0 : index
      %swap3A_235 = tpu.vector_load %arg10[%swap3A_234] {strides = array<i32>} : memref<32xi32, #tpu.memory_space<vmem>>, vector<16xi32>,
      tpu.vector_store %arg10[%swap3A_234], %add3A_233 {strides = array<i32>} : memref<32xi32, #tpu.memory_space<vmem>>, vector<16xi32>,
      %get3A_236 = arith.constant 16 : index
      %get3A_237 = tpu.vector_load %arg10[%get3A_236] {strides = array<i32>} : memref<32xi32, #tpu.memory_space<vmem>>, vector<16xi32>,
      %add3A_238 = vector.broadcast %mul3A_0 : i32 to vector<16xi32>
      %add3A_239 = arith.addi %get3A_237, %add3A_238 : vector<16xi32>
      %swap3A_240 = arith.constant 16 : index
      %swap3A_241 = tpu.vector_load %arg10[%swap3A_240] {strides = array<i32>} : memref<32xi32, #tpu.memory_space<vmem>>, vector<16xi32>,
      tpu.vector_store %arg10[%swap3A_240], %add3A_239 {strides = array<i32>} : memref<32xi32, #tpu.memory_space<vmem>>, vector<16xi32>,
      %add3A_242 = arith.constant 1 : i32
      %add3A_243 = arith.addi %add3A_215, %add3A_242 : i32
      %dma_start3A_244 = arith.constant 0 : i32
      %dma_start3A_245 = arith.constant 0 : i32
      %dma_start3A_246 = tpu.memref_slice %arg4[%dma_start3A_244, %dma_start3A_245] : memref<20000x144xf32, #tpu.memory_space<hbm>> -> memref<20000x144xf32, #tpu.memory_space<hbm>>
      tpu.enqueue_indirect_dma source(%dma_start3A_246 : memref<20000x144xf32, #tpu.memory_space<hbm>>) target(%arg18 : memref<32x144xf32, #tpu.memory_space<vmem>>) offsets(%arg10 : memref<32xi32, #tpu.memory_space<vmem>>) semaphore(%arg24 : memref<!tpu.dma_semaphore, #tpu.memory_space<semaphore_mem>>)
      %mul3A_247 = arith.constant 320000 : i32
      %mul3A_248 = arith.muli %arg0, %mul3A_247 : i32
      %add3A_249 = arith.addi %mul3A_2, %add3A_243 : i32
      %mul3A_250 = arith.constant 32 : i32
      %mul3A_251 = arith.muli %add3A_249, %mul3A_250 : i32
      %add3A_252 = arith.addi %mul3A_248, %mul3A_251 : i32
      %dma_start3A_253 = arith.constant 0 : i32
      %dma_start3A_254 = arith.constant 0 : i32
      %dma_start3A_255 = tpu.memref_slice %arg20[%dma_start3A_253, %dma_start3A_254] : memref<32x144xf32, #tpu.memory_space<vmem>> -> memref<32x128xf32, #tpu.memory_space<vmem>>
      %dma_start3A_256 = arith.constant 0 : i32
      %dma_start3A_257 = tpu.memref_slice %arg5[%add3A_252, %dma_start3A_256] : memref<640000x128xf32, #tpu.memory_space<hbm>> -> memref<32x128xf32, #tpu.memory_space<hbm>>
      %dma_start3A_258 = arith.constant 0 : i32
      %dma_start3A_259 = arith.constant 0 : i32
      %dma_start3A_260 = tpu.memref_slice %arg20[%dma_start3A_258, %dma_start3A_259] : memref<32x144xf32, #tpu.memory_space<vmem>> -> memref<32x128xf32, #tpu.memory_space<vmem>>
      %dma_start3A_261 = arith.constant 0 : i32
      %dma_start3A_262 = tpu.memref_slice %arg5[%add3A_252, %dma_start3A_261] : memref<640000x128xf32, #tpu.memory_space<hbm>> -> memref<32x128xf32, #tpu.memory_space<hbm>>
      tpu.enqueue_dma source(%dma_start3A_262 : memref<32x128xf32, #tpu.memory_space<hbm>>) target(%dma_start3A_260 : memref<32x128xf32, #tpu.memory_space<vmem>>) target_semaphore(%arg26 : memref<!tpu.dma_semaphore, #tpu.memory_space<semaphore_mem>>)
      %mul3A_263 = arith.constant 320000 : i32
      %mul3A_264 = arith.muli %arg0, %mul3A_263 : i32
      %add3A_265 = arith.addi %mul3A_2, %add3A_243 : i32
      %mul3A_266 = arith.constant 32 : i32
      %mul3A_267 = arith.muli %add3A_265, %mul3A_266 : i32
      %add3A_268 = arith.addi %mul3A_264, %mul3A_267 : i32
      %dma_start3A_269 = arith.constant 0 : i32
      %dma_start3A_270 = arith.constant 128 : i32
      %dma_start3A_271 = tpu.memref_slice %arg20[%dma_start3A_269, %dma_start3A_270] : memref<32x144xf32, #tpu.memory_space<vmem>> -> memref<32x16xf32, #tpu.memory_space<vmem>>
      %dma_start3A_272 = arith.constant 0 : i32
      %dma_start3A_273 = tpu.memref_slice %arg6[%add3A_268, %dma_start3A_272] : memref<640000x16xf32, #tpu.memory_space<hbm>> -> memref<32x16xf32, #tpu.memory_space<hbm>>
      %dma_start3A_274 = arith.constant 0 : i32
      %dma_start3A_275 = arith.constant 128 : i32
      %dma_start3A_276 = tpu.memref_slice %arg20[%dma_start3A_274, %dma_start3A_275] : memref<32x144xf32, #tpu.memory_space<vmem>> -> memref<32x16xf32, #tpu.memory_space<vmem>>
      %dma_start3A_277 = arith.constant 0 : i32
      %dma_start3A_278 = tpu.memref_slice %arg6[%add3A_268, %dma_start3A_277] : memref<640000x16xf32, #tpu.memory_space<hbm>> -> memref<32x16xf32, #tpu.memory_space<hbm>>
      tpu.enqueue_dma source(%dma_start3A_278 : memref<32x16xf32, #tpu.memory_space<hbm>>) target(%dma_start3A_276 : memref<32x16xf32, #tpu.memory_space<vmem>>) target_semaphore(%arg28 : memref<!tpu.dma_semaphore, #tpu.memory_space<semaphore_mem>>)
      %add3A_279 = arith.constant 2 : i32
      %add3A_280 = arith.addi %add3A_215, %add3A_279 : i32
      %le3A = arith.constant 624 : i32
      %le3A_281 = arith.cmpi sle, %add3A_280, %le3A : i32
      %convert_element_type3A_282 = arith.extui %le3A_281 : i1 to i32
      %cond3A_283 = arith.constant 0 : i32
      %cond3A_284 = arith.cmpi ne, %convert_element_type3A_282, %cond3A_283 : i32
      scf.if %cond3A_284 {
        %add3A_713 = arith.constant 2 : i32
        %add3A_714 = arith.addi %add3A_215, %add3A_713 : i32
        %add3A_715 = arith.addi %mul3A_2, %add3A_714 : i32
        %mul3A_716 = arith.constant 32 : i32
        %mul3A_717 = arith.muli %add3A_715, %mul3A_716 : i32
        %dma_start3A_718 = tpu.memref_slice %arg2[%mul3A_717] : memref<320000xi32, #tpu.memory_space<hbm>> -> memref<32xi32, #tpu.memory_space<hbm>>
        %dma_start3A_719 = tpu.memref_slice %arg2[%mul3A_717] : memref<320000xi32, #tpu.memory_space<hbm>> -> memref<32xi32, #tpu.memory_space<hbm>>
        tpu.enqueue_dma source(%dma_start3A_719 : memref<32xi32, #tpu.memory_space<hbm>>) target(%arg11 : memref<32xi32, #tpu.memory_space<vmem>>) target_semaphore(%arg33 : memref<!tpu.dma_semaphore, #tpu.memory_space<semaphore_mem>>)
        %add3A_720 = arith.addi %mul3A_2, %add3A_714 : i32
        %mul3A_721 = arith.constant 32 : i32
        %mul3A_722 = arith.muli %add3A_720, %mul3A_721 : i32
        %dma_start3A_723 = tpu.memref_slice %arg3[%mul3A_722] : memref<320000xi32, #tpu.memory_space<hbm>> -> memref<32xi32, #tpu.memory_space<hbm>>
        %dma_start3A_724 = tpu.memref_slice %arg3[%mul3A_722] : memref<320000xi32, #tpu.memory_space<hbm>> -> memref<32xi32, #tpu.memory_space<hbm>>
        tpu.enqueue_dma source(%dma_start3A_724 : memref<32xi32, #tpu.memory_space<hbm>>) target(%arg15 : memref<32xi32, #tpu.memory_space<vmem>>) target_semaphore(%arg37 : memref<!tpu.dma_semaphore, #tpu.memory_space<semaphore_mem>>)
      } else {
      }
      %dma_wait3A_285 = arith.constant 0 : i32
      %dma_wait3A_286 = arith.constant 0 : i32
      %dma_wait3A_287 = tpu.memref_slice %arg4[%dma_wait3A_285, %dma_wait3A_286] : memref<20000x144xf32, #tpu.memory_space<hbm>> -> memref<20000x144xf32, #tpu.memory_space<hbm>>
      tpu.wait_indirect_dma semaphore(%arg23 : memref<!tpu.dma_semaphore, #tpu.memory_space<semaphore_mem>>) src(%dma_wait3A_287 : memref<20000x144xf32, #tpu.memory_space<hbm>>) dst(%arg17 : memref<32x144xf32, #tpu.memory_space<vmem>>)
      %mul3A_288 = arith.constant 320000 : i32
      %mul3A_289 = arith.muli %arg0, %mul3A_288 : i32
      %add3A_290 = arith.addi %mul3A_2, %add3A_215 : i32
      %mul3A_291 = arith.constant 32 : i32
      %mul3A_292 = arith.muli %add3A_290, %mul3A_291 : i32
      %add3A_293 = arith.addi %mul3A_289, %mul3A_292 : i32
      %dma_wait3A_294 = arith.constant 0 : i32
      %dma_wait3A_295 = arith.constant 0 : i32
      %dma_wait3A_296 = tpu.memref_slice %arg19[%dma_wait3A_294, %dma_wait3A_295] : memref<32x144xf32, #tpu.memory_space<vmem>> -> memref<32x128xf32, #tpu.memory_space<vmem>>
      %dma_wait3A_297 = arith.constant 0 : i32
      %dma_wait3A_298 = tpu.memref_slice %arg5[%add3A_293, %dma_wait3A_297] : memref<640000x128xf32, #tpu.memory_space<hbm>> -> memref<32x128xf32, #tpu.memory_space<hbm>>
      %dma_wait3A_299 = arith.constant 0 : i32
      %dma_wait3A_300 = arith.constant 0 : i32
      %dma_wait3A_301 = tpu.memref_slice %arg19[%dma_wait3A_299, %dma_wait3A_300] : memref<32x144xf32, #tpu.memory_space<vmem>> -> memref<32x128xf32, #tpu.memory_space<vmem>>
      %dma_wait3A_302 = arith.constant 0 : i32
      %dma_wait3A_303 = tpu.memref_slice %arg5[%add3A_293, %dma_wait3A_302] : memref<640000x128xf32, #tpu.memory_space<hbm>> -> memref<32x128xf32, #tpu.memory_space<hbm>>
      tpu.wait_dma2 semaphore(%arg25 : memref<!tpu.dma_semaphore, #tpu.memory_space<semaphore_mem>>) src(%dma_wait3A_303 : memref<32x128xf32, #tpu.memory_space<hbm>>) dst(%dma_wait3A_301 : memref<32x128xf32, #tpu.memory_space<vmem>>)
      %mul3A_304 = arith.constant 320000 : i32
      %mul3A_305 = arith.muli %arg0, %mul3A_304 : i32
      %add3A_306 = arith.addi %mul3A_2, %add3A_215 : i32
      %mul3A_307 = arith.constant 32 : i32
      %mul3A_308 = arith.muli %add3A_306, %mul3A_307 : i32
      %add3A_309 = arith.addi %mul3A_305, %mul3A_308 : i32
      %dma_wait3A_310 = arith.constant 0 : i32
      %dma_wait3A_311 = arith.constant 128 : i32
      %dma_wait3A_312 = tpu.memref_slice %arg19[%dma_wait3A_310, %dma_wait3A_311] : memref<32x144xf32, #tpu.memory_space<vmem>> -> memref<32x16xf32, #tpu.memory_space<vmem>>
      %dma_wait3A_313 = arith.constant 0 : i32
      %dma_wait3A_314 = tpu.memref_slice %arg6[%add3A_309, %dma_wait3A_313] : memref<640000x16xf32, #tpu.memory_space<hbm>> -> memref<32x16xf32, #tpu.memory_space<hbm>>
      %dma_wait3A_315 = arith.constant 0 : i32
      %dma_wait3A_316 = arith.constant 128 : i32
      %dma_wait3A_317 = tpu.memref_slice %arg19[%dma_wait3A_315, %dma_wait3A_316] : memref<32x144xf32, #tpu.memory_space<vmem>> -> memref<32x16xf32, #tpu.memory_space<vmem>>
      %dma_wait3A_318 = arith.constant 0 : i32
      %dma_wait3A_319 = tpu.memref_slice %arg6[%add3A_309, %dma_wait3A_318] : memref<640000x16xf32, #tpu.memory_space<hbm>> -> memref<32x16xf32, #tpu.memory_space<hbm>>
      tpu.wait_dma2 semaphore(%arg27 : memref<!tpu.dma_semaphore, #tpu.memory_space<semaphore_mem>>) src(%dma_wait3A_319 : memref<32x16xf32, #tpu.memory_space<hbm>>) dst(%dma_wait3A_317 : memref<32x16xf32, #tpu.memory_space<vmem>>)
      %scan3A_320 = arith.constant 0 : i32
      %scan3A_321 = arith.constant 0 : i32
      %scan3A_322 = arith.constant 32 : i32
      %scan3A_323 = arith.addi %scan3A_321, %scan3A_322 : i32
      %scan3A_324 = arith.constant 1 : i32
      %scan3A_325 = scf.for %scan3A_713 = %scan3A_321 to %scan3A_323 step %scan3A_324 iter_args(%scan3A_714 = %scan3A_320) -> (i32)  : i32 {
        %get3A_715 = arith.index_cast %scan3A_713 : i32 to index
        %get3A_716 = arith.constant 0 : index
        %get3A_717 = tpu.vector_load %arg17[%get3A_715, %get3A_716] {strides = array<i32>} : memref<32x144xf32, #tpu.memory_space<vmem>>, vector<16xf32>,
        %get3A_718 = arith.index_cast %scan3A_713 : i32 to index
        %get3A_719 = arith.constant 0 : index
        %get3A_720 = tpu.vector_load %arg19[%get3A_718, %get3A_719] {strides = array<i32>} : memref<32x144xf32, #tpu.memory_space<vmem>>, vector<16xf32>,
        %add3A_721 = arith.addf %get3A_717, %get3A_720 : vector<16xf32>
        %mul3A_722 = arith.constant 0.00999999977 : f32
        %mul3A_723 = vector.broadcast %mul3A_722 : f32 to vector<16xf32>
        %mul3A_724 = arith.mulf %add3A_721, %mul3A_723 : vector<16xf32>
        %max3A = arith.maximumf %add3A_721, %mul3A_724 : vector<16xf32>
        %swap3A_725 = arith.index_cast %scan3A_713 : i32 to index
        %swap3A_726 = arith.constant 0 : index
        %swap3A_727 = tpu.vector_load %arg17[%swap3A_725, %swap3A_726] {strides = array<i32>} : memref<32x144xf32, #tpu.memory_space<vmem>>, vector<16xf32>,
        tpu.vector_store %arg17[%swap3A_725, %swap3A_726], %max3A {strides = array<i32>} : memref<32x144xf32, #tpu.memory_space<vmem>>, vector<16xf32>,
        %get3A_728 = arith.index_cast %scan3A_713 : i32 to index
        %get3A_729 = arith.constant 16 : index
        %get3A_730 = tpu.vector_load %arg17[%get3A_728, %get3A_729] {strides = array<i32>} : memref<32x144xf32, #tpu.memory_space<vmem>>, vector<16xf32>,
        %get3A_731 = arith.index_cast %scan3A_713 : i32 to index
        %get3A_732 = arith.constant 16 : index
        %get3A_733 = tpu.vector_load %arg19[%get3A_731, %get3A_732] {strides = array<i32>} : memref<32x144xf32, #tpu.memory_space<vmem>>, vector<16xf32>,
        %add3A_734 = arith.addf %get3A_730, %get3A_733 : vector<16xf32>
        %mul3A_735 = arith.constant 0.00999999977 : f32
        %mul3A_736 = vector.broadcast %mul3A_735 : f32 to vector<16xf32>
        %mul3A_737 = arith.mulf %add3A_734, %mul3A_736 : vector<16xf32>
        %max3A_738 = arith.maximumf %add3A_734, %mul3A_737 : vector<16xf32>
        %swap3A_739 = arith.index_cast %scan3A_713 : i32 to index
        %swap3A_740 = arith.constant 16 : index
        %swap3A_741 = tpu.vector_load %arg17[%swap3A_739, %swap3A_740] {strides = array<i32>} : memref<32x144xf32, #tpu.memory_space<vmem>>, vector<16xf32>,
        tpu.vector_store %arg17[%swap3A_739, %swap3A_740], %max3A_738 {strides = array<i32>} : memref<32x144xf32, #tpu.memory_space<vmem>>, vector<16xf32>,
        %get3A_742 = arith.index_cast %scan3A_713 : i32 to index
        %get3A_743 = arith.constant 32 : index
        %get3A_744 = tpu.vector_load %arg17[%get3A_742, %get3A_743] {strides = array<i32>} : memref<32x144xf32, #tpu.memory_space<vmem>>, vector<16xf32>,
        %get3A_745 = arith.index_cast %scan3A_713 : i32 to index
        %get3A_746 = arith.constant 32 : index
        %get3A_747 = tpu.vector_load %arg19[%get3A_745, %get3A_746] {strides = array<i32>} : memref<32x144xf32, #tpu.memory_space<vmem>>, vector<16xf32>,
        %add3A_748 = arith.addf %get3A_744, %get3A_747 : vector<16xf32>
        %mul3A_749 = arith.constant 0.00999999977 : f32
        %mul3A_750 = vector.broadcast %mul3A_749 : f32 to vector<16xf32>
        %mul3A_751 = arith.mulf %add3A_748, %mul3A_750 : vector<16xf32>
        %max3A_752 = arith.maximumf %add3A_748, %mul3A_751 : vector<16xf32>
        %swap3A_753 = arith.index_cast %scan3A_713 : i32 to index
        %swap3A_754 = arith.constant 32 : index
        %swap3A_755 = tpu.vector_load %arg17[%swap3A_753, %swap3A_754] {strides = array<i32>} : memref<32x144xf32, #tpu.memory_space<vmem>>, vector<16xf32>,
        tpu.vector_store %arg17[%swap3A_753, %swap3A_754], %max3A_752 {strides = array<i32>} : memref<32x144xf32, #tpu.memory_space<vmem>>, vector<16xf32>,
        %get3A_756 = arith.index_cast %scan3A_713 : i32 to index
        %get3A_757 = arith.constant 48 : index
        %get3A_758 = tpu.vector_load %arg17[%get3A_756, %get3A_757] {strides = array<i32>} : memref<32x144xf32, #tpu.memory_space<vmem>>, vector<16xf32>,
        %get3A_759 = arith.index_cast %scan3A_713 : i32 to index
        %get3A_760 = arith.constant 48 : index
        %get3A_761 = tpu.vector_load %arg19[%get3A_759, %get3A_760] {strides = array<i32>} : memref<32x144xf32, #tpu.memory_space<vmem>>, vector<16xf32>,
        %add3A_762 = arith.addf %get3A_758, %get3A_761 : vector<16xf32>
        %mul3A_763 = arith.constant 0.00999999977 : f32
        %mul3A_764 = vector.broadcast %mul3A_763 : f32 to vector<16xf32>
        %mul3A_765 = arith.mulf %add3A_762, %mul3A_764 : vector<16xf32>
        %max3A_766 = arith.maximumf %add3A_762, %mul3A_765 : vector<16xf32>
        %swap3A_767 = arith.index_cast %scan3A_713 : i32 to index
        %swap3A_768 = arith.constant 48 : index
        %swap3A_769 = tpu.vector_load %arg17[%swap3A_767, %swap3A_768] {strides = array<i32>} : memref<32x144xf32, #tpu.memory_space<vmem>>, vector<16xf32>,
        tpu.vector_store %arg17[%swap3A_767, %swap3A_768], %max3A_766 {strides = array<i32>} : memref<32x144xf32, #tpu.memory_space<vmem>>, vector<16xf32>,
        %get3A_770 = arith.index_cast %scan3A_713 : i32 to index
        %get3A_771 = arith.constant 64 : index
        %get3A_772 = tpu.vector_load %arg17[%get3A_770, %get3A_771] {strides = array<i32>} : memref<32x144xf32, #tpu.memory_space<vmem>>, vector<16xf32>,
        %get3A_773 = arith.index_cast %scan3A_713 : i32 to index
        %get3A_774 = arith.constant 64 : index
        %get3A_775 = tpu.vector_load %arg19[%get3A_773, %get3A_774] {strides = array<i32>} : memref<32x144xf32, #tpu.memory_space<vmem>>, vector<16xf32>,
        %add3A_776 = arith.addf %get3A_772, %get3A_775 : vector<16xf32>
        %mul3A_777 = arith.constant 0.00999999977 : f32
        %mul3A_778 = vector.broadcast %mul3A_777 : f32 to vector<16xf32>
        %mul3A_779 = arith.mulf %add3A_776, %mul3A_778 : vector<16xf32>
        %max3A_780 = arith.maximumf %add3A_776, %mul3A_779 : vector<16xf32>
        %swap3A_781 = arith.index_cast %scan3A_713 : i32 to index
        %swap3A_782 = arith.constant 64 : index
        %swap3A_783 = tpu.vector_load %arg17[%swap3A_781, %swap3A_782] {strides = array<i32>} : memref<32x144xf32, #tpu.memory_space<vmem>>, vector<16xf32>,
        tpu.vector_store %arg17[%swap3A_781, %swap3A_782], %max3A_780 {strides = array<i32>} : memref<32x144xf32, #tpu.memory_space<vmem>>, vector<16xf32>,
        %get3A_784 = arith.index_cast %scan3A_713 : i32 to index
        %get3A_785 = arith.constant 80 : index
        %get3A_786 = tpu.vector_load %arg17[%get3A_784, %get3A_785] {strides = array<i32>} : memref<32x144xf32, #tpu.memory_space<vmem>>, vector<16xf32>,
        %get3A_787 = arith.index_cast %scan3A_713 : i32 to index
        %get3A_788 = arith.constant 80 : index
        %get3A_789 = tpu.vector_load %arg19[%get3A_787, %get3A_788] {strides = array<i32>} : memref<32x144xf32, #tpu.memory_space<vmem>>, vector<16xf32>,
        %add3A_790 = arith.addf %get3A_786, %get3A_789 : vector<16xf32>
        %mul3A_791 = arith.constant 0.00999999977 : f32
        %mul3A_792 = vector.broadcast %mul3A_791 : f32 to vector<16xf32>
        %mul3A_793 = arith.mulf %add3A_790, %mul3A_792 : vector<16xf32>
        %max3A_794 = arith.maximumf %add3A_790, %mul3A_793 : vector<16xf32>
        %swap3A_795 = arith.index_cast %scan3A_713 : i32 to index
        %swap3A_796 = arith.constant 80 : index
        %swap3A_797 = tpu.vector_load %arg17[%swap3A_795, %swap3A_796] {strides = array<i32>} : memref<32x144xf32, #tpu.memory_space<vmem>>, vector<16xf32>,
        tpu.vector_store %arg17[%swap3A_795, %swap3A_796], %max3A_794 {strides = array<i32>} : memref<32x144xf32, #tpu.memory_space<vmem>>, vector<16xf32>,
        %get3A_798 = arith.index_cast %scan3A_713 : i32 to index
        %get3A_799 = arith.constant 96 : index
        %get3A_800 = tpu.vector_load %arg17[%get3A_798, %get3A_799] {strides = array<i32>} : memref<32x144xf32, #tpu.memory_space<vmem>>, vector<16xf32>,
        %get3A_801 = arith.index_cast %scan3A_713 : i32 to index
        %get3A_802 = arith.constant 96 : index
        %get3A_803 = tpu.vector_load %arg19[%get3A_801, %get3A_802] {strides = array<i32>} : memref<32x144xf32, #tpu.memory_space<vmem>>, vector<16xf32>,
        %add3A_804 = arith.addf %get3A_800, %get3A_803 : vector<16xf32>
        %mul3A_805 = arith.constant 0.00999999977 : f32
        %mul3A_806 = vector.broadcast %mul3A_805 : f32 to vector<16xf32>
        %mul3A_807 = arith.mulf %add3A_804, %mul3A_806 : vector<16xf32>
        %max3A_808 = arith.maximumf %add3A_804, %mul3A_807 : vector<16xf32>
        %swap3A_809 = arith.index_cast %scan3A_713 : i32 to index
        %swap3A_810 = arith.constant 96 : index
        %swap3A_811 = tpu.vector_load %arg17[%swap3A_809, %swap3A_810] {strides = array<i32>} : memref<32x144xf32, #tpu.memory_space<vmem>>, vector<16xf32>,
        tpu.vector_store %arg17[%swap3A_809, %swap3A_810], %max3A_808 {strides = array<i32>} : memref<32x144xf32, #tpu.memory_space<vmem>>, vector<16xf32>,
        %get3A_812 = arith.index_cast %scan3A_713 : i32 to index
        %get3A_813 = arith.constant 112 : index
        %get3A_814 = tpu.vector_load %arg17[%get3A_812, %get3A_813] {strides = array<i32>} : memref<32x144xf32, #tpu.memory_space<vmem>>, vector<16xf32>,
        %get3A_815 = arith.index_cast %scan3A_713 : i32 to index
        %get3A_816 = arith.constant 112 : index
        %get3A_817 = tpu.vector_load %arg19[%get3A_815, %get3A_816] {strides = array<i32>} : memref<32x144xf32, #tpu.memory_space<vmem>>, vector<16xf32>,
        %add3A_818 = arith.addf %get3A_814, %get3A_817 : vector<16xf32>
        %mul3A_819 = arith.constant 0.00999999977 : f32
        %mul3A_820 = vector.broadcast %mul3A_819 : f32 to vector<16xf32>
        %mul3A_821 = arith.mulf %add3A_818, %mul3A_820 : vector<16xf32>
        %max3A_822 = arith.maximumf %add3A_818, %mul3A_821 : vector<16xf32>
        %swap3A_823 = arith.index_cast %scan3A_713 : i32 to index
        %swap3A_824 = arith.constant 112 : index
        %swap3A_825 = tpu.vector_load %arg17[%swap3A_823, %swap3A_824] {strides = array<i32>} : memref<32x144xf32, #tpu.memory_space<vmem>>, vector<16xf32>,
        tpu.vector_store %arg17[%swap3A_823, %swap3A_824], %max3A_822 {strides = array<i32>} : memref<32x144xf32, #tpu.memory_space<vmem>>, vector<16xf32>,
        %get3A_826 = arith.index_cast %scan3A_713 : i32 to index
        %get3A_827 = arith.constant 128 : index
        %get3A_828 = tpu.vector_load %arg17[%get3A_826, %get3A_827] {strides = array<i32>} : memref<32x144xf32, #tpu.memory_space<vmem>>, vector<16xf32>,
        %get3A_829 = arith.index_cast %scan3A_713 : i32 to index
        %get3A_830 = arith.constant 128 : index
        %get3A_831 = tpu.vector_load %arg19[%get3A_829, %get3A_830] {strides = array<i32>} : memref<32x144xf32, #tpu.memory_space<vmem>>, vector<16xf32>,
        %add3A_832 = arith.addf %get3A_828, %get3A_831 : vector<16xf32>
        %mul3A_833 = arith.constant 0.00999999977 : f32
        %mul3A_834 = vector.broadcast %mul3A_833 : f32 to vector<16xf32>
        %mul3A_835 = arith.mulf %add3A_832, %mul3A_834 : vector<16xf32>
        %max3A_836 = arith.maximumf %add3A_832, %mul3A_835 : vector<16xf32>
        %swap3A_837 = arith.index_cast %scan3A_713 : i32 to index
        %swap3A_838 = arith.constant 128 : index
        %swap3A_839 = tpu.vector_load %arg17[%swap3A_837, %swap3A_838] {strides = array<i32>} : memref<32x144xf32, #tpu.memory_space<vmem>>, vector<16xf32>,
        tpu.vector_store %arg17[%swap3A_837, %swap3A_838], %max3A_836 {strides = array<i32>} : memref<32x144xf32, #tpu.memory_space<vmem>>, vector<16xf32>,
        %scan3A_840 = arith.constant 0 : i32
        scf.yield %scan3A_840 : i32
      }
      %scan3A_326 = arith.constant 32 : i32
      %dma_start3A_327 = arith.constant 0 : i32
      %dma_start3A_328 = arith.constant 0 : i32
      %dma_start3A_329 = tpu.memref_slice %arg22[%dma_start3A_327, %dma_start3A_328] : memref<10000x144xf32, #tpu.memory_space<vmem_shared>> -> memref<10000x144xf32, #tpu.memory_space<vmem_shared>>
      tpu.enqueue_indirect_dma source(%arg17 : memref<32x144xf32, #tpu.memory_space<vmem>>) target(%dma_start3A_329 : memref<10000x144xf32, #tpu.memory_space<vmem_shared>>) offsets(%arg13 : memref<32xi32, #tpu.memory_space<vmem>>) semaphore(%arg29 : memref<!tpu.dma_semaphore, #tpu.memory_space<semaphore_mem>>) {add = true}
      %get3A_330 = arith.constant 0 : index
      %get3A_331 = tpu.vector_load %arg13[%get3A_330] {strides = array<i32>} : memref<32xi32, #tpu.memory_space<vmem>>, vector<16xi32>,
      tpu.vector_store_idx %arg21[%get3A_331], %broadcast_in_dim3A_57 {add = true} : memref<10000xi32, #tpu.memory_space<vmem>>[vector<16xi32>], vector<16xi32>,
      %get3A_332 = arith.constant 16 : index
      %get3A_333 = tpu.vector_load %arg13[%get3A_332] {strides = array<i32>} : memref<32xi32, #tpu.memory_space<vmem>>, vector<16xi32>,
      tpu.vector_store_idx %arg21[%get3A_333], %broadcast_in_dim3A_57 {add = true} : memref<10000xi32, #tpu.memory_space<vmem>>[vector<16xi32>], vector<16xi32>,
      %mul3A_334 = arith.constant 4 : i32
      %mul3A_335 = arith.muli %scan3A_210, %mul3A_334 : i32
      %add3A_336 = arith.constant 1 : i32
      %add3A_337 = arith.addi %mul3A_335, %add3A_336 : i32
      %ge3A_338 = arith.constant 1 : i32
      %ge3A_339 = arith.cmpi sge, %add3A_337, %ge3A_338 : i32
      %convert_element_type3A_340 = arith.extui %ge3A_339 : i1 to i32
      %cond3A_341 = arith.constant 0 : i32
      %cond3A_342 = arith.cmpi ne, %convert_element_type3A_340, %cond3A_341 : i32
      scf.if %cond3A_342 {
        %dma_wait3A_713 = arith.constant 0 : i32
        %dma_wait3A_714 = arith.constant 0 : i32
        %dma_wait3A_715 = tpu.memref_slice %arg22[%dma_wait3A_713, %dma_wait3A_714] : memref<10000x144xf32, #tpu.memory_space<vmem_shared>> -> memref<10000x144xf32, #tpu.memory_space<vmem_shared>>
        tpu.wait_indirect_dma semaphore(%arg29 : memref<!tpu.dma_semaphore, #tpu.memory_space<semaphore_mem>>) src(%arg17 : memref<32x144xf32, #tpu.memory_space<vmem>>) dst(%dma_wait3A_715 : memref<10000x144xf32, #tpu.memory_space<vmem_shared>>)
      } else {
      }
      %add3A_343 = arith.constant 1 : i32
      %add3A_344 = arith.addi %add3A_337, %add3A_343 : i32
      %add3A_345 = arith.addi %mul3A_2, %add3A_344 : i32
      %mul3A_346 = arith.constant 32 : i32
      %mul3A_347 = arith.muli %add3A_345, %mul3A_346 : i32
      %dma_wait3A_348 = tpu.memref_slice %arg2[%mul3A_347] : memref<320000xi32, #tpu.memory_space<hbm>> -> memref<32xi32, #tpu.memory_space<hbm>>
      %dma_wait3A_349 = tpu.memref_slice %arg2[%mul3A_347] : memref<320000xi32, #tpu.memory_space<hbm>> -> memref<32xi32, #tpu.memory_space<hbm>>
      tpu.wait_dma2 semaphore(%arg33 : memref<!tpu.dma_semaphore, #tpu.memory_space<semaphore_mem>>) src(%dma_wait3A_349 : memref<32xi32, #tpu.memory_space<hbm>>) dst(%arg11 : memref<32xi32, #tpu.memory_space<vmem>>)
      %add3A_350 = arith.addi %mul3A_2, %add3A_344 : i32
      %mul3A_351 = arith.constant 32 : i32
      %mul3A_352 = arith.muli %add3A_350, %mul3A_351 : i32
      %dma_wait3A_353 = tpu.memref_slice %arg3[%mul3A_352] : memref<320000xi32, #tpu.memory_space<hbm>> -> memref<32xi32, #tpu.memory_space<hbm>>
      %dma_wait3A_354 = tpu.memref_slice %arg3[%mul3A_352] : memref<320000xi32, #tpu.memory_space<hbm>> -> memref<32xi32, #tpu.memory_space<hbm>>
      tpu.wait_dma2 semaphore(%arg37 : memref<!tpu.dma_semaphore, #tpu.memory_space<semaphore_mem>>) src(%dma_wait3A_354 : memref<32xi32, #tpu.memory_space<hbm>>) dst(%arg15 : memref<32xi32, #tpu.memory_space<vmem>>)
      %get3A_355 = arith.constant 0 : index
      %get3A_356 = tpu.vector_load %arg11[%get3A_355] {strides = array<i32>} : memref<32xi32, #tpu.memory_space<vmem>>, vector<16xi32>,
      %add3A_357 = vector.broadcast %mul3A_0 : i32 to vector<16xi32>
      %add3A_358 = arith.addi %get3A_356, %add3A_357 : vector<16xi32>
      %swap3A_359 = arith.constant 0 : index
      %swap3A_360 = tpu.vector_load %arg11[%swap3A_359] {strides = array<i32>} : memref<32xi32, #tpu.memory_space<vmem>>, vector<16xi32>,
      tpu.vector_store %arg11[%swap3A_359], %add3A_358 {strides = array<i32>} : memref<32xi32, #tpu.memory_space<vmem>>, vector<16xi32>,
      %get3A_361 = arith.constant 16 : index
      %get3A_362 = tpu.vector_load %arg11[%get3A_361] {strides = array<i32>} : memref<32xi32, #tpu.memory_space<vmem>>, vector<16xi32>,
      %add3A_363 = vector.broadcast %mul3A_0 : i32 to vector<16xi32>
      %add3A_364 = arith.addi %get3A_362, %add3A_363 : vector<16xi32>
      %swap3A_365 = arith.constant 16 : index
      %swap3A_366 = tpu.vector_load %arg11[%swap3A_365] {strides = array<i32>} : memref<32xi32, #tpu.memory_space<vmem>>, vector<16xi32>,
      tpu.vector_store %arg11[%swap3A_365], %add3A_364 {strides = array<i32>} : memref<32xi32, #tpu.memory_space<vmem>>, vector<16xi32>,
      %add3A_367 = arith.constant 1 : i32
      %add3A_368 = arith.addi %add3A_337, %add3A_367 : i32
      %dma_start3A_369 = arith.constant 0 : i32
      %dma_start3A_370 = arith.constant 0 : i32
      %dma_start3A_371 = tpu.memref_slice %arg4[%dma_start3A_369, %dma_start3A_370] : memref<20000x144xf32, #tpu.memory_space<hbm>> -> memref<20000x144xf32, #tpu.memory_space<hbm>>
      tpu.enqueue_indirect_dma source(%dma_start3A_371 : memref<20000x144xf32, #tpu.memory_space<hbm>>) target(%arg17 : memref<32x144xf32, #tpu.memory_space<vmem>>) offsets(%arg11 : memref<32xi32, #tpu.memory_space<vmem>>) semaphore(%arg23 : memref<!tpu.dma_semaphore, #tpu.memory_space<semaphore_mem>>)
      %mul3A_372 = arith.constant 320000 : i32
      %mul3A_373 = arith.muli %arg0, %mul3A_372 : i32
      %add3A_374 = arith.addi %mul3A_2, %add3A_368 : i32
      %mul3A_375 = arith.constant 32 : i32
      %mul3A_376 = arith.muli %add3A_374, %mul3A_375 : i32
      %add3A_377 = arith.addi %mul3A_373, %mul3A_376 : i32
      %dma_start3A_378 = arith.constant 0 : i32
      %dma_start3A_379 = arith.constant 0 : i32
      %dma_start3A_380 = tpu.memref_slice %arg19[%dma_start3A_378, %dma_start3A_379] : memref<32x144xf32, #tpu.memory_space<vmem>> -> memref<32x128xf32, #tpu.memory_space<vmem>>
      %dma_start3A_381 = arith.constant 0 : i32
      %dma_start3A_382 = tpu.memref_slice %arg5[%add3A_377, %dma_start3A_381] : memref<640000x128xf32, #tpu.memory_space<hbm>> -> memref<32x128xf32, #tpu.memory_space<hbm>>
      %dma_start3A_383 = arith.constant 0 : i32
      %dma_start3A_384 = arith.constant 0 : i32
      %dma_start3A_385 = tpu.memref_slice %arg19[%dma_start3A_383, %dma_start3A_384] : memref<32x144xf32, #tpu.memory_space<vmem>> -> memref<32x128xf32, #tpu.memory_space<vmem>>
      %dma_start3A_386 = arith.constant 0 : i32
      %dma_start3A_387 = tpu.memref_slice %arg5[%add3A_377, %dma_start3A_386] : memref<640000x128xf32, #tpu.memory_space<hbm>> -> memref<32x128xf32, #tpu.memory_space<hbm>>
      tpu.enqueue_dma source(%dma_start3A_387 : memref<32x128xf32, #tpu.memory_space<hbm>>) target(%dma_start3A_385 : memref<32x128xf32, #tpu.memory_space<vmem>>) target_semaphore(%arg25 : memref<!tpu.dma_semaphore, #tpu.memory_space<semaphore_mem>>)
      %mul3A_388 = arith.constant 320000 : i32
      %mul3A_389 = arith.muli %arg0, %mul3A_388 : i32
      %add3A_390 = arith.addi %mul3A_2, %add3A_368 : i32
      %mul3A_391 = arith.constant 32 : i32
      %mul3A_392 = arith.muli %add3A_390, %mul3A_391 : i32
      %add3A_393 = arith.addi %mul3A_389, %mul3A_392 : i32
      %dma_start3A_394 = arith.constant 0 : i32
      %dma_start3A_395 = arith.constant 128 : i32
      %dma_start3A_396 = tpu.memref_slice %arg19[%dma_start3A_394, %dma_start3A_395] : memref<32x144xf32, #tpu.memory_space<vmem>> -> memref<32x16xf32, #tpu.memory_space<vmem>>
      %dma_start3A_397 = arith.constant 0 : i32
      %dma_start3A_398 = tpu.memref_slice %arg6[%add3A_393, %dma_start3A_397] : memref<640000x16xf32, #tpu.memory_space<hbm>> -> memref<32x16xf32, #tpu.memory_space<hbm>>
      %dma_start3A_399 = arith.constant 0 : i32
      %dma_start3A_400 = arith.constant 128 : i32
      %dma_start3A_401 = tpu.memref_slice %arg19[%dma_start3A_399, %dma_start3A_400] : memref<32x144xf32, #tpu.memory_space<vmem>> -> memref<32x16xf32, #tpu.memory_space<vmem>>
      %dma_start3A_402 = arith.constant 0 : i32
      %dma_start3A_403 = tpu.memref_slice %arg6[%add3A_393, %dma_start3A_402] : memref<640000x16xf32, #tpu.memory_space<hbm>> -> memref<32x16xf32, #tpu.memory_space<hbm>>
      tpu.enqueue_dma source(%dma_start3A_403 : memref<32x16xf32, #tpu.memory_space<hbm>>) target(%dma_start3A_401 : memref<32x16xf32, #tpu.memory_space<vmem>>) target_semaphore(%arg27 : memref<!tpu.dma_semaphore, #tpu.memory_space<semaphore_mem>>)
      %add3A_404 = arith.constant 2 : i32
      %add3A_405 = arith.addi %add3A_337, %add3A_404 : i32
      %le3A_406 = arith.constant 624 : i32
      %le3A_407 = arith.cmpi sle, %add3A_405, %le3A_406 : i32
      %convert_element_type3A_408 = arith.extui %le3A_407 : i1 to i32
      %cond3A_409 = arith.constant 0 : i32
      %cond3A_410 = arith.cmpi ne, %convert_element_type3A_408, %cond3A_409 : i32
      scf.if %cond3A_410 {
        %add3A_713 = arith.constant 2 : i32
        %add3A_714 = arith.addi %add3A_337, %add3A_713 : i32
        %add3A_715 = arith.addi %mul3A_2, %add3A_714 : i32
        %mul3A_716 = arith.constant 32 : i32
        %mul3A_717 = arith.muli %add3A_715, %mul3A_716 : i32
        %dma_start3A_718 = tpu.memref_slice %arg2[%mul3A_717] : memref<320000xi32, #tpu.memory_space<hbm>> -> memref<32xi32, #tpu.memory_space<hbm>>
        %dma_start3A_719 = tpu.memref_slice %arg2[%mul3A_717] : memref<320000xi32, #tpu.memory_space<hbm>> -> memref<32xi32, #tpu.memory_space<hbm>>
        tpu.enqueue_dma source(%dma_start3A_719 : memref<32xi32, #tpu.memory_space<hbm>>) target(%arg12 : memref<32xi32, #tpu.memory_space<vmem>>) target_semaphore(%arg34 : memref<!tpu.dma_semaphore, #tpu.memory_space<semaphore_mem>>)
        %add3A_720 = arith.addi %mul3A_2, %add3A_714 : i32
        %mul3A_721 = arith.constant 32 : i32
        %mul3A_722 = arith.muli %add3A_720, %mul3A_721 : i32
        %dma_start3A_723 = tpu.memref_slice %arg3[%mul3A_722] : memref<320000xi32, #tpu.memory_space<hbm>> -> memref<32xi32, #tpu.memory_space<hbm>>
        %dma_start3A_724 = tpu.memref_slice %arg3[%mul3A_722] : memref<320000xi32, #tpu.memory_space<hbm>> -> memref<32xi32, #tpu.memory_space<hbm>>
        tpu.enqueue_dma source(%dma_start3A_724 : memref<32xi32, #tpu.memory_space<hbm>>) target(%arg16 : memref<32xi32, #tpu.memory_space<vmem>>) target_semaphore(%arg38 : memref<!tpu.dma_semaphore, #tpu.memory_space<semaphore_mem>>)
      } else {
      }
      %dma_wait3A_411 = arith.constant 0 : i32
      %dma_wait3A_412 = arith.constant 0 : i32
      %dma_wait3A_413 = tpu.memref_slice %arg4[%dma_wait3A_411, %dma_wait3A_412] : memref<20000x144xf32, #tpu.memory_space<hbm>> -> memref<20000x144xf32, #tpu.memory_space<hbm>>
      tpu.wait_indirect_dma semaphore(%arg24 : memref<!tpu.dma_semaphore, #tpu.memory_space<semaphore_mem>>) src(%dma_wait3A_413 : memref<20000x144xf32, #tpu.memory_space<hbm>>) dst(%arg18 : memref<32x144xf32, #tpu.memory_space<vmem>>)
      %mul3A_414 = arith.constant 320000 : i32
      %mul3A_415 = arith.muli %arg0, %mul3A_414 : i32
      %add3A_416 = arith.addi %mul3A_2, %add3A_337 : i32
      %mul3A_417 = arith.constant 32 : i32
      %mul3A_418 = arith.muli %add3A_416, %mul3A_417 : i32
      %add3A_419 = arith.addi %mul3A_415, %mul3A_418 : i32
      %dma_wait3A_420 = arith.constant 0 : i32
      %dma_wait3A_421 = arith.constant 0 : i32
      %dma_wait3A_422 = tpu.memref_slice %arg20[%dma_wait3A_420, %dma_wait3A_421] : memref<32x144xf32, #tpu.memory_space<vmem>> -> memref<32x128xf32, #tpu.memory_space<vmem>>
      %dma_wait3A_423 = arith.constant 0 : i32
      %dma_wait3A_424 = tpu.memref_slice %arg5[%add3A_419, %dma_wait3A_423] : memref<640000x128xf32, #tpu.memory_space<hbm>> -> memref<32x128xf32, #tpu.memory_space<hbm>>
      %dma_wait3A_425 = arith.constant 0 : i32
      %dma_wait3A_426 = arith.constant 0 : i32
      %dma_wait3A_427 = tpu.memref_slice %arg20[%dma_wait3A_425, %dma_wait3A_426] : memref<32x144xf32, #tpu.memory_space<vmem>> -> memref<32x128xf32, #tpu.memory_space<vmem>>
      %dma_wait3A_428 = arith.constant 0 : i32
      %dma_wait3A_429 = tpu.memref_slice %arg5[%add3A_419, %dma_wait3A_428] : memref<640000x128xf32, #tpu.memory_space<hbm>> -> memref<32x128xf32, #tpu.memory_space<hbm>>
      tpu.wait_dma2 semaphore(%arg26 : memref<!tpu.dma_semaphore, #tpu.memory_space<semaphore_mem>>) src(%dma_wait3A_429 : memref<32x128xf32, #tpu.memory_space<hbm>>) dst(%dma_wait3A_427 : memref<32x128xf32, #tpu.memory_space<vmem>>)
      %mul3A_430 = arith.constant 320000 : i32
      %mul3A_431 = arith.muli %arg0, %mul3A_430 : i32
      %add3A_432 = arith.addi %mul3A_2, %add3A_337 : i32
      %mul3A_433 = arith.constant 32 : i32
      %mul3A_434 = arith.muli %add3A_432, %mul3A_433 : i32
      %add3A_435 = arith.addi %mul3A_431, %mul3A_434 : i32
      %dma_wait3A_436 = arith.constant 0 : i32
      %dma_wait3A_437 = arith.constant 128 : i32
      %dma_wait3A_438 = tpu.memref_slice %arg20[%dma_wait3A_436, %dma_wait3A_437] : memref<32x144xf32, #tpu.memory_space<vmem>> -> memref<32x16xf32, #tpu.memory_space<vmem>>
      %dma_wait3A_439 = arith.constant 0 : i32
      %dma_wait3A_440 = tpu.memref_slice %arg6[%add3A_435, %dma_wait3A_439] : memref<640000x16xf32, #tpu.memory_space<hbm>> -> memref<32x16xf32, #tpu.memory_space<hbm>>
      %dma_wait3A_441 = arith.constant 0 : i32
      %dma_wait3A_442 = arith.constant 128 : i32
      %dma_wait3A_443 = tpu.memref_slice %arg20[%dma_wait3A_441, %dma_wait3A_442] : memref<32x144xf32, #tpu.memory_space<vmem>> -> memref<32x16xf32, #tpu.memory_space<vmem>>
      %dma_wait3A_444 = arith.constant 0 : i32
      %dma_wait3A_445 = tpu.memref_slice %arg6[%add3A_435, %dma_wait3A_444] : memref<640000x16xf32, #tpu.memory_space<hbm>> -> memref<32x16xf32, #tpu.memory_space<hbm>>
      tpu.wait_dma2 semaphore(%arg28 : memref<!tpu.dma_semaphore, #tpu.memory_space<semaphore_mem>>) src(%dma_wait3A_445 : memref<32x16xf32, #tpu.memory_space<hbm>>) dst(%dma_wait3A_443 : memref<32x16xf32, #tpu.memory_space<vmem>>)
      %scan3A_446 = arith.constant 0 : i32
      %scan3A_447 = arith.constant 0 : i32
      %scan3A_448 = arith.constant 32 : i32
      %scan3A_449 = arith.addi %scan3A_447, %scan3A_448 : i32
      %scan3A_450 = arith.constant 1 : i32
      %scan3A_451 = scf.for %scan3A_713 = %scan3A_447 to %scan3A_449 step %scan3A_450 iter_args(%scan3A_714 = %scan3A_446) -> (i32)  : i32 {
        %get3A_715 = arith.index_cast %scan3A_713 : i32 to index
        %get3A_716 = arith.constant 0 : index
        %get3A_717 = tpu.vector_load %arg18[%get3A_715, %get3A_716] {strides = array<i32>} : memref<32x144xf32, #tpu.memory_space<vmem>>, vector<16xf32>,
        %get3A_718 = arith.index_cast %scan3A_713 : i32 to index
        %get3A_719 = arith.constant 0 : index
        %get3A_720 = tpu.vector_load %arg20[%get3A_718, %get3A_719] {strides = array<i32>} : memref<32x144xf32, #tpu.memory_space<vmem>>, vector<16xf32>,
        %add3A_721 = arith.addf %get3A_717, %get3A_720 : vector<16xf32>
        %mul3A_722 = arith.constant 0.00999999977 : f32
        %mul3A_723 = vector.broadcast %mul3A_722 : f32 to vector<16xf32>
        %mul3A_724 = arith.mulf %add3A_721, %mul3A_723 : vector<16xf32>
        %max3A = arith.maximumf %add3A_721, %mul3A_724 : vector<16xf32>
        %swap3A_725 = arith.index_cast %scan3A_713 : i32 to index
        %swap3A_726 = arith.constant 0 : index
        %swap3A_727 = tpu.vector_load %arg18[%swap3A_725, %swap3A_726] {strides = array<i32>} : memref<32x144xf32, #tpu.memory_space<vmem>>, vector<16xf32>,
        tpu.vector_store %arg18[%swap3A_725, %swap3A_726], %max3A {strides = array<i32>} : memref<32x144xf32, #tpu.memory_space<vmem>>, vector<16xf32>,
        %get3A_728 = arith.index_cast %scan3A_713 : i32 to index
        %get3A_729 = arith.constant 16 : index
        %get3A_730 = tpu.vector_load %arg18[%get3A_728, %get3A_729] {strides = array<i32>} : memref<32x144xf32, #tpu.memory_space<vmem>>, vector<16xf32>,
        %get3A_731 = arith.index_cast %scan3A_713 : i32 to index
        %get3A_732 = arith.constant 16 : index
        %get3A_733 = tpu.vector_load %arg20[%get3A_731, %get3A_732] {strides = array<i32>} : memref<32x144xf32, #tpu.memory_space<vmem>>, vector<16xf32>,
        %add3A_734 = arith.addf %get3A_730, %get3A_733 : vector<16xf32>
        %mul3A_735 = arith.constant 0.00999999977 : f32
        %mul3A_736 = vector.broadcast %mul3A_735 : f32 to vector<16xf32>
        %mul3A_737 = arith.mulf %add3A_734, %mul3A_736 : vector<16xf32>
        %max3A_738 = arith.maximumf %add3A_734, %mul3A_737 : vector<16xf32>
        %swap3A_739 = arith.index_cast %scan3A_713 : i32 to index
        %swap3A_740 = arith.constant 16 : index
        %swap3A_741 = tpu.vector_load %arg18[%swap3A_739, %swap3A_740] {strides = array<i32>} : memref<32x144xf32, #tpu.memory_space<vmem>>, vector<16xf32>,
        tpu.vector_store %arg18[%swap3A_739, %swap3A_740], %max3A_738 {strides = array<i32>} : memref<32x144xf32, #tpu.memory_space<vmem>>, vector<16xf32>,
        %get3A_742 = arith.index_cast %scan3A_713 : i32 to index
        %get3A_743 = arith.constant 32 : index
        %get3A_744 = tpu.vector_load %arg18[%get3A_742, %get3A_743] {strides = array<i32>} : memref<32x144xf32, #tpu.memory_space<vmem>>, vector<16xf32>,
        %get3A_745 = arith.index_cast %scan3A_713 : i32 to index
        %get3A_746 = arith.constant 32 : index
        %get3A_747 = tpu.vector_load %arg20[%get3A_745, %get3A_746] {strides = array<i32>} : memref<32x144xf32, #tpu.memory_space<vmem>>, vector<16xf32>,
        %add3A_748 = arith.addf %get3A_744, %get3A_747 : vector<16xf32>
        %mul3A_749 = arith.constant 0.00999999977 : f32
        %mul3A_750 = vector.broadcast %mul3A_749 : f32 to vector<16xf32>
        %mul3A_751 = arith.mulf %add3A_748, %mul3A_750 : vector<16xf32>
        %max3A_752 = arith.maximumf %add3A_748, %mul3A_751 : vector<16xf32>
        %swap3A_753 = arith.index_cast %scan3A_713 : i32 to index
        %swap3A_754 = arith.constant 32 : index
        %swap3A_755 = tpu.vector_load %arg18[%swap3A_753, %swap3A_754] {strides = array<i32>} : memref<32x144xf32, #tpu.memory_space<vmem>>, vector<16xf32>,
        tpu.vector_store %arg18[%swap3A_753, %swap3A_754], %max3A_752 {strides = array<i32>} : memref<32x144xf32, #tpu.memory_space<vmem>>, vector<16xf32>,
        %get3A_756 = arith.index_cast %scan3A_713 : i32 to index
        %get3A_757 = arith.constant 48 : index
        %get3A_758 = tpu.vector_load %arg18[%get3A_756, %get3A_757] {strides = array<i32>} : memref<32x144xf32, #tpu.memory_space<vmem>>, vector<16xf32>,
        %get3A_759 = arith.index_cast %scan3A_713 : i32 to index
        %get3A_760 = arith.constant 48 : index
        %get3A_761 = tpu.vector_load %arg20[%get3A_759, %get3A_760] {strides = array<i32>} : memref<32x144xf32, #tpu.memory_space<vmem>>, vector<16xf32>,
        %add3A_762 = arith.addf %get3A_758, %get3A_761 : vector<16xf32>
        %mul3A_763 = arith.constant 0.00999999977 : f32
        %mul3A_764 = vector.broadcast %mul3A_763 : f32 to vector<16xf32>
        %mul3A_765 = arith.mulf %add3A_762, %mul3A_764 : vector<16xf32>
        %max3A_766 = arith.maximumf %add3A_762, %mul3A_765 : vector<16xf32>
        %swap3A_767 = arith.index_cast %scan3A_713 : i32 to index
        %swap3A_768 = arith.constant 48 : index
        %swap3A_769 = tpu.vector_load %arg18[%swap3A_767, %swap3A_768] {strides = array<i32>} : memref<32x144xf32, #tpu.memory_space<vmem>>, vector<16xf32>,
        tpu.vector_store %arg18[%swap3A_767, %swap3A_768], %max3A_766 {strides = array<i32>} : memref<32x144xf32, #tpu.memory_space<vmem>>, vector<16xf32>,
        %get3A_770 = arith.index_cast %scan3A_713 : i32 to index
        %get3A_771 = arith.constant 64 : index
        %get3A_772 = tpu.vector_load %arg18[%get3A_770, %get3A_771] {strides = array<i32>} : memref<32x144xf32, #tpu.memory_space<vmem>>, vector<16xf32>,
        %get3A_773 = arith.index_cast %scan3A_713 : i32 to index
        %get3A_774 = arith.constant 64 : index
        %get3A_775 = tpu.vector_load %arg20[%get3A_773, %get3A_774] {strides = array<i32>} : memref<32x144xf32, #tpu.memory_space<vmem>>, vector<16xf32>,
        %add3A_776 = arith.addf %get3A_772, %get3A_775 : vector<16xf32>
        %mul3A_777 = arith.constant 0.00999999977 : f32
        %mul3A_778 = vector.broadcast %mul3A_777 : f32 to vector<16xf32>
        %mul3A_779 = arith.mulf %add3A_776, %mul3A_778 : vector<16xf32>
        %max3A_780 = arith.maximumf %add3A_776, %mul3A_779 : vector<16xf32>
        %swap3A_781 = arith.index_cast %scan3A_713 : i32 to index
        %swap3A_782 = arith.constant 64 : index
        %swap3A_783 = tpu.vector_load %arg18[%swap3A_781, %swap3A_782] {strides = array<i32>} : memref<32x144xf32, #tpu.memory_space<vmem>>, vector<16xf32>,
        tpu.vector_store %arg18[%swap3A_781, %swap3A_782], %max3A_780 {strides = array<i32>} : memref<32x144xf32, #tpu.memory_space<vmem>>, vector<16xf32>,
        %get3A_784 = arith.index_cast %scan3A_713 : i32 to index
        %get3A_785 = arith.constant 80 : index
        %get3A_786 = tpu.vector_load %arg18[%get3A_784, %get3A_785] {strides = array<i32>} : memref<32x144xf32, #tpu.memory_space<vmem>>, vector<16xf32>,
        %get3A_787 = arith.index_cast %scan3A_713 : i32 to index
        %get3A_788 = arith.constant 80 : index
        %get3A_789 = tpu.vector_load %arg20[%get3A_787, %get3A_788] {strides = array<i32>} : memref<32x144xf32, #tpu.memory_space<vmem>>, vector<16xf32>,
        %add3A_790 = arith.addf %get3A_786, %get3A_789 : vector<16xf32>
        %mul3A_791 = arith.constant 0.00999999977 : f32
        %mul3A_792 = vector.broadcast %mul3A_791 : f32 to vector<16xf32>
        %mul3A_793 = arith.mulf %add3A_790, %mul3A_792 : vector<16xf32>
        %max3A_794 = arith.maximumf %add3A_790, %mul3A_793 : vector<16xf32>
        %swap3A_795 = arith.index_cast %scan3A_713 : i32 to index
        %swap3A_796 = arith.constant 80 : index
        %swap3A_797 = tpu.vector_load %arg18[%swap3A_795, %swap3A_796] {strides = array<i32>} : memref<32x144xf32, #tpu.memory_space<vmem>>, vector<16xf32>,
        tpu.vector_store %arg18[%swap3A_795, %swap3A_796], %max3A_794 {strides = array<i32>} : memref<32x144xf32, #tpu.memory_space<vmem>>, vector<16xf32>,
        %get3A_798 = arith.index_cast %scan3A_713 : i32 to index
        %get3A_799 = arith.constant 96 : index
        %get3A_800 = tpu.vector_load %arg18[%get3A_798, %get3A_799] {strides = array<i32>} : memref<32x144xf32, #tpu.memory_space<vmem>>, vector<16xf32>,
        %get3A_801 = arith.index_cast %scan3A_713 : i32 to index
        %get3A_802 = arith.constant 96 : index
        %get3A_803 = tpu.vector_load %arg20[%get3A_801, %get3A_802] {strides = array<i32>} : memref<32x144xf32, #tpu.memory_space<vmem>>, vector<16xf32>,
        %add3A_804 = arith.addf %get3A_800, %get3A_803 : vector<16xf32>
        %mul3A_805 = arith.constant 0.00999999977 : f32
        %mul3A_806 = vector.broadcast %mul3A_805 : f32 to vector<16xf32>
        %mul3A_807 = arith.mulf %add3A_804, %mul3A_806 : vector<16xf32>
        %max3A_808 = arith.maximumf %add3A_804, %mul3A_807 : vector<16xf32>
        %swap3A_809 = arith.index_cast %scan3A_713 : i32 to index
        %swap3A_810 = arith.constant 96 : index
        %swap3A_811 = tpu.vector_load %arg18[%swap3A_809, %swap3A_810] {strides = array<i32>} : memref<32x144xf32, #tpu.memory_space<vmem>>, vector<16xf32>,
        tpu.vector_store %arg18[%swap3A_809, %swap3A_810], %max3A_808 {strides = array<i32>} : memref<32x144xf32, #tpu.memory_space<vmem>>, vector<16xf32>,
        %get3A_812 = arith.index_cast %scan3A_713 : i32 to index
        %get3A_813 = arith.constant 112 : index
        %get3A_814 = tpu.vector_load %arg18[%get3A_812, %get3A_813] {strides = array<i32>} : memref<32x144xf32, #tpu.memory_space<vmem>>, vector<16xf32>,
        %get3A_815 = arith.index_cast %scan3A_713 : i32 to index
        %get3A_816 = arith.constant 112 : index
        %get3A_817 = tpu.vector_load %arg20[%get3A_815, %get3A_816] {strides = array<i32>} : memref<32x144xf32, #tpu.memory_space<vmem>>, vector<16xf32>,
        %add3A_818 = arith.addf %get3A_814, %get3A_817 : vector<16xf32>
        %mul3A_819 = arith.constant 0.00999999977 : f32
        %mul3A_820 = vector.broadcast %mul3A_819 : f32 to vector<16xf32>
        %mul3A_821 = arith.mulf %add3A_818, %mul3A_820 : vector<16xf32>
        %max3A_822 = arith.maximumf %add3A_818, %mul3A_821 : vector<16xf32>
        %swap3A_823 = arith.index_cast %scan3A_713 : i32 to index
        %swap3A_824 = arith.constant 112 : index
        %swap3A_825 = tpu.vector_load %arg18[%swap3A_823, %swap3A_824] {strides = array<i32>} : memref<32x144xf32, #tpu.memory_space<vmem>>, vector<16xf32>,
        tpu.vector_store %arg18[%swap3A_823, %swap3A_824], %max3A_822 {strides = array<i32>} : memref<32x144xf32, #tpu.memory_space<vmem>>, vector<16xf32>,
        %get3A_826 = arith.index_cast %scan3A_713 : i32 to index
        %get3A_827 = arith.constant 128 : index
        %get3A_828 = tpu.vector_load %arg18[%get3A_826, %get3A_827] {strides = array<i32>} : memref<32x144xf32, #tpu.memory_space<vmem>>, vector<16xf32>,
        %get3A_829 = arith.index_cast %scan3A_713 : i32 to index
        %get3A_830 = arith.constant 128 : index
        %get3A_831 = tpu.vector_load %arg20[%get3A_829, %get3A_830] {strides = array<i32>} : memref<32x144xf32, #tpu.memory_space<vmem>>, vector<16xf32>,
        %add3A_832 = arith.addf %get3A_828, %get3A_831 : vector<16xf32>
        %mul3A_833 = arith.constant 0.00999999977 : f32
        %mul3A_834 = vector.broadcast %mul3A_833 : f32 to vector<16xf32>
        %mul3A_835 = arith.mulf %add3A_832, %mul3A_834 : vector<16xf32>
        %max3A_836 = arith.maximumf %add3A_832, %mul3A_835 : vector<16xf32>
        %swap3A_837 = arith.index_cast %scan3A_713 : i32 to index
        %swap3A_838 = arith.constant 128 : index
        %swap3A_839 = tpu.vector_load %arg18[%swap3A_837, %swap3A_838] {strides = array<i32>} : memref<32x144xf32, #tpu.memory_space<vmem>>, vector<16xf32>,
        tpu.vector_store %arg18[%swap3A_837, %swap3A_838], %max3A_836 {strides = array<i32>} : memref<32x144xf32, #tpu.memory_space<vmem>>, vector<16xf32>,
        %scan3A_840 = arith.constant 0 : i32
        scf.yield %scan3A_840 : i32
      }
      %scan3A_452 = arith.constant 32 : i32
      %dma_start3A_453 = arith.constant 0 : i32
      %dma_start3A_454 = arith.constant 0 : i32
      %dma_start3A_455 = tpu.memref_slice %arg22[%dma_start3A_453, %dma_start3A_454] : memref<10000x144xf32, #tpu.memory_space<vmem_shared>> -> memref<10000x144xf32, #tpu.memory_space<vmem_shared>>
      tpu.enqueue_indirect_dma source(%arg18 : memref<32x144xf32, #tpu.memory_space<vmem>>) target(%dma_start3A_455 : memref<10000x144xf32, #tpu.memory_space<vmem_shared>>) offsets(%arg14 : memref<32xi32, #tpu.memory_space<vmem>>) semaphore(%arg30 : memref<!tpu.dma_semaphore, #tpu.memory_space<semaphore_mem>>) {add = true}
      %get3A_456 = arith.constant 0 : index
      %get3A_457 = tpu.vector_load %arg14[%get3A_456] {strides = array<i32>} : memref<32xi32, #tpu.memory_space<vmem>>, vector<16xi32>,
      tpu.vector_store_idx %arg21[%get3A_457], %broadcast_in_dim3A_57 {add = true} : memref<10000xi32, #tpu.memory_space<vmem>>[vector<16xi32>], vector<16xi32>,
      %get3A_458 = arith.constant 16 : index
      %get3A_459 = tpu.vector_load %arg14[%get3A_458] {strides = array<i32>} : memref<32xi32, #tpu.memory_space<vmem>>, vector<16xi32>,
      tpu.vector_store_idx %arg21[%get3A_459], %broadcast_in_dim3A_57 {add = true} : memref<10000xi32, #tpu.memory_space<vmem>>[vector<16xi32>], vector<16xi32>,
      %mul3A_460 = arith.constant 4 : i32
      %mul3A_461 = arith.muli %scan3A_210, %mul3A_460 : i32
      %add3A_462 = arith.constant 2 : i32
      %add3A_463 = arith.addi %mul3A_461, %add3A_462 : i32
      %ge3A_464 = arith.constant 1 : i32
      %ge3A_465 = arith.cmpi sge, %add3A_463, %ge3A_464 : i32
      %convert_element_type3A_466 = arith.extui %ge3A_465 : i1 to i32
      %cond3A_467 = arith.constant 0 : i32
      %cond3A_468 = arith.cmpi ne, %convert_element_type3A_466, %cond3A_467 : i32
      scf.if %cond3A_468 {
        %dma_wait3A_713 = arith.constant 0 : i32
        %dma_wait3A_714 = arith.constant 0 : i32
        %dma_wait3A_715 = tpu.memref_slice %arg22[%dma_wait3A_713, %dma_wait3A_714] : memref<10000x144xf32, #tpu.memory_space<vmem_shared>> -> memref<10000x144xf32, #tpu.memory_space<vmem_shared>>
        tpu.wait_indirect_dma semaphore(%arg30 : memref<!tpu.dma_semaphore, #tpu.memory_space<semaphore_mem>>) src(%arg18 : memref<32x144xf32, #tpu.memory_space<vmem>>) dst(%dma_wait3A_715 : memref<10000x144xf32, #tpu.memory_space<vmem_shared>>)
      } else {
      }
      %add3A_469 = arith.constant 1 : i32
      %add3A_470 = arith.addi %add3A_463, %add3A_469 : i32
      %add3A_471 = arith.addi %mul3A_2, %add3A_470 : i32
      %mul3A_472 = arith.constant 32 : i32
      %mul3A_473 = arith.muli %add3A_471, %mul3A_472 : i32
      %dma_wait3A_474 = tpu.memref_slice %arg2[%mul3A_473] : memref<320000xi32, #tpu.memory_space<hbm>> -> memref<32xi32, #tpu.memory_space<hbm>>
      %dma_wait3A_475 = tpu.memref_slice %arg2[%mul3A_473] : memref<320000xi32, #tpu.memory_space<hbm>> -> memref<32xi32, #tpu.memory_space<hbm>>
      tpu.wait_dma2 semaphore(%arg34 : memref<!tpu.dma_semaphore, #tpu.memory_space<semaphore_mem>>) src(%dma_wait3A_475 : memref<32xi32, #tpu.memory_space<hbm>>) dst(%arg12 : memref<32xi32, #tpu.memory_space<vmem>>)
      %add3A_476 = arith.addi %mul3A_2, %add3A_470 : i32
      %mul3A_477 = arith.constant 32 : i32
      %mul3A_478 = arith.muli %add3A_476, %mul3A_477 : i32
      %dma_wait3A_479 = tpu.memref_slice %arg3[%mul3A_478] : memref<320000xi32, #tpu.memory_space<hbm>> -> memref<32xi32, #tpu.memory_space<hbm>>
      %dma_wait3A_480 = tpu.memref_slice %arg3[%mul3A_478] : memref<320000xi32, #tpu.memory_space<hbm>> -> memref<32xi32, #tpu.memory_space<hbm>>
      tpu.wait_dma2 semaphore(%arg38 : memref<!tpu.dma_semaphore, #tpu.memory_space<semaphore_mem>>) src(%dma_wait3A_480 : memref<32xi32, #tpu.memory_space<hbm>>) dst(%arg16 : memref<32xi32, #tpu.memory_space<vmem>>)
      %get3A_481 = arith.constant 0 : index
      %get3A_482 = tpu.vector_load %arg12[%get3A_481] {strides = array<i32>} : memref<32xi32, #tpu.memory_space<vmem>>, vector<16xi32>,
      %add3A_483 = vector.broadcast %mul3A_0 : i32 to vector<16xi32>
      %add3A_484 = arith.addi %get3A_482, %add3A_483 : vector<16xi32>
      %swap3A_485 = arith.constant 0 : index
      %swap3A_486 = tpu.vector_load %arg12[%swap3A_485] {strides = array<i32>} : memref<32xi32, #tpu.memory_space<vmem>>, vector<16xi32>,
      tpu.vector_store %arg12[%swap3A_485], %add3A_484 {strides = array<i32>} : memref<32xi32, #tpu.memory_space<vmem>>, vector<16xi32>,
      %get3A_487 = arith.constant 16 : index
      %get3A_488 = tpu.vector_load %arg12[%get3A_487] {strides = array<i32>} : memref<32xi32, #tpu.memory_space<vmem>>, vector<16xi32>,
      %add3A_489 = vector.broadcast %mul3A_0 : i32 to vector<16xi32>
      %add3A_490 = arith.addi %get3A_488, %add3A_489 : vector<16xi32>
      %swap3A_491 = arith.constant 16 : index
      %swap3A_492 = tpu.vector_load %arg12[%swap3A_491] {strides = array<i32>} : memref<32xi32, #tpu.memory_space<vmem>>, vector<16xi32>,
      tpu.vector_store %arg12[%swap3A_491], %add3A_490 {strides = array<i32>} : memref<32xi32, #tpu.memory_space<vmem>>, vector<16xi32>,
      %add3A_493 = arith.constant 1 : i32
      %add3A_494 = arith.addi %add3A_463, %add3A_493 : i32
      %dma_start3A_495 = arith.constant 0 : i32
      %dma_start3A_496 = arith.constant 0 : i32
      %dma_start3A_497 = tpu.memref_slice %arg4[%dma_start3A_495, %dma_start3A_496] : memref<20000x144xf32, #tpu.memory_space<hbm>> -> memref<20000x144xf32, #tpu.memory_space<hbm>>
      tpu.enqueue_indirect_dma source(%dma_start3A_497 : memref<20000x144xf32, #tpu.memory_space<hbm>>) target(%arg18 : memref<32x144xf32, #tpu.memory_space<vmem>>) offsets(%arg12 : memref<32xi32, #tpu.memory_space<vmem>>) semaphore(%arg24 : memref<!tpu.dma_semaphore, #tpu.memory_space<semaphore_mem>>)
      %mul3A_498 = arith.constant 320000 : i32
      %mul3A_499 = arith.muli %arg0, %mul3A_498 : i32
      %add3A_500 = arith.addi %mul3A_2, %add3A_494 : i32
      %mul3A_501 = arith.constant 32 : i32
      %mul3A_502 = arith.muli %add3A_500, %mul3A_501 : i32
      %add3A_503 = arith.addi %mul3A_499, %mul3A_502 : i32
      %dma_start3A_504 = arith.constant 0 : i32
      %dma_start3A_505 = arith.constant 0 : i32
      %dma_start3A_506 = tpu.memref_slice %arg20[%dma_start3A_504, %dma_start3A_505] : memref<32x144xf32, #tpu.memory_space<vmem>> -> memref<32x128xf32, #tpu.memory_space<vmem>>
      %dma_start3A_507 = arith.constant 0 : i32
      %dma_start3A_508 = tpu.memref_slice %arg5[%add3A_503, %dma_start3A_507] : memref<640000x128xf32, #tpu.memory_space<hbm>> -> memref<32x128xf32, #tpu.memory_space<hbm>>
      %dma_start3A_509 = arith.constant 0 : i32
      %dma_start3A_510 = arith.constant 0 : i32
      %dma_start3A_511 = tpu.memref_slice %arg20[%dma_start3A_509, %dma_start3A_510] : memref<32x144xf32, #tpu.memory_space<vmem>> -> memref<32x128xf32, #tpu.memory_space<vmem>>
      %dma_start3A_512 = arith.constant 0 : i32
      %dma_start3A_513 = tpu.memref_slice %arg5[%add3A_503, %dma_start3A_512] : memref<640000x128xf32, #tpu.memory_space<hbm>> -> memref<32x128xf32, #tpu.memory_space<hbm>>
      tpu.enqueue_dma source(%dma_start3A_513 : memref<32x128xf32, #tpu.memory_space<hbm>>) target(%dma_start3A_511 : memref<32x128xf32, #tpu.memory_space<vmem>>) target_semaphore(%arg26 : memref<!tpu.dma_semaphore, #tpu.memory_space<semaphore_mem>>)
      %mul3A_514 = arith.constant 320000 : i32
      %mul3A_515 = arith.muli %arg0, %mul3A_514 : i32
      %add3A_516 = arith.addi %mul3A_2, %add3A_494 : i32
      %mul3A_517 = arith.constant 32 : i32
      %mul3A_518 = arith.muli %add3A_516, %mul3A_517 : i32
      %add3A_519 = arith.addi %mul3A_515, %mul3A_518 : i32
      %dma_start3A_520 = arith.constant 0 : i32
      %dma_start3A_521 = arith.constant 128 : i32
      %dma_start3A_522 = tpu.memref_slice %arg20[%dma_start3A_520, %dma_start3A_521] : memref<32x144xf32, #tpu.memory_space<vmem>> -> memref<32x16xf32, #tpu.memory_space<vmem>>
      %dma_start3A_523 = arith.constant 0 : i32
      %dma_start3A_524 = tpu.memref_slice %arg6[%add3A_519, %dma_start3A_523] : memref<640000x16xf32, #tpu.memory_space<hbm>> -> memref<32x16xf32, #tpu.memory_space<hbm>>
      %dma_start3A_525 = arith.constant 0 : i32
      %dma_start3A_526 = arith.constant 128 : i32
      %dma_start3A_527 = tpu.memref_slice %arg20[%dma_start3A_525, %dma_start3A_526] : memref<32x144xf32, #tpu.memory_space<vmem>> -> memref<32x16xf32, #tpu.memory_space<vmem>>
      %dma_start3A_528 = arith.constant 0 : i32
      %dma_start3A_529 = tpu.memref_slice %arg6[%add3A_519, %dma_start3A_528] : memref<640000x16xf32, #tpu.memory_space<hbm>> -> memref<32x16xf32, #tpu.memory_space<hbm>>
      tpu.enqueue_dma source(%dma_start3A_529 : memref<32x16xf32, #tpu.memory_space<hbm>>) target(%dma_start3A_527 : memref<32x16xf32, #tpu.memory_space<vmem>>) target_semaphore(%arg28 : memref<!tpu.dma_semaphore, #tpu.memory_space<semaphore_mem>>)
      %add3A_530 = arith.constant 2 : i32
      %add3A_531 = arith.addi %add3A_463, %add3A_530 : i32
      %le3A_532 = arith.constant 624 : i32
      %le3A_533 = arith.cmpi sle, %add3A_531, %le3A_532 : i32
      %convert_element_type3A_534 = arith.extui %le3A_533 : i1 to i32
      %cond3A_535 = arith.constant 0 : i32
      %cond3A_536 = arith.cmpi ne, %convert_element_type3A_534, %cond3A_535 : i32
      scf.if %cond3A_536 {
        %add3A_713 = arith.constant 2 : i32
        %add3A_714 = arith.addi %add3A_463, %add3A_713 : i32
        %add3A_715 = arith.addi %mul3A_2, %add3A_714 : i32
        %mul3A_716 = arith.constant 32 : i32
        %mul3A_717 = arith.muli %add3A_715, %mul3A_716 : i32
        %dma_start3A_718 = tpu.memref_slice %arg2[%mul3A_717] : memref<320000xi32, #tpu.memory_space<hbm>> -> memref<32xi32, #tpu.memory_space<hbm>>
        %dma_start3A_719 = tpu.memref_slice %arg2[%mul3A_717] : memref<320000xi32, #tpu.memory_space<hbm>> -> memref<32xi32, #tpu.memory_space<hbm>>
        tpu.enqueue_dma source(%dma_start3A_719 : memref<32xi32, #tpu.memory_space<hbm>>) target(%arg9 : memref<32xi32, #tpu.memory_space<vmem>>) target_semaphore(%arg31 : memref<!tpu.dma_semaphore, #tpu.memory_space<semaphore_mem>>)
        %add3A_720 = arith.addi %mul3A_2, %add3A_714 : i32
        %mul3A_721 = arith.constant 32 : i32
        %mul3A_722 = arith.muli %add3A_720, %mul3A_721 : i32
        %dma_start3A_723 = tpu.memref_slice %arg3[%mul3A_722] : memref<320000xi32, #tpu.memory_space<hbm>> -> memref<32xi32, #tpu.memory_space<hbm>>
        %dma_start3A_724 = tpu.memref_slice %arg3[%mul3A_722] : memref<320000xi32, #tpu.memory_space<hbm>> -> memref<32xi32, #tpu.memory_space<hbm>>
        tpu.enqueue_dma source(%dma_start3A_724 : memref<32xi32, #tpu.memory_space<hbm>>) target(%arg13 : memref<32xi32, #tpu.memory_space<vmem>>) target_semaphore(%arg35 : memref<!tpu.dma_semaphore, #tpu.memory_space<semaphore_mem>>)
      } else {
      }
      %dma_wait3A_537 = arith.constant 0 : i32
      %dma_wait3A_538 = arith.constant 0 : i32
      %dma_wait3A_539 = tpu.memref_slice %arg4[%dma_wait3A_537, %dma_wait3A_538] : memref<20000x144xf32, #tpu.memory_space<hbm>> -> memref<20000x144xf32, #tpu.memory_space<hbm>>
      tpu.wait_indirect_dma semaphore(%arg23 : memref<!tpu.dma_semaphore, #tpu.memory_space<semaphore_mem>>) src(%dma_wait3A_539 : memref<20000x144xf32, #tpu.memory_space<hbm>>) dst(%arg17 : memref<32x144xf32, #tpu.memory_space<vmem>>)
      %mul3A_540 = arith.constant 320000 : i32
      %mul3A_541 = arith.muli %arg0, %mul3A_540 : i32
      %add3A_542 = arith.addi %mul3A_2, %add3A_463 : i32
      %mul3A_543 = arith.constant 32 : i32
      %mul3A_544 = arith.muli %add3A_542, %mul3A_543 : i32
      %add3A_545 = arith.addi %mul3A_541, %mul3A_544 : i32
      %dma_wait3A_546 = arith.constant 0 : i32
      %dma_wait3A_547 = arith.constant 0 : i32
      %dma_wait3A_548 = tpu.memref_slice %arg19[%dma_wait3A_546, %dma_wait3A_547] : memref<32x144xf32, #tpu.memory_space<vmem>> -> memref<32x128xf32, #tpu.memory_space<vmem>>
      %dma_wait3A_549 = arith.constant 0 : i32
      %dma_wait3A_550 = tpu.memref_slice %arg5[%add3A_545, %dma_wait3A_549] : memref<640000x128xf32, #tpu.memory_space<hbm>> -> memref<32x128xf32, #tpu.memory_space<hbm>>
      %dma_wait3A_551 = arith.constant 0 : i32
      %dma_wait3A_552 = arith.constant 0 : i32
      %dma_wait3A_553 = tpu.memref_slice %arg19[%dma_wait3A_551, %dma_wait3A_552] : memref<32x144xf32, #tpu.memory_space<vmem>> -> memref<32x128xf32, #tpu.memory_space<vmem>>
      %dma_wait3A_554 = arith.constant 0 : i32
      %dma_wait3A_555 = tpu.memref_slice %arg5[%add3A_545, %dma_wait3A_554] : memref<640000x128xf32, #tpu.memory_space<hbm>> -> memref<32x128xf32, #tpu.memory_space<hbm>>
      tpu.wait_dma2 semaphore(%arg25 : memref<!tpu.dma_semaphore, #tpu.memory_space<semaphore_mem>>) src(%dma_wait3A_555 : memref<32x128xf32, #tpu.memory_space<hbm>>) dst(%dma_wait3A_553 : memref<32x128xf32, #tpu.memory_space<vmem>>)
      %mul3A_556 = arith.constant 320000 : i32
      %mul3A_557 = arith.muli %arg0, %mul3A_556 : i32
      %add3A_558 = arith.addi %mul3A_2, %add3A_463 : i32
      %mul3A_559 = arith.constant 32 : i32
      %mul3A_560 = arith.muli %add3A_558, %mul3A_559 : i32
      %add3A_561 = arith.addi %mul3A_557, %mul3A_560 : i32
      %dma_wait3A_562 = arith.constant 0 : i32
      %dma_wait3A_563 = arith.constant 128 : i32
      %dma_wait3A_564 = tpu.memref_slice %arg19[%dma_wait3A_562, %dma_wait3A_563] : memref<32x144xf32, #tpu.memory_space<vmem>> -> memref<32x16xf32, #tpu.memory_space<vmem>>
      %dma_wait3A_565 = arith.constant 0 : i32
      %dma_wait3A_566 = tpu.memref_slice %arg6[%add3A_561, %dma_wait3A_565] : memref<640000x16xf32, #tpu.memory_space<hbm>> -> memref<32x16xf32, #tpu.memory_space<hbm>>
      %dma_wait3A_567 = arith.constant 0 : i32
      %dma_wait3A_568 = arith.constant 128 : i32
      %dma_wait3A_569 = tpu.memref_slice %arg19[%dma_wait3A_567, %dma_wait3A_568] : memref<32x144xf32, #tpu.memory_space<vmem>> -> memref<32x16xf32, #tpu.memory_space<vmem>>
      %dma_wait3A_570 = arith.constant 0 : i32
      %dma_wait3A_571 = tpu.memref_slice %arg6[%add3A_561, %dma_wait3A_570] : memref<640000x16xf32, #tpu.memory_space<hbm>> -> memref<32x16xf32, #tpu.memory_space<hbm>>
      tpu.wait_dma2 semaphore(%arg27 : memref<!tpu.dma_semaphore, #tpu.memory_space<semaphore_mem>>) src(%dma_wait3A_571 : memref<32x16xf32, #tpu.memory_space<hbm>>) dst(%dma_wait3A_569 : memref<32x16xf32, #tpu.memory_space<vmem>>)
      %scan3A_572 = arith.constant 0 : i32
      %scan3A_573 = arith.constant 0 : i32
      %scan3A_574 = arith.constant 32 : i32
      %scan3A_575 = arith.addi %scan3A_573, %scan3A_574 : i32
      %scan3A_576 = arith.constant 1 : i32
      %scan3A_577 = scf.for %scan3A_713 = %scan3A_573 to %scan3A_575 step %scan3A_576 iter_args(%scan3A_714 = %scan3A_572) -> (i32)  : i32 {
        %get3A_715 = arith.index_cast %scan3A_713 : i32 to index
        %get3A_716 = arith.constant 0 : index
        %get3A_717 = tpu.vector_load %arg17[%get3A_715, %get3A_716] {strides = array<i32>} : memref<32x144xf32, #tpu.memory_space<vmem>>, vector<16xf32>,
        %get3A_718 = arith.index_cast %scan3A_713 : i32 to index
        %get3A_719 = arith.constant 0 : index
        %get3A_720 = tpu.vector_load %arg19[%get3A_718, %get3A_719] {strides = array<i32>} : memref<32x144xf32, #tpu.memory_space<vmem>>, vector<16xf32>,
        %add3A_721 = arith.addf %get3A_717, %get3A_720 : vector<16xf32>
        %mul3A_722 = arith.constant 0.00999999977 : f32
        %mul3A_723 = vector.broadcast %mul3A_722 : f32 to vector<16xf32>
        %mul3A_724 = arith.mulf %add3A_721, %mul3A_723 : vector<16xf32>
        %max3A = arith.maximumf %add3A_721, %mul3A_724 : vector<16xf32>
        %swap3A_725 = arith.index_cast %scan3A_713 : i32 to index
        %swap3A_726 = arith.constant 0 : index
        %swap3A_727 = tpu.vector_load %arg17[%swap3A_725, %swap3A_726] {strides = array<i32>} : memref<32x144xf32, #tpu.memory_space<vmem>>, vector<16xf32>,
        tpu.vector_store %arg17[%swap3A_725, %swap3A_726], %max3A {strides = array<i32>} : memref<32x144xf32, #tpu.memory_space<vmem>>, vector<16xf32>,
        %get3A_728 = arith.index_cast %scan3A_713 : i32 to index
        %get3A_729 = arith.constant 16 : index
        %get3A_730 = tpu.vector_load %arg17[%get3A_728, %get3A_729] {strides = array<i32>} : memref<32x144xf32, #tpu.memory_space<vmem>>, vector<16xf32>,
        %get3A_731 = arith.index_cast %scan3A_713 : i32 to index
        %get3A_732 = arith.constant 16 : index
        %get3A_733 = tpu.vector_load %arg19[%get3A_731, %get3A_732] {strides = array<i32>} : memref<32x144xf32, #tpu.memory_space<vmem>>, vector<16xf32>,
        %add3A_734 = arith.addf %get3A_730, %get3A_733 : vector<16xf32>
        %mul3A_735 = arith.constant 0.00999999977 : f32
        %mul3A_736 = vector.broadcast %mul3A_735 : f32 to vector<16xf32>
        %mul3A_737 = arith.mulf %add3A_734, %mul3A_736 : vector<16xf32>
        %max3A_738 = arith.maximumf %add3A_734, %mul3A_737 : vector<16xf32>
        %swap3A_739 = arith.index_cast %scan3A_713 : i32 to index
        %swap3A_740 = arith.constant 16 : index
        %swap3A_741 = tpu.vector_load %arg17[%swap3A_739, %swap3A_740] {strides = array<i32>} : memref<32x144xf32, #tpu.memory_space<vmem>>, vector<16xf32>,
        tpu.vector_store %arg17[%swap3A_739, %swap3A_740], %max3A_738 {strides = array<i32>} : memref<32x144xf32, #tpu.memory_space<vmem>>, vector<16xf32>,
        %get3A_742 = arith.index_cast %scan3A_713 : i32 to index
        %get3A_743 = arith.constant 32 : index
        %get3A_744 = tpu.vector_load %arg17[%get3A_742, %get3A_743] {strides = array<i32>} : memref<32x144xf32, #tpu.memory_space<vmem>>, vector<16xf32>,
        %get3A_745 = arith.index_cast %scan3A_713 : i32 to index
        %get3A_746 = arith.constant 32 : index
        %get3A_747 = tpu.vector_load %arg19[%get3A_745, %get3A_746] {strides = array<i32>} : memref<32x144xf32, #tpu.memory_space<vmem>>, vector<16xf32>,
        %add3A_748 = arith.addf %get3A_744, %get3A_747 : vector<16xf32>
        %mul3A_749 = arith.constant 0.00999999977 : f32
        %mul3A_750 = vector.broadcast %mul3A_749 : f32 to vector<16xf32>
        %mul3A_751 = arith.mulf %add3A_748, %mul3A_750 : vector<16xf32>
        %max3A_752 = arith.maximumf %add3A_748, %mul3A_751 : vector<16xf32>
        %swap3A_753 = arith.index_cast %scan3A_713 : i32 to index
        %swap3A_754 = arith.constant 32 : index
        %swap3A_755 = tpu.vector_load %arg17[%swap3A_753, %swap3A_754] {strides = array<i32>} : memref<32x144xf32, #tpu.memory_space<vmem>>, vector<16xf32>,
        tpu.vector_store %arg17[%swap3A_753, %swap3A_754], %max3A_752 {strides = array<i32>} : memref<32x144xf32, #tpu.memory_space<vmem>>, vector<16xf32>,
        %get3A_756 = arith.index_cast %scan3A_713 : i32 to index
        %get3A_757 = arith.constant 48 : index
        %get3A_758 = tpu.vector_load %arg17[%get3A_756, %get3A_757] {strides = array<i32>} : memref<32x144xf32, #tpu.memory_space<vmem>>, vector<16xf32>,
        %get3A_759 = arith.index_cast %scan3A_713 : i32 to index
        %get3A_760 = arith.constant 48 : index
        %get3A_761 = tpu.vector_load %arg19[%get3A_759, %get3A_760] {strides = array<i32>} : memref<32x144xf32, #tpu.memory_space<vmem>>, vector<16xf32>,
        %add3A_762 = arith.addf %get3A_758, %get3A_761 : vector<16xf32>
        %mul3A_763 = arith.constant 0.00999999977 : f32
        %mul3A_764 = vector.broadcast %mul3A_763 : f32 to vector<16xf32>
        %mul3A_765 = arith.mulf %add3A_762, %mul3A_764 : vector<16xf32>
        %max3A_766 = arith.maximumf %add3A_762, %mul3A_765 : vector<16xf32>
        %swap3A_767 = arith.index_cast %scan3A_713 : i32 to index
        %swap3A_768 = arith.constant 48 : index
        %swap3A_769 = tpu.vector_load %arg17[%swap3A_767, %swap3A_768] {strides = array<i32>} : memref<32x144xf32, #tpu.memory_space<vmem>>, vector<16xf32>,
        tpu.vector_store %arg17[%swap3A_767, %swap3A_768], %max3A_766 {strides = array<i32>} : memref<32x144xf32, #tpu.memory_space<vmem>>, vector<16xf32>,
        %get3A_770 = arith.index_cast %scan3A_713 : i32 to index
        %get3A_771 = arith.constant 64 : index
        %get3A_772 = tpu.vector_load %arg17[%get3A_770, %get3A_771] {strides = array<i32>} : memref<32x144xf32, #tpu.memory_space<vmem>>, vector<16xf32>,
        %get3A_773 = arith.index_cast %scan3A_713 : i32 to index
        %get3A_774 = arith.constant 64 : index
        %get3A_775 = tpu.vector_load %arg19[%get3A_773, %get3A_774] {strides = array<i32>} : memref<32x144xf32, #tpu.memory_space<vmem>>, vector<16xf32>,
        %add3A_776 = arith.addf %get3A_772, %get3A_775 : vector<16xf32>
        %mul3A_777 = arith.constant 0.00999999977 : f32
        %mul3A_778 = vector.broadcast %mul3A_777 : f32 to vector<16xf32>
        %mul3A_779 = arith.mulf %add3A_776, %mul3A_778 : vector<16xf32>
        %max3A_780 = arith.maximumf %add3A_776, %mul3A_779 : vector<16xf32>
        %swap3A_781 = arith.index_cast %scan3A_713 : i32 to index
        %swap3A_782 = arith.constant 64 : index
        %swap3A_783 = tpu.vector_load %arg17[%swap3A_781, %swap3A_782] {strides = array<i32>} : memref<32x144xf32, #tpu.memory_space<vmem>>, vector<16xf32>,
        tpu.vector_store %arg17[%swap3A_781, %swap3A_782], %max3A_780 {strides = array<i32>} : memref<32x144xf32, #tpu.memory_space<vmem>>, vector<16xf32>,
        %get3A_784 = arith.index_cast %scan3A_713 : i32 to index
        %get3A_785 = arith.constant 80 : index
        %get3A_786 = tpu.vector_load %arg17[%get3A_784, %get3A_785] {strides = array<i32>} : memref<32x144xf32, #tpu.memory_space<vmem>>, vector<16xf32>,
        %get3A_787 = arith.index_cast %scan3A_713 : i32 to index
        %get3A_788 = arith.constant 80 : index
        %get3A_789 = tpu.vector_load %arg19[%get3A_787, %get3A_788] {strides = array<i32>} : memref<32x144xf32, #tpu.memory_space<vmem>>, vector<16xf32>,
        %add3A_790 = arith.addf %get3A_786, %get3A_789 : vector<16xf32>
        %mul3A_791 = arith.constant 0.00999999977 : f32
        %mul3A_792 = vector.broadcast %mul3A_791 : f32 to vector<16xf32>
        %mul3A_793 = arith.mulf %add3A_790, %mul3A_792 : vector<16xf32>
        %max3A_794 = arith.maximumf %add3A_790, %mul3A_793 : vector<16xf32>
        %swap3A_795 = arith.index_cast %scan3A_713 : i32 to index
        %swap3A_796 = arith.constant 80 : index
        %swap3A_797 = tpu.vector_load %arg17[%swap3A_795, %swap3A_796] {strides = array<i32>} : memref<32x144xf32, #tpu.memory_space<vmem>>, vector<16xf32>,
        tpu.vector_store %arg17[%swap3A_795, %swap3A_796], %max3A_794 {strides = array<i32>} : memref<32x144xf32, #tpu.memory_space<vmem>>, vector<16xf32>,
        %get3A_798 = arith.index_cast %scan3A_713 : i32 to index
        %get3A_799 = arith.constant 96 : index
        %get3A_800 = tpu.vector_load %arg17[%get3A_798, %get3A_799] {strides = array<i32>} : memref<32x144xf32, #tpu.memory_space<vmem>>, vector<16xf32>,
        %get3A_801 = arith.index_cast %scan3A_713 : i32 to index
        %get3A_802 = arith.constant 96 : index
        %get3A_803 = tpu.vector_load %arg19[%get3A_801, %get3A_802] {strides = array<i32>} : memref<32x144xf32, #tpu.memory_space<vmem>>, vector<16xf32>,
        %add3A_804 = arith.addf %get3A_800, %get3A_803 : vector<16xf32>
        %mul3A_805 = arith.constant 0.00999999977 : f32
        %mul3A_806 = vector.broadcast %mul3A_805 : f32 to vector<16xf32>
        %mul3A_807 = arith.mulf %add3A_804, %mul3A_806 : vector<16xf32>
        %max3A_808 = arith.maximumf %add3A_804, %mul3A_807 : vector<16xf32>
        %swap3A_809 = arith.index_cast %scan3A_713 : i32 to index
        %swap3A_810 = arith.constant 96 : index
        %swap3A_811 = tpu.vector_load %arg17[%swap3A_809, %swap3A_810] {strides = array<i32>} : memref<32x144xf32, #tpu.memory_space<vmem>>, vector<16xf32>,
        tpu.vector_store %arg17[%swap3A_809, %swap3A_810], %max3A_808 {strides = array<i32>} : memref<32x144xf32, #tpu.memory_space<vmem>>, vector<16xf32>,
        %get3A_812 = arith.index_cast %scan3A_713 : i32 to index
        %get3A_813 = arith.constant 112 : index
        %get3A_814 = tpu.vector_load %arg17[%get3A_812, %get3A_813] {strides = array<i32>} : memref<32x144xf32, #tpu.memory_space<vmem>>, vector<16xf32>,
        %get3A_815 = arith.index_cast %scan3A_713 : i32 to index
        %get3A_816 = arith.constant 112 : index
        %get3A_817 = tpu.vector_load %arg19[%get3A_815, %get3A_816] {strides = array<i32>} : memref<32x144xf32, #tpu.memory_space<vmem>>, vector<16xf32>,
        %add3A_818 = arith.addf %get3A_814, %get3A_817 : vector<16xf32>
        %mul3A_819 = arith.constant 0.00999999977 : f32
        %mul3A_820 = vector.broadcast %mul3A_819 : f32 to vector<16xf32>
        %mul3A_821 = arith.mulf %add3A_818, %mul3A_820 : vector<16xf32>
        %max3A_822 = arith.maximumf %add3A_818, %mul3A_821 : vector<16xf32>
        %swap3A_823 = arith.index_cast %scan3A_713 : i32 to index
        %swap3A_824 = arith.constant 112 : index
        %swap3A_825 = tpu.vector_load %arg17[%swap3A_823, %swap3A_824] {strides = array<i32>} : memref<32x144xf32, #tpu.memory_space<vmem>>, vector<16xf32>,
        tpu.vector_store %arg17[%swap3A_823, %swap3A_824], %max3A_822 {strides = array<i32>} : memref<32x144xf32, #tpu.memory_space<vmem>>, vector<16xf32>,
        %get3A_826 = arith.index_cast %scan3A_713 : i32 to index
        %get3A_827 = arith.constant 128 : index
        %get3A_828 = tpu.vector_load %arg17[%get3A_826, %get3A_827] {strides = array<i32>} : memref<32x144xf32, #tpu.memory_space<vmem>>, vector<16xf32>,
        %get3A_829 = arith.index_cast %scan3A_713 : i32 to index
        %get3A_830 = arith.constant 128 : index
        %get3A_831 = tpu.vector_load %arg19[%get3A_829, %get3A_830] {strides = array<i32>} : memref<32x144xf32, #tpu.memory_space<vmem>>, vector<16xf32>,
        %add3A_832 = arith.addf %get3A_828, %get3A_831 : vector<16xf32>
        %mul3A_833 = arith.constant 0.00999999977 : f32
        %mul3A_834 = vector.broadcast %mul3A_833 : f32 to vector<16xf32>
        %mul3A_835 = arith.mulf %add3A_832, %mul3A_834 : vector<16xf32>
        %max3A_836 = arith.maximumf %add3A_832, %mul3A_835 : vector<16xf32>
        %swap3A_837 = arith.index_cast %scan3A_713 : i32 to index
        %swap3A_838 = arith.constant 128 : index
        %swap3A_839 = tpu.vector_load %arg17[%swap3A_837, %swap3A_838] {strides = array<i32>} : memref<32x144xf32, #tpu.memory_space<vmem>>, vector<16xf32>,
        tpu.vector_store %arg17[%swap3A_837, %swap3A_838], %max3A_836 {strides = array<i32>} : memref<32x144xf32, #tpu.memory_space<vmem>>, vector<16xf32>,
        %scan3A_840 = arith.constant 0 : i32
        scf.yield %scan3A_840 : i32
      }
      %scan3A_578 = arith.constant 32 : i32
      %dma_start3A_579 = arith.constant 0 : i32
      %dma_start3A_580 = arith.constant 0 : i32
      %dma_start3A_581 = tpu.memref_slice %arg22[%dma_start3A_579, %dma_start3A_580] : memref<10000x144xf32, #tpu.memory_space<vmem_shared>> -> memref<10000x144xf32, #tpu.memory_space<vmem_shared>>
      tpu.enqueue_indirect_dma source(%arg17 : memref<32x144xf32, #tpu.memory_space<vmem>>) target(%dma_start3A_581 : memref<10000x144xf32, #tpu.memory_space<vmem_shared>>) offsets(%arg15 : memref<32xi32, #tpu.memory_space<vmem>>) semaphore(%arg29 : memref<!tpu.dma_semaphore, #tpu.memory_space<semaphore_mem>>) {add = true}
      %get3A_582 = arith.constant 0 : index
      %get3A_583 = tpu.vector_load %arg15[%get3A_582] {strides = array<i32>} : memref<32xi32, #tpu.memory_space<vmem>>, vector<16xi32>,
      tpu.vector_store_idx %arg21[%get3A_583], %broadcast_in_dim3A_57 {add = true} : memref<10000xi32, #tpu.memory_space<vmem>>[vector<16xi32>], vector<16xi32>,
      %get3A_584 = arith.constant 16 : index
      %get3A_585 = tpu.vector_load %arg15[%get3A_584] {strides = array<i32>} : memref<32xi32, #tpu.memory_space<vmem>>, vector<16xi32>,
      tpu.vector_store_idx %arg21[%get3A_585], %broadcast_in_dim3A_57 {add = true} : memref<10000xi32, #tpu.memory_space<vmem>>[vector<16xi32>], vector<16xi32>,
      %mul3A_586 = arith.constant 4 : i32
      %mul3A_587 = arith.muli %scan3A_210, %mul3A_586 : i32
      %add3A_588 = arith.constant 3 : i32
      %add3A_589 = arith.addi %mul3A_587, %add3A_588 : i32
      %ge3A_590 = arith.constant 1 : i32
      %ge3A_591 = arith.cmpi sge, %add3A_589, %ge3A_590 : i32
      %convert_element_type3A_592 = arith.extui %ge3A_591 : i1 to i32
      %cond3A_593 = arith.constant 0 : i32
      %cond3A_594 = arith.cmpi ne, %convert_element_type3A_592, %cond3A_593 : i32
      scf.if %cond3A_594 {
        %dma_wait3A_713 = arith.constant 0 : i32
        %dma_wait3A_714 = arith.constant 0 : i32
        %dma_wait3A_715 = tpu.memref_slice %arg22[%dma_wait3A_713, %dma_wait3A_714] : memref<10000x144xf32, #tpu.memory_space<vmem_shared>> -> memref<10000x144xf32, #tpu.memory_space<vmem_shared>>
        tpu.wait_indirect_dma semaphore(%arg29 : memref<!tpu.dma_semaphore, #tpu.memory_space<semaphore_mem>>) src(%arg17 : memref<32x144xf32, #tpu.memory_space<vmem>>) dst(%dma_wait3A_715 : memref<10000x144xf32, #tpu.memory_space<vmem_shared>>)
      } else {
      }
      %add3A_595 = arith.constant 1 : i32
      %add3A_596 = arith.addi %add3A_589, %add3A_595 : i32
      %add3A_597 = arith.addi %mul3A_2, %add3A_596 : i32
      %mul3A_598 = arith.constant 32 : i32
      %mul3A_599 = arith.muli %add3A_597, %mul3A_598 : i32
      %dma_wait3A_600 = tpu.memref_slice %arg2[%mul3A_599] : memref<320000xi32, #tpu.memory_space<hbm>> -> memref<32xi32, #tpu.memory_space<hbm>>
      %dma_wait3A_601 = tpu.memref_slice %arg2[%mul3A_599] : memref<320000xi32, #tpu.memory_space<hbm>> -> memref<32xi32, #tpu.memory_space<hbm>>
      tpu.wait_dma2 semaphore(%arg31 : memref<!tpu.dma_semaphore, #tpu.memory_space<semaphore_mem>>) src(%dma_wait3A_601 : memref<32xi32, #tpu.memory_space<hbm>>) dst(%arg9 : memref<32xi32, #tpu.memory_space<vmem>>)
      %add3A_602 = arith.addi %mul3A_2, %add3A_596 : i32
      %mul3A_603 = arith.constant 32 : i32
      %mul3A_604 = arith.muli %add3A_602, %mul3A_603 : i32
      %dma_wait3A_605 = tpu.memref_slice %arg3[%mul3A_604] : memref<320000xi32, #tpu.memory_space<hbm>> -> memref<32xi32, #tpu.memory_space<hbm>>
      %dma_wait3A_606 = tpu.memref_slice %arg3[%mul3A_604] : memref<320000xi32, #tpu.memory_space<hbm>> -> memref<32xi32, #tpu.memory_space<hbm>>
      tpu.wait_dma2 semaphore(%arg35 : memref<!tpu.dma_semaphore, #tpu.memory_space<semaphore_mem>>) src(%dma_wait3A_606 : memref<32xi32, #tpu.memory_space<hbm>>) dst(%arg13 : memref<32xi32, #tpu.memory_space<vmem>>)
      %get3A_607 = arith.constant 0 : index
      %get3A_608 = tpu.vector_load %arg9[%get3A_607] {strides = array<i32>} : memref<32xi32, #tpu.memory_space<vmem>>, vector<16xi32>,
      %add3A_609 = vector.broadcast %mul3A_0 : i32 to vector<16xi32>
      %add3A_610 = arith.addi %get3A_608, %add3A_609 : vector<16xi32>
      %swap3A_611 = arith.constant 0 : index
      %swap3A_612 = tpu.vector_load %arg9[%swap3A_611] {strides = array<i32>} : memref<32xi32, #tpu.memory_space<vmem>>, vector<16xi32>,
      tpu.vector_store %arg9[%swap3A_611], %add3A_610 {strides = array<i32>} : memref<32xi32, #tpu.memory_space<vmem>>, vector<16xi32>,
      %get3A_613 = arith.constant 16 : index
      %get3A_614 = tpu.vector_load %arg9[%get3A_613] {strides = array<i32>} : memref<32xi32, #tpu.memory_space<vmem>>, vector<16xi32>,
      %add3A_615 = vector.broadcast %mul3A_0 : i32 to vector<16xi32>
      %add3A_616 = arith.addi %get3A_614, %add3A_615 : vector<16xi32>
      %swap3A_617 = arith.constant 16 : index
      %swap3A_618 = tpu.vector_load %arg9[%swap3A_617] {strides = array<i32>} : memref<32xi32, #tpu.memory_space<vmem>>, vector<16xi32>,
      tpu.vector_store %arg9[%swap3A_617], %add3A_616 {strides = array<i32>} : memref<32xi32, #tpu.memory_space<vmem>>, vector<16xi32>,
      %add3A_619 = arith.constant 1 : i32
      %add3A_620 = arith.addi %add3A_589, %add3A_619 : i32
      %dma_start3A_621 = arith.constant 0 : i32
      %dma_start3A_622 = arith.constant 0 : i32
      %dma_start3A_623 = tpu.memref_slice %arg4[%dma_start3A_621, %dma_start3A_622] : memref<20000x144xf32, #tpu.memory_space<hbm>> -> memref<20000x144xf32, #tpu.memory_space<hbm>>
      tpu.enqueue_indirect_dma source(%dma_start3A_623 : memref<20000x144xf32, #tpu.memory_space<hbm>>) target(%arg17 : memref<32x144xf32, #tpu.memory_space<vmem>>) offsets(%arg9 : memref<32xi32, #tpu.memory_space<vmem>>) semaphore(%arg23 : memref<!tpu.dma_semaphore, #tpu.memory_space<semaphore_mem>>)
      %mul3A_624 = arith.constant 320000 : i32
      %mul3A_625 = arith.muli %arg0, %mul3A_624 : i32
      %add3A_626 = arith.addi %mul3A_2, %add3A_620 : i32
      %mul3A_627 = arith.constant 32 : i32
      %mul3A_628 = arith.muli %add3A_626, %mul3A_627 : i32
      %add3A_629 = arith.addi %mul3A_625, %mul3A_628 : i32
      %dma_start3A_630 = arith.constant 0 : i32
      %dma_start3A_631 = arith.constant 0 : i32
      %dma_start3A_632 = tpu.memref_slice %arg19[%dma_start3A_630, %dma_start3A_631] : memref<32x144xf32, #tpu.memory_space<vmem>> -> memref<32x128xf32, #tpu.memory_space<vmem>>
      %dma_start3A_633 = arith.constant 0 : i32
      %dma_start3A_634 = tpu.memref_slice %arg5[%add3A_629, %dma_start3A_633] : memref<640000x128xf32, #tpu.memory_space<hbm>> -> memref<32x128xf32, #tpu.memory_space<hbm>>
      %dma_start3A_635 = arith.constant 0 : i32
      %dma_start3A_636 = arith.constant 0 : i32
      %dma_start3A_637 = tpu.memref_slice %arg19[%dma_start3A_635, %dma_start3A_636] : memref<32x144xf32, #tpu.memory_space<vmem>> -> memref<32x128xf32, #tpu.memory_space<vmem>>
      %dma_start3A_638 = arith.constant 0 : i32
      %dma_start3A_639 = tpu.memref_slice %arg5[%add3A_629, %dma_start3A_638] : memref<640000x128xf32, #tpu.memory_space<hbm>> -> memref<32x128xf32, #tpu.memory_space<hbm>>
      tpu.enqueue_dma source(%dma_start3A_639 : memref<32x128xf32, #tpu.memory_space<hbm>>) target(%dma_start3A_637 : memref<32x128xf32, #tpu.memory_space<vmem>>) target_semaphore(%arg25 : memref<!tpu.dma_semaphore, #tpu.memory_space<semaphore_mem>>)
      %mul3A_640 = arith.constant 320000 : i32
      %mul3A_641 = arith.muli %arg0, %mul3A_640 : i32
      %add3A_642 = arith.addi %mul3A_2, %add3A_620 : i32
      %mul3A_643 = arith.constant 32 : i32
      %mul3A_644 = arith.muli %add3A_642, %mul3A_643 : i32
      %add3A_645 = arith.addi %mul3A_641, %mul3A_644 : i32
      %dma_start3A_646 = arith.constant 0 : i32
      %dma_start3A_647 = arith.constant 128 : i32
      %dma_start3A_648 = tpu.memref_slice %arg19[%dma_start3A_646, %dma_start3A_647] : memref<32x144xf32, #tpu.memory_space<vmem>> -> memref<32x16xf32, #tpu.memory_space<vmem>>
      %dma_start3A_649 = arith.constant 0 : i32
      %dma_start3A_650 = tpu.memref_slice %arg6[%add3A_645, %dma_start3A_649] : memref<640000x16xf32, #tpu.memory_space<hbm>> -> memref<32x16xf32, #tpu.memory_space<hbm>>
      %dma_start3A_651 = arith.constant 0 : i32
      %dma_start3A_652 = arith.constant 128 : i32
      %dma_start3A_653 = tpu.memref_slice %arg19[%dma_start3A_651, %dma_start3A_652] : memref<32x144xf32, #tpu.memory_space<vmem>> -> memref<32x16xf32, #tpu.memory_space<vmem>>
      %dma_start3A_654 = arith.constant 0 : i32
      %dma_start3A_655 = tpu.memref_slice %arg6[%add3A_645, %dma_start3A_654] : memref<640000x16xf32, #tpu.memory_space<hbm>> -> memref<32x16xf32, #tpu.memory_space<hbm>>
      tpu.enqueue_dma source(%dma_start3A_655 : memref<32x16xf32, #tpu.memory_space<hbm>>) target(%dma_start3A_653 : memref<32x16xf32, #tpu.memory_space<vmem>>) target_semaphore(%arg27 : memref<!tpu.dma_semaphore, #tpu.memory_space<semaphore_mem>>)
      %add3A_656 = arith.constant 2 : i32
      %add3A_657 = arith.addi %add3A_589, %add3A_656 : i32
      %le3A_658 = arith.constant 624 : i32
      %le3A_659 = arith.cmpi sle, %add3A_657, %le3A_658 : i32
      %convert_element_type3A_660 = arith.extui %le3A_659 : i1 to i32
      %cond3A_661 = arith.constant 0 : i32
      %cond3A_662 = arith.cmpi ne, %convert_element_type3A_660, %cond3A_661 : i32
      scf.if %cond3A_662 {
        %add3A_713 = arith.constant 2 : i32
        %add3A_714 = arith.addi %add3A_589, %add3A_713 : i32
        %add3A_715 = arith.addi %mul3A_2, %add3A_714 : i32
        %mul3A_716 = arith.constant 32 : i32
        %mul3A_717 = arith.muli %add3A_715, %mul3A_716 : i32
        %dma_start3A_718 = tpu.memref_slice %arg2[%mul3A_717] : memref<320000xi32, #tpu.memory_space<hbm>> -> memref<32xi32, #tpu.memory_space<hbm>>
        %dma_start3A_719 = tpu.memref_slice %arg2[%mul3A_717] : memref<320000xi32, #tpu.memory_space<hbm>> -> memref<32xi32, #tpu.memory_space<hbm>>
        tpu.enqueue_dma source(%dma_start3A_719 : memref<32xi32, #tpu.memory_space<hbm>>) target(%arg10 : memref<32xi32, #tpu.memory_space<vmem>>) target_semaphore(%arg32 : memref<!tpu.dma_semaphore, #tpu.memory_space<semaphore_mem>>)
        %add3A_720 = arith.addi %mul3A_2, %add3A_714 : i32
        %mul3A_721 = arith.constant 32 : i32
        %mul3A_722 = arith.muli %add3A_720, %mul3A_721 : i32
        %dma_start3A_723 = tpu.memref_slice %arg3[%mul3A_722] : memref<320000xi32, #tpu.memory_space<hbm>> -> memref<32xi32, #tpu.memory_space<hbm>>
        %dma_start3A_724 = tpu.memref_slice %arg3[%mul3A_722] : memref<320000xi32, #tpu.memory_space<hbm>> -> memref<32xi32, #tpu.memory_space<hbm>>
        tpu.enqueue_dma source(%dma_start3A_724 : memref<32xi32, #tpu.memory_space<hbm>>) target(%arg14 : memref<32xi32, #tpu.memory_space<vmem>>) target_semaphore(%arg36 : memref<!tpu.dma_semaphore, #tpu.memory_space<semaphore_mem>>)
      } else {
      }
      %dma_wait3A_663 = arith.constant 0 : i32
      %dma_wait3A_664 = arith.constant 0 : i32
      %dma_wait3A_665 = tpu.memref_slice %arg4[%dma_wait3A_663, %dma_wait3A_664] : memref<20000x144xf32, #tpu.memory_space<hbm>> -> memref<20000x144xf32, #tpu.memory_space<hbm>>
      tpu.wait_indirect_dma semaphore(%arg24 : memref<!tpu.dma_semaphore, #tpu.memory_space<semaphore_mem>>) src(%dma_wait3A_665 : memref<20000x144xf32, #tpu.memory_space<hbm>>) dst(%arg18 : memref<32x144xf32, #tpu.memory_space<vmem>>)
      %mul3A_666 = arith.constant 320000 : i32
      %mul3A_667 = arith.muli %arg0, %mul3A_666 : i32
      %add3A_668 = arith.addi %mul3A_2, %add3A_589 : i32
      %mul3A_669 = arith.constant 32 : i32
      %mul3A_670 = arith.muli %add3A_668, %mul3A_669 : i32
      %add3A_671 = arith.addi %mul3A_667, %mul3A_670 : i32
      %dma_wait3A_672 = arith.constant 0 : i32
      %dma_wait3A_673 = arith.constant 0 : i32
      %dma_wait3A_674 = tpu.memref_slice %arg20[%dma_wait3A_672, %dma_wait3A_673] : memref<32x144xf32, #tpu.memory_space<vmem>> -> memref<32x128xf32, #tpu.memory_space<vmem>>
      %dma_wait3A_675 = arith.constant 0 : i32
      %dma_wait3A_676 = tpu.memref_slice %arg5[%add3A_671, %dma_wait3A_675] : memref<640000x128xf32, #tpu.memory_space<hbm>> -> memref<32x128xf32, #tpu.memory_space<hbm>>
      %dma_wait3A_677 = arith.constant 0 : i32
      %dma_wait3A_678 = arith.constant 0 : i32
      %dma_wait3A_679 = tpu.memref_slice %arg20[%dma_wait3A_677, %dma_wait3A_678] : memref<32x144xf32, #tpu.memory_space<vmem>> -> memref<32x128xf32, #tpu.memory_space<vmem>>
      %dma_wait3A_680 = arith.constant 0 : i32
      %dma_wait3A_681 = tpu.memref_slice %arg5[%add3A_671, %dma_wait3A_680] : memref<640000x128xf32, #tpu.memory_space<hbm>> -> memref<32x128xf32, #tpu.memory_space<hbm>>
      tpu.wait_dma2 semaphore(%arg26 : memref<!tpu.dma_semaphore, #tpu.memory_space<semaphore_mem>>) src(%dma_wait3A_681 : memref<32x128xf32, #tpu.memory_space<hbm>>) dst(%dma_wait3A_679 : memref<32x128xf32, #tpu.memory_space<vmem>>)
      %mul3A_682 = arith.constant 320000 : i32
      %mul3A_683 = arith.muli %arg0, %mul3A_682 : i32
      %add3A_684 = arith.addi %mul3A_2, %add3A_589 : i32
      %mul3A_685 = arith.constant 32 : i32
      %mul3A_686 = arith.muli %add3A_684, %mul3A_685 : i32
      %add3A_687 = arith.addi %mul3A_683, %mul3A_686 : i32
      %dma_wait3A_688 = arith.constant 0 : i32
      %dma_wait3A_689 = arith.constant 128 : i32
      %dma_wait3A_690 = tpu.memref_slice %arg20[%dma_wait3A_688, %dma_wait3A_689] : memref<32x144xf32, #tpu.memory_space<vmem>> -> memref<32x16xf32, #tpu.memory_space<vmem>>
      %dma_wait3A_691 = arith.constant 0 : i32
      %dma_wait3A_692 = tpu.memref_slice %arg6[%add3A_687, %dma_wait3A_691] : memref<640000x16xf32, #tpu.memory_space<hbm>> -> memref<32x16xf32, #tpu.memory_space<hbm>>
      %dma_wait3A_693 = arith.constant 0 : i32
      %dma_wait3A_694 = arith.constant 128 : i32
      %dma_wait3A_695 = tpu.memref_slice %arg20[%dma_wait3A_693, %dma_wait3A_694] : memref<32x144xf32, #tpu.memory_space<vmem>> -> memref<32x16xf32, #tpu.memory_space<vmem>>
      %dma_wait3A_696 = arith.constant 0 : i32
      %dma_wait3A_697 = tpu.memref_slice %arg6[%add3A_687, %dma_wait3A_696] : memref<640000x16xf32, #tpu.memory_space<hbm>> -> memref<32x16xf32, #tpu.memory_space<hbm>>
      tpu.wait_dma2 semaphore(%arg28 : memref<!tpu.dma_semaphore, #tpu.memory_space<semaphore_mem>>) src(%dma_wait3A_697 : memref<32x16xf32, #tpu.memory_space<hbm>>) dst(%dma_wait3A_695 : memref<32x16xf32, #tpu.memory_space<vmem>>)
      %scan3A_698 = arith.constant 0 : i32
      %scan3A_699 = arith.constant 0 : i32
      %scan3A_700 = arith.constant 32 : i32
      %scan3A_701 = arith.addi %scan3A_699, %scan3A_700 : i32
      %scan3A_702 = arith.constant 1 : i32
      %scan3A_703 = scf.for %scan3A_713 = %scan3A_699 to %scan3A_701 step %scan3A_702 iter_args(%scan3A_714 = %scan3A_698) -> (i32)  : i32 {
        %get3A_715 = arith.index_cast %scan3A_713 : i32 to index
        %get3A_716 = arith.constant 0 : index
        %get3A_717 = tpu.vector_load %arg18[%get3A_715, %get3A_716] {strides = array<i32>} : memref<32x144xf32, #tpu.memory_space<vmem>>, vector<16xf32>,
        %get3A_718 = arith.index_cast %scan3A_713 : i32 to index
        %get3A_719 = arith.constant 0 : index
        %get3A_720 = tpu.vector_load %arg20[%get3A_718, %get3A_719] {strides = array<i32>} : memref<32x144xf32, #tpu.memory_space<vmem>>, vector<16xf32>,
        %add3A_721 = arith.addf %get3A_717, %get3A_720 : vector<16xf32>
        %mul3A_722 = arith.constant 0.00999999977 : f32
        %mul3A_723 = vector.broadcast %mul3A_722 : f32 to vector<16xf32>
        %mul3A_724 = arith.mulf %add3A_721, %mul3A_723 : vector<16xf32>
        %max3A = arith.maximumf %add3A_721, %mul3A_724 : vector<16xf32>
        %swap3A_725 = arith.index_cast %scan3A_713 : i32 to index
        %swap3A_726 = arith.constant 0 : index
        %swap3A_727 = tpu.vector_load %arg18[%swap3A_725, %swap3A_726] {strides = array<i32>} : memref<32x144xf32, #tpu.memory_space<vmem>>, vector<16xf32>,
        tpu.vector_store %arg18[%swap3A_725, %swap3A_726], %max3A {strides = array<i32>} : memref<32x144xf32, #tpu.memory_space<vmem>>, vector<16xf32>,
        %get3A_728 = arith.index_cast %scan3A_713 : i32 to index
        %get3A_729 = arith.constant 16 : index
        %get3A_730 = tpu.vector_load %arg18[%get3A_728, %get3A_729] {strides = array<i32>} : memref<32x144xf32, #tpu.memory_space<vmem>>, vector<16xf32>,
        %get3A_731 = arith.index_cast %scan3A_713 : i32 to index
        %get3A_732 = arith.constant 16 : index
        %get3A_733 = tpu.vector_load %arg20[%get3A_731, %get3A_732] {strides = array<i32>} : memref<32x144xf32, #tpu.memory_space<vmem>>, vector<16xf32>,
        %add3A_734 = arith.addf %get3A_730, %get3A_733 : vector<16xf32>
        %mul3A_735 = arith.constant 0.00999999977 : f32
        %mul3A_736 = vector.broadcast %mul3A_735 : f32 to vector<16xf32>
        %mul3A_737 = arith.mulf %add3A_734, %mul3A_736 : vector<16xf32>
        %max3A_738 = arith.maximumf %add3A_734, %mul3A_737 : vector<16xf32>
        %swap3A_739 = arith.index_cast %scan3A_713 : i32 to index
        %swap3A_740 = arith.constant 16 : index
        %swap3A_741 = tpu.vector_load %arg18[%swap3A_739, %swap3A_740] {strides = array<i32>} : memref<32x144xf32, #tpu.memory_space<vmem>>, vector<16xf32>,
        tpu.vector_store %arg18[%swap3A_739, %swap3A_740], %max3A_738 {strides = array<i32>} : memref<32x144xf32, #tpu.memory_space<vmem>>, vector<16xf32>,
        %get3A_742 = arith.index_cast %scan3A_713 : i32 to index
        %get3A_743 = arith.constant 32 : index
        %get3A_744 = tpu.vector_load %arg18[%get3A_742, %get3A_743] {strides = array<i32>} : memref<32x144xf32, #tpu.memory_space<vmem>>, vector<16xf32>,
        %get3A_745 = arith.index_cast %scan3A_713 : i32 to index
        %get3A_746 = arith.constant 32 : index
        %get3A_747 = tpu.vector_load %arg20[%get3A_745, %get3A_746] {strides = array<i32>} : memref<32x144xf32, #tpu.memory_space<vmem>>, vector<16xf32>,
        %add3A_748 = arith.addf %get3A_744, %get3A_747 : vector<16xf32>
        %mul3A_749 = arith.constant 0.00999999977 : f32
        %mul3A_750 = vector.broadcast %mul3A_749 : f32 to vector<16xf32>
        %mul3A_751 = arith.mulf %add3A_748, %mul3A_750 : vector<16xf32>
        %max3A_752 = arith.maximumf %add3A_748, %mul3A_751 : vector<16xf32>
        %swap3A_753 = arith.index_cast %scan3A_713 : i32 to index
        %swap3A_754 = arith.constant 32 : index
        %swap3A_755 = tpu.vector_load %arg18[%swap3A_753, %swap3A_754] {strides = array<i32>} : memref<32x144xf32, #tpu.memory_space<vmem>>, vector<16xf32>,
        tpu.vector_store %arg18[%swap3A_753, %swap3A_754], %max3A_752 {strides = array<i32>} : memref<32x144xf32, #tpu.memory_space<vmem>>, vector<16xf32>,
        %get3A_756 = arith.index_cast %scan3A_713 : i32 to index
        %get3A_757 = arith.constant 48 : index
        %get3A_758 = tpu.vector_load %arg18[%get3A_756, %get3A_757] {strides = array<i32>} : memref<32x144xf32, #tpu.memory_space<vmem>>, vector<16xf32>,
        %get3A_759 = arith.index_cast %scan3A_713 : i32 to index
        %get3A_760 = arith.constant 48 : index
        %get3A_761 = tpu.vector_load %arg20[%get3A_759, %get3A_760] {strides = array<i32>} : memref<32x144xf32, #tpu.memory_space<vmem>>, vector<16xf32>,
        %add3A_762 = arith.addf %get3A_758, %get3A_761 : vector<16xf32>
        %mul3A_763 = arith.constant 0.00999999977 : f32
        %mul3A_764 = vector.broadcast %mul3A_763 : f32 to vector<16xf32>
        %mul3A_765 = arith.mulf %add3A_762, %mul3A_764 : vector<16xf32>
        %max3A_766 = arith.maximumf %add3A_762, %mul3A_765 : vector<16xf32>
        %swap3A_767 = arith.index_cast %scan3A_713 : i32 to index
        %swap3A_768 = arith.constant 48 : index
        %swap3A_769 = tpu.vector_load %arg18[%swap3A_767, %swap3A_768] {strides = array<i32>} : memref<32x144xf32, #tpu.memory_space<vmem>>, vector<16xf32>,
        tpu.vector_store %arg18[%swap3A_767, %swap3A_768], %max3A_766 {strides = array<i32>} : memref<32x144xf32, #tpu.memory_space<vmem>>, vector<16xf32>,
        %get3A_770 = arith.index_cast %scan3A_713 : i32 to index
        %get3A_771 = arith.constant 64 : index
        %get3A_772 = tpu.vector_load %arg18[%get3A_770, %get3A_771] {strides = array<i32>} : memref<32x144xf32, #tpu.memory_space<vmem>>, vector<16xf32>,
        %get3A_773 = arith.index_cast %scan3A_713 : i32 to index
        %get3A_774 = arith.constant 64 : index
        %get3A_775 = tpu.vector_load %arg20[%get3A_773, %get3A_774] {strides = array<i32>} : memref<32x144xf32, #tpu.memory_space<vmem>>, vector<16xf32>,
        %add3A_776 = arith.addf %get3A_772, %get3A_775 : vector<16xf32>
        %mul3A_777 = arith.constant 0.00999999977 : f32
        %mul3A_778 = vector.broadcast %mul3A_777 : f32 to vector<16xf32>
        %mul3A_779 = arith.mulf %add3A_776, %mul3A_778 : vector<16xf32>
        %max3A_780 = arith.maximumf %add3A_776, %mul3A_779 : vector<16xf32>
        %swap3A_781 = arith.index_cast %scan3A_713 : i32 to index
        %swap3A_782 = arith.constant 64 : index
        %swap3A_783 = tpu.vector_load %arg18[%swap3A_781, %swap3A_782] {strides = array<i32>} : memref<32x144xf32, #tpu.memory_space<vmem>>, vector<16xf32>,
        tpu.vector_store %arg18[%swap3A_781, %swap3A_782], %max3A_780 {strides = array<i32>} : memref<32x144xf32, #tpu.memory_space<vmem>>, vector<16xf32>,
        %get3A_784 = arith.index_cast %scan3A_713 : i32 to index
        %get3A_785 = arith.constant 80 : index
        %get3A_786 = tpu.vector_load %arg18[%get3A_784, %get3A_785] {strides = array<i32>} : memref<32x144xf32, #tpu.memory_space<vmem>>, vector<16xf32>,
        %get3A_787 = arith.index_cast %scan3A_713 : i32 to index
        %get3A_788 = arith.constant 80 : index
        %get3A_789 = tpu.vector_load %arg20[%get3A_787, %get3A_788] {strides = array<i32>} : memref<32x144xf32, #tpu.memory_space<vmem>>, vector<16xf32>,
        %add3A_790 = arith.addf %get3A_786, %get3A_789 : vector<16xf32>
        %mul3A_791 = arith.constant 0.00999999977 : f32
        %mul3A_792 = vector.broadcast %mul3A_791 : f32 to vector<16xf32>
        %mul3A_793 = arith.mulf %add3A_790, %mul3A_792 : vector<16xf32>
        %max3A_794 = arith.maximumf %add3A_790, %mul3A_793 : vector<16xf32>
        %swap3A_795 = arith.index_cast %scan3A_713 : i32 to index
        %swap3A_796 = arith.constant 80 : index
        %swap3A_797 = tpu.vector_load %arg18[%swap3A_795, %swap3A_796] {strides = array<i32>} : memref<32x144xf32, #tpu.memory_space<vmem>>, vector<16xf32>,
        tpu.vector_store %arg18[%swap3A_795, %swap3A_796], %max3A_794 {strides = array<i32>} : memref<32x144xf32, #tpu.memory_space<vmem>>, vector<16xf32>,
        %get3A_798 = arith.index_cast %scan3A_713 : i32 to index
        %get3A_799 = arith.constant 96 : index
        %get3A_800 = tpu.vector_load %arg18[%get3A_798, %get3A_799] {strides = array<i32>} : memref<32x144xf32, #tpu.memory_space<vmem>>, vector<16xf32>,
        %get3A_801 = arith.index_cast %scan3A_713 : i32 to index
        %get3A_802 = arith.constant 96 : index
        %get3A_803 = tpu.vector_load %arg20[%get3A_801, %get3A_802] {strides = array<i32>} : memref<32x144xf32, #tpu.memory_space<vmem>>, vector<16xf32>,
        %add3A_804 = arith.addf %get3A_800, %get3A_803 : vector<16xf32>
        %mul3A_805 = arith.constant 0.00999999977 : f32
        %mul3A_806 = vector.broadcast %mul3A_805 : f32 to vector<16xf32>
        %mul3A_807 = arith.mulf %add3A_804, %mul3A_806 : vector<16xf32>
        %max3A_808 = arith.maximumf %add3A_804, %mul3A_807 : vector<16xf32>
        %swap3A_809 = arith.index_cast %scan3A_713 : i32 to index
        %swap3A_810 = arith.constant 96 : index
        %swap3A_811 = tpu.vector_load %arg18[%swap3A_809, %swap3A_810] {strides = array<i32>} : memref<32x144xf32, #tpu.memory_space<vmem>>, vector<16xf32>,
        tpu.vector_store %arg18[%swap3A_809, %swap3A_810], %max3A_808 {strides = array<i32>} : memref<32x144xf32, #tpu.memory_space<vmem>>, vector<16xf32>,
        %get3A_812 = arith.index_cast %scan3A_713 : i32 to index
        %get3A_813 = arith.constant 112 : index
        %get3A_814 = tpu.vector_load %arg18[%get3A_812, %get3A_813] {strides = array<i32>} : memref<32x144xf32, #tpu.memory_space<vmem>>, vector<16xf32>,
        %get3A_815 = arith.index_cast %scan3A_713 : i32 to index
        %get3A_816 = arith.constant 112 : index
        %get3A_817 = tpu.vector_load %arg20[%get3A_815, %get3A_816] {strides = array<i32>} : memref<32x144xf32, #tpu.memory_space<vmem>>, vector<16xf32>,
        %add3A_818 = arith.addf %get3A_814, %get3A_817 : vector<16xf32>
        %mul3A_819 = arith.constant 0.00999999977 : f32
        %mul3A_820 = vector.broadcast %mul3A_819 : f32 to vector<16xf32>
        %mul3A_821 = arith.mulf %add3A_818, %mul3A_820 : vector<16xf32>
        %max3A_822 = arith.maximumf %add3A_818, %mul3A_821 : vector<16xf32>
        %swap3A_823 = arith.index_cast %scan3A_713 : i32 to index
        %swap3A_824 = arith.constant 112 : index
        %swap3A_825 = tpu.vector_load %arg18[%swap3A_823, %swap3A_824] {strides = array<i32>} : memref<32x144xf32, #tpu.memory_space<vmem>>, vector<16xf32>,
        tpu.vector_store %arg18[%swap3A_823, %swap3A_824], %max3A_822 {strides = array<i32>} : memref<32x144xf32, #tpu.memory_space<vmem>>, vector<16xf32>,
        %get3A_826 = arith.index_cast %scan3A_713 : i32 to index
        %get3A_827 = arith.constant 128 : index
        %get3A_828 = tpu.vector_load %arg18[%get3A_826, %get3A_827] {strides = array<i32>} : memref<32x144xf32, #tpu.memory_space<vmem>>, vector<16xf32>,
        %get3A_829 = arith.index_cast %scan3A_713 : i32 to index
        %get3A_830 = arith.constant 128 : index
        %get3A_831 = tpu.vector_load %arg20[%get3A_829, %get3A_830] {strides = array<i32>} : memref<32x144xf32, #tpu.memory_space<vmem>>, vector<16xf32>,
        %add3A_832 = arith.addf %get3A_828, %get3A_831 : vector<16xf32>
        %mul3A_833 = arith.constant 0.00999999977 : f32
        %mul3A_834 = vector.broadcast %mul3A_833 : f32 to vector<16xf32>
        %mul3A_835 = arith.mulf %add3A_832, %mul3A_834 : vector<16xf32>
        %max3A_836 = arith.maximumf %add3A_832, %mul3A_835 : vector<16xf32>
        %swap3A_837 = arith.index_cast %scan3A_713 : i32 to index
        %swap3A_838 = arith.constant 128 : index
        %swap3A_839 = tpu.vector_load %arg18[%swap3A_837, %swap3A_838] {strides = array<i32>} : memref<32x144xf32, #tpu.memory_space<vmem>>, vector<16xf32>,
        tpu.vector_store %arg18[%swap3A_837, %swap3A_838], %max3A_836 {strides = array<i32>} : memref<32x144xf32, #tpu.memory_space<vmem>>, vector<16xf32>,
        %scan3A_840 = arith.constant 0 : i32
        scf.yield %scan3A_840 : i32
      }
      %scan3A_704 = arith.constant 32 : i32
      %dma_start3A_705 = arith.constant 0 : i32
      %dma_start3A_706 = arith.constant 0 : i32
      %dma_start3A_707 = tpu.memref_slice %arg22[%dma_start3A_705, %dma_start3A_706] : memref<10000x144xf32, #tpu.memory_space<vmem_shared>> -> memref<10000x144xf32, #tpu.memory_space<vmem_shared>>
      tpu.enqueue_indirect_dma source(%arg18 : memref<32x144xf32, #tpu.memory_space<vmem>>) target(%dma_start3A_707 : memref<10000x144xf32, #tpu.memory_space<vmem_shared>>) offsets(%arg16 : memref<32xi32, #tpu.memory_space<vmem>>) semaphore(%arg30 : memref<!tpu.dma_semaphore, #tpu.memory_space<semaphore_mem>>) {add = true}
      %get3A_708 = arith.constant 0 : index
      %get3A_709 = tpu.vector_load %arg16[%get3A_708] {strides = array<i32>} : memref<32xi32, #tpu.memory_space<vmem>>, vector<16xi32>,
      tpu.vector_store_idx %arg21[%get3A_709], %broadcast_in_dim3A_57 {add = true} : memref<10000xi32, #tpu.memory_space<vmem>>[vector<16xi32>], vector<16xi32>,
      %get3A_710 = arith.constant 16 : index
      %get3A_711 = tpu.vector_load %arg16[%get3A_710] {strides = array<i32>} : memref<32xi32, #tpu.memory_space<vmem>>, vector<16xi32>,
      tpu.vector_store_idx %arg21[%get3A_711], %broadcast_in_dim3A_57 {add = true} : memref<10000xi32, #tpu.memory_space<vmem>>[vector<16xi32>], vector<16xi32>,
      %scan3A_712 = arith.constant 0 : i32
      scf.yield %scan3A_712 : i32
    }
    %scan3A_145 = arith.constant 156 : i32
    %dma_wait3A_146 = arith.constant 0 : i32
    %dma_wait3A_147 = arith.constant 0 : i32
    %dma_wait3A_148 = tpu.memref_slice %arg22[%dma_wait3A_146, %dma_wait3A_147] : memref<10000x144xf32, #tpu.memory_space<vmem_shared>> -> memref<10000x144xf32, #tpu.memory_space<vmem_shared>>
    tpu.wait_indirect_dma semaphore(%arg30 : memref<!tpu.dma_semaphore, #tpu.memory_space<semaphore_mem>>) src(%arg18 : memref<32x144xf32, #tpu.memory_space<vmem>>) dst(%dma_wait3A_148 : memref<10000x144xf32, #tpu.memory_space<vmem_shared>>)
    %dma_wait3A_149 = arith.constant 0 : i32
    %dma_wait3A_150 = arith.constant 0 : i32
    %dma_wait3A_151 = tpu.memref_slice %arg4[%dma_wait3A_149, %dma_wait3A_150] : memref<20000x144xf32, #tpu.memory_space<hbm>> -> memref<20000x144xf32, #tpu.memory_space<hbm>>
    tpu.wait_indirect_dma semaphore(%arg23 : memref<!tpu.dma_semaphore, #tpu.memory_space<semaphore_mem>>) src(%dma_wait3A_151 : memref<20000x144xf32, #tpu.memory_space<hbm>>) dst(%arg17 : memref<32x144xf32, #tpu.memory_space<vmem>>)
    %mul3A_152 = arith.constant 320000 : i32
    %mul3A_153 = arith.muli %arg0, %mul3A_152 : i32
    %add3A_154 = arith.constant 624 : i32
    %add3A_155 = arith.addi %mul3A_2, %add3A_154 : i32
    %mul3A_156 = arith.constant 32 : i32
    %mul3A_157 = arith.muli %add3A_155, %mul3A_156 : i32
    %add3A_158 = arith.addi %mul3A_153, %mul3A_157 : i32
    %dma_wait3A_159 = arith.constant 0 : i32
    %dma_wait3A_160 = arith.constant 0 : i32
    %dma_wait3A_161 = tpu.memref_slice %arg19[%dma_wait3A_159, %dma_wait3A_160] : memref<32x144xf32, #tpu.memory_space<vmem>> -> memref<32x128xf32, #tpu.memory_space<vmem>>
    %dma_wait3A_162 = arith.constant 0 : i32
    %dma_wait3A_163 = tpu.memref_slice %arg5[%add3A_158, %dma_wait3A_162] : memref<640000x128xf32, #tpu.memory_space<hbm>> -> memref<32x128xf32, #tpu.memory_space<hbm>>
    %dma_wait3A_164 = arith.constant 0 : i32
    %dma_wait3A_165 = arith.constant 0 : i32
    %dma_wait3A_166 = tpu.memref_slice %arg19[%dma_wait3A_164, %dma_wait3A_165] : memref<32x144xf32, #tpu.memory_space<vmem>> -> memref<32x128xf32, #tpu.memory_space<vmem>>
    %dma_wait3A_167 = arith.constant 0 : i32
    %dma_wait3A_168 = tpu.memref_slice %arg5[%add3A_158, %dma_wait3A_167] : memref<640000x128xf32, #tpu.memory_space<hbm>> -> memref<32x128xf32, #tpu.memory_space<hbm>>
    tpu.wait_dma2 semaphore(%arg25 : memref<!tpu.dma_semaphore, #tpu.memory_space<semaphore_mem>>) src(%dma_wait3A_168 : memref<32x128xf32, #tpu.memory_space<hbm>>) dst(%dma_wait3A_166 : memref<32x128xf32, #tpu.memory_space<vmem>>)
    %mul3A_169 = arith.constant 320000 : i32
    %mul3A_170 = arith.muli %arg0, %mul3A_169 : i32
    %add3A_171 = arith.constant 624 : i32
    %add3A_172 = arith.addi %mul3A_2, %add3A_171 : i32
    %mul3A_173 = arith.constant 32 : i32
    %mul3A_174 = arith.muli %add3A_172, %mul3A_173 : i32
    %add3A_175 = arith.addi %mul3A_170, %mul3A_174 : i32
    %dma_wait3A_176 = arith.constant 0 : i32
    %dma_wait3A_177 = arith.constant 128 : i32
    %dma_wait3A_178 = tpu.memref_slice %arg19[%dma_wait3A_176, %dma_wait3A_177] : memref<32x144xf32, #tpu.memory_space<vmem>> -> memref<32x16xf32, #tpu.memory_space<vmem>>
    %dma_wait3A_179 = arith.constant 0 : i32
    %dma_wait3A_180 = tpu.memref_slice %arg6[%add3A_175, %dma_wait3A_179] : memref<640000x16xf32, #tpu.memory_space<hbm>> -> memref<32x16xf32, #tpu.memory_space<hbm>>
    %dma_wait3A_181 = arith.constant 0 : i32
    %dma_wait3A_182 = arith.constant 128 : i32
    %dma_wait3A_183 = tpu.memref_slice %arg19[%dma_wait3A_181, %dma_wait3A_182] : memref<32x144xf32, #tpu.memory_space<vmem>> -> memref<32x16xf32, #tpu.memory_space<vmem>>
    %dma_wait3A_184 = arith.constant 0 : i32
    %dma_wait3A_185 = tpu.memref_slice %arg6[%add3A_175, %dma_wait3A_184] : memref<640000x16xf32, #tpu.memory_space<hbm>> -> memref<32x16xf32, #tpu.memory_space<hbm>>
    tpu.wait_dma2 semaphore(%arg27 : memref<!tpu.dma_semaphore, #tpu.memory_space<semaphore_mem>>) src(%dma_wait3A_185 : memref<32x16xf32, #tpu.memory_space<hbm>>) dst(%dma_wait3A_183 : memref<32x16xf32, #tpu.memory_space<vmem>>)
    %scan3A_186 = arith.constant 0 : i32
    %scan3A_187 = arith.constant 0 : i32
    %scan3A_188 = arith.constant 32 : i32
    %scan3A_189 = arith.addi %scan3A_187, %scan3A_188 : i32
    %scan3A_190 = arith.constant 1 : i32
    %scan3A_191 = scf.for %scan3A_210 = %scan3A_187 to %scan3A_189 step %scan3A_190 iter_args(%scan3A_211 = %scan3A_186) -> (i32)  : i32 {
      %get3A_212 = arith.index_cast %scan3A_210 : i32 to index
      %get3A_213 = arith.constant 0 : index
      %get3A_214 = tpu.vector_load %arg17[%get3A_212, %get3A_213] {strides = array<i32>} : memref<32x144xf32, #tpu.memory_space<vmem>>, vector<16xf32>,
      %get3A_215 = arith.index_cast %scan3A_210 : i32 to index
      %get3A_216 = arith.constant 0 : index
      %get3A_217 = tpu.vector_load %arg19[%get3A_215, %get3A_216] {strides = array<i32>} : memref<32x144xf32, #tpu.memory_space<vmem>>, vector<16xf32>,
      %add3A_218 = arith.addf %get3A_214, %get3A_217 : vector<16xf32>
      %mul3A_219 = arith.constant 0.00999999977 : f32
      %mul3A_220 = vector.broadcast %mul3A_219 : f32 to vector<16xf32>
      %mul3A_221 = arith.mulf %add3A_218, %mul3A_220 : vector<16xf32>
      %max3A = arith.maximumf %add3A_218, %mul3A_221 : vector<16xf32>
      %swap3A_222 = arith.index_cast %scan3A_210 : i32 to index
      %swap3A_223 = arith.constant 0 : index
      %swap3A_224 = tpu.vector_load %arg17[%swap3A_222, %swap3A_223] {strides = array<i32>} : memref<32x144xf32, #tpu.memory_space<vmem>>, vector<16xf32>,
      tpu.vector_store %arg17[%swap3A_222, %swap3A_223], %max3A {strides = array<i32>} : memref<32x144xf32, #tpu.memory_space<vmem>>, vector<16xf32>,
      %get3A_225 = arith.index_cast %scan3A_210 : i32 to index
      %get3A_226 = arith.constant 16 : index
      %get3A_227 = tpu.vector_load %arg17[%get3A_225, %get3A_226] {strides = array<i32>} : memref<32x144xf32, #tpu.memory_space<vmem>>, vector<16xf32>,
      %get3A_228 = arith.index_cast %scan3A_210 : i32 to index
      %get3A_229 = arith.constant 16 : index
      %get3A_230 = tpu.vector_load %arg19[%get3A_228, %get3A_229] {strides = array<i32>} : memref<32x144xf32, #tpu.memory_space<vmem>>, vector<16xf32>,
      %add3A_231 = arith.addf %get3A_227, %get3A_230 : vector<16xf32>
      %mul3A_232 = arith.constant 0.00999999977 : f32
      %mul3A_233 = vector.broadcast %mul3A_232 : f32 to vector<16xf32>
      %mul3A_234 = arith.mulf %add3A_231, %mul3A_233 : vector<16xf32>
      %max3A_235 = arith.maximumf %add3A_231, %mul3A_234 : vector<16xf32>
      %swap3A_236 = arith.index_cast %scan3A_210 : i32 to index
      %swap3A_237 = arith.constant 16 : index
      %swap3A_238 = tpu.vector_load %arg17[%swap3A_236, %swap3A_237] {strides = array<i32>} : memref<32x144xf32, #tpu.memory_space<vmem>>, vector<16xf32>,
      tpu.vector_store %arg17[%swap3A_236, %swap3A_237], %max3A_235 {strides = array<i32>} : memref<32x144xf32, #tpu.memory_space<vmem>>, vector<16xf32>,
      %get3A_239 = arith.index_cast %scan3A_210 : i32 to index
      %get3A_240 = arith.constant 32 : index
      %get3A_241 = tpu.vector_load %arg17[%get3A_239, %get3A_240] {strides = array<i32>} : memref<32x144xf32, #tpu.memory_space<vmem>>, vector<16xf32>,
      %get3A_242 = arith.index_cast %scan3A_210 : i32 to index
      %get3A_243 = arith.constant 32 : index
      %get3A_244 = tpu.vector_load %arg19[%get3A_242, %get3A_243] {strides = array<i32>} : memref<32x144xf32, #tpu.memory_space<vmem>>, vector<16xf32>,
      %add3A_245 = arith.addf %get3A_241, %get3A_244 : vector<16xf32>
      %mul3A_246 = arith.constant 0.00999999977 : f32
      %mul3A_247 = vector.broadcast %mul3A_246 : f32 to vector<16xf32>
      %mul3A_248 = arith.mulf %add3A_245, %mul3A_247 : vector<16xf32>
      %max3A_249 = arith.maximumf %add3A_245, %mul3A_248 : vector<16xf32>
      %swap3A_250 = arith.index_cast %scan3A_210 : i32 to index
      %swap3A_251 = arith.constant 32 : index
      %swap3A_252 = tpu.vector_load %arg17[%swap3A_250, %swap3A_251] {strides = array<i32>} : memref<32x144xf32, #tpu.memory_space<vmem>>, vector<16xf32>,
      tpu.vector_store %arg17[%swap3A_250, %swap3A_251], %max3A_249 {strides = array<i32>} : memref<32x144xf32, #tpu.memory_space<vmem>>, vector<16xf32>,
      %get3A_253 = arith.index_cast %scan3A_210 : i32 to index
      %get3A_254 = arith.constant 48 : index
      %get3A_255 = tpu.vector_load %arg17[%get3A_253, %get3A_254] {strides = array<i32>} : memref<32x144xf32, #tpu.memory_space<vmem>>, vector<16xf32>,
      %get3A_256 = arith.index_cast %scan3A_210 : i32 to index
      %get3A_257 = arith.constant 48 : index
      %get3A_258 = tpu.vector_load %arg19[%get3A_256, %get3A_257] {strides = array<i32>} : memref<32x144xf32, #tpu.memory_space<vmem>>, vector<16xf32>,
      %add3A_259 = arith.addf %get3A_255, %get3A_258 : vector<16xf32>
      %mul3A_260 = arith.constant 0.00999999977 : f32
      %mul3A_261 = vector.broadcast %mul3A_260 : f32 to vector<16xf32>
      %mul3A_262 = arith.mulf %add3A_259, %mul3A_261 : vector<16xf32>
      %max3A_263 = arith.maximumf %add3A_259, %mul3A_262 : vector<16xf32>
      %swap3A_264 = arith.index_cast %scan3A_210 : i32 to index
      %swap3A_265 = arith.constant 48 : index
      %swap3A_266 = tpu.vector_load %arg17[%swap3A_264, %swap3A_265] {strides = array<i32>} : memref<32x144xf32, #tpu.memory_space<vmem>>, vector<16xf32>,
      tpu.vector_store %arg17[%swap3A_264, %swap3A_265], %max3A_263 {strides = array<i32>} : memref<32x144xf32, #tpu.memory_space<vmem>>, vector<16xf32>,
      %get3A_267 = arith.index_cast %scan3A_210 : i32 to index
      %get3A_268 = arith.constant 64 : index
      %get3A_269 = tpu.vector_load %arg17[%get3A_267, %get3A_268] {strides = array<i32>} : memref<32x144xf32, #tpu.memory_space<vmem>>, vector<16xf32>,
      %get3A_270 = arith.index_cast %scan3A_210 : i32 to index
      %get3A_271 = arith.constant 64 : index
      %get3A_272 = tpu.vector_load %arg19[%get3A_270, %get3A_271] {strides = array<i32>} : memref<32x144xf32, #tpu.memory_space<vmem>>, vector<16xf32>,
      %add3A_273 = arith.addf %get3A_269, %get3A_272 : vector<16xf32>
      %mul3A_274 = arith.constant 0.00999999977 : f32
      %mul3A_275 = vector.broadcast %mul3A_274 : f32 to vector<16xf32>
      %mul3A_276 = arith.mulf %add3A_273, %mul3A_275 : vector<16xf32>
      %max3A_277 = arith.maximumf %add3A_273, %mul3A_276 : vector<16xf32>
      %swap3A_278 = arith.index_cast %scan3A_210 : i32 to index
      %swap3A_279 = arith.constant 64 : index
      %swap3A_280 = tpu.vector_load %arg17[%swap3A_278, %swap3A_279] {strides = array<i32>} : memref<32x144xf32, #tpu.memory_space<vmem>>, vector<16xf32>,
      tpu.vector_store %arg17[%swap3A_278, %swap3A_279], %max3A_277 {strides = array<i32>} : memref<32x144xf32, #tpu.memory_space<vmem>>, vector<16xf32>,
      %get3A_281 = arith.index_cast %scan3A_210 : i32 to index
      %get3A_282 = arith.constant 80 : index
      %get3A_283 = tpu.vector_load %arg17[%get3A_281, %get3A_282] {strides = array<i32>} : memref<32x144xf32, #tpu.memory_space<vmem>>, vector<16xf32>,
      %get3A_284 = arith.index_cast %scan3A_210 : i32 to index
      %get3A_285 = arith.constant 80 : index
      %get3A_286 = tpu.vector_load %arg19[%get3A_284, %get3A_285] {strides = array<i32>} : memref<32x144xf32, #tpu.memory_space<vmem>>, vector<16xf32>,
      %add3A_287 = arith.addf %get3A_283, %get3A_286 : vector<16xf32>
      %mul3A_288 = arith.constant 0.00999999977 : f32
      %mul3A_289 = vector.broadcast %mul3A_288 : f32 to vector<16xf32>
      %mul3A_290 = arith.mulf %add3A_287, %mul3A_289 : vector<16xf32>
      %max3A_291 = arith.maximumf %add3A_287, %mul3A_290 : vector<16xf32>
      %swap3A_292 = arith.index_cast %scan3A_210 : i32 to index
      %swap3A_293 = arith.constant 80 : index
      %swap3A_294 = tpu.vector_load %arg17[%swap3A_292, %swap3A_293] {strides = array<i32>} : memref<32x144xf32, #tpu.memory_space<vmem>>, vector<16xf32>,
      tpu.vector_store %arg17[%swap3A_292, %swap3A_293], %max3A_291 {strides = array<i32>} : memref<32x144xf32, #tpu.memory_space<vmem>>, vector<16xf32>,
      %get3A_295 = arith.index_cast %scan3A_210 : i32 to index
      %get3A_296 = arith.constant 96 : index
      %get3A_297 = tpu.vector_load %arg17[%get3A_295, %get3A_296] {strides = array<i32>} : memref<32x144xf32, #tpu.memory_space<vmem>>, vector<16xf32>,
      %get3A_298 = arith.index_cast %scan3A_210 : i32 to index
      %get3A_299 = arith.constant 96 : index
      %get3A_300 = tpu.vector_load %arg19[%get3A_298, %get3A_299] {strides = array<i32>} : memref<32x144xf32, #tpu.memory_space<vmem>>, vector<16xf32>,
      %add3A_301 = arith.addf %get3A_297, %get3A_300 : vector<16xf32>
      %mul3A_302 = arith.constant 0.00999999977 : f32
      %mul3A_303 = vector.broadcast %mul3A_302 : f32 to vector<16xf32>
      %mul3A_304 = arith.mulf %add3A_301, %mul3A_303 : vector<16xf32>
      %max3A_305 = arith.maximumf %add3A_301, %mul3A_304 : vector<16xf32>
      %swap3A_306 = arith.index_cast %scan3A_210 : i32 to index
      %swap3A_307 = arith.constant 96 : index
      %swap3A_308 = tpu.vector_load %arg17[%swap3A_306, %swap3A_307] {strides = array<i32>} : memref<32x144xf32, #tpu.memory_space<vmem>>, vector<16xf32>,
      tpu.vector_store %arg17[%swap3A_306, %swap3A_307], %max3A_305 {strides = array<i32>} : memref<32x144xf32, #tpu.memory_space<vmem>>, vector<16xf32>,
      %get3A_309 = arith.index_cast %scan3A_210 : i32 to index
      %get3A_310 = arith.constant 112 : index
      %get3A_311 = tpu.vector_load %arg17[%get3A_309, %get3A_310] {strides = array<i32>} : memref<32x144xf32, #tpu.memory_space<vmem>>, vector<16xf32>,
      %get3A_312 = arith.index_cast %scan3A_210 : i32 to index
      %get3A_313 = arith.constant 112 : index
      %get3A_314 = tpu.vector_load %arg19[%get3A_312, %get3A_313] {strides = array<i32>} : memref<32x144xf32, #tpu.memory_space<vmem>>, vector<16xf32>,
      %add3A_315 = arith.addf %get3A_311, %get3A_314 : vector<16xf32>
      %mul3A_316 = arith.constant 0.00999999977 : f32
      %mul3A_317 = vector.broadcast %mul3A_316 : f32 to vector<16xf32>
      %mul3A_318 = arith.mulf %add3A_315, %mul3A_317 : vector<16xf32>
      %max3A_319 = arith.maximumf %add3A_315, %mul3A_318 : vector<16xf32>
      %swap3A_320 = arith.index_cast %scan3A_210 : i32 to index
      %swap3A_321 = arith.constant 112 : index
      %swap3A_322 = tpu.vector_load %arg17[%swap3A_320, %swap3A_321] {strides = array<i32>} : memref<32x144xf32, #tpu.memory_space<vmem>>, vector<16xf32>,
      tpu.vector_store %arg17[%swap3A_320, %swap3A_321], %max3A_319 {strides = array<i32>} : memref<32x144xf32, #tpu.memory_space<vmem>>, vector<16xf32>,
      %get3A_323 = arith.index_cast %scan3A_210 : i32 to index
      %get3A_324 = arith.constant 128 : index
      %get3A_325 = tpu.vector_load %arg17[%get3A_323, %get3A_324] {strides = array<i32>} : memref<32x144xf32, #tpu.memory_space<vmem>>, vector<16xf32>,
      %get3A_326 = arith.index_cast %scan3A_210 : i32 to index
      %get3A_327 = arith.constant 128 : index
      %get3A_328 = tpu.vector_load %arg19[%get3A_326, %get3A_327] {strides = array<i32>} : memref<32x144xf32, #tpu.memory_space<vmem>>, vector<16xf32>,
      %add3A_329 = arith.addf %get3A_325, %get3A_328 : vector<16xf32>
      %mul3A_330 = arith.constant 0.00999999977 : f32
      %mul3A_331 = vector.broadcast %mul3A_330 : f32 to vector<16xf32>
      %mul3A_332 = arith.mulf %add3A_329, %mul3A_331 : vector<16xf32>
      %max3A_333 = arith.maximumf %add3A_329, %mul3A_332 : vector<16xf32>
      %swap3A_334 = arith.index_cast %scan3A_210 : i32 to index
      %swap3A_335 = arith.constant 128 : index
      %swap3A_336 = tpu.vector_load %arg17[%swap3A_334, %swap3A_335] {strides = array<i32>} : memref<32x144xf32, #tpu.memory_space<vmem>>, vector<16xf32>,
      tpu.vector_store %arg17[%swap3A_334, %swap3A_335], %max3A_333 {strides = array<i32>} : memref<32x144xf32, #tpu.memory_space<vmem>>, vector<16xf32>,
      %scan3A_337 = arith.constant 0 : i32
      scf.yield %scan3A_337 : i32
    }
    %scan3A_192 = arith.constant 32 : i32
    %dma_start3A_193 = arith.constant 0 : i32
    %dma_start3A_194 = arith.constant 0 : i32
    %dma_start3A_195 = tpu.memref_slice %arg22[%dma_start3A_193, %dma_start3A_194] : memref<10000x144xf32, #tpu.memory_space<vmem_shared>> -> memref<10000x144xf32, #tpu.memory_space<vmem_shared>>
    tpu.enqueue_indirect_dma source(%arg17 : memref<32x144xf32, #tpu.memory_space<vmem>>) target(%dma_start3A_195 : memref<10000x144xf32, #tpu.memory_space<vmem_shared>>) offsets(%arg13 : memref<32xi32, #tpu.memory_space<vmem>>) semaphore(%arg29 : memref<!tpu.dma_semaphore, #tpu.memory_space<semaphore_mem>>) {add = true}
    %get3A_196 = arith.constant 0 : index
    %get3A_197 = tpu.vector_load %arg13[%get3A_196] {strides = array<i32>} : memref<32xi32, #tpu.memory_space<vmem>>, vector<16xi32>,
    tpu.vector_store_idx %arg21[%get3A_197], %broadcast_in_dim3A_57 {add = true} : memref<10000xi32, #tpu.memory_space<vmem>>[vector<16xi32>], vector<16xi32>,
    %get3A_198 = arith.constant 16 : index
    %get3A_199 = tpu.vector_load %arg13[%get3A_198] {strides = array<i32>} : memref<32xi32, #tpu.memory_space<vmem>>, vector<16xi32>,
    tpu.vector_store_idx %arg21[%get3A_199], %broadcast_in_dim3A_57 {add = true} : memref<10000xi32, #tpu.memory_space<vmem>>[vector<16xi32>], vector<16xi32>,
    %dma_wait3A_200 = arith.constant 0 : i32
    %dma_wait3A_201 = arith.constant 0 : i32
    %dma_wait3A_202 = tpu.memref_slice %arg22[%dma_wait3A_200, %dma_wait3A_201] : memref<10000x144xf32, #tpu.memory_space<vmem_shared>> -> memref<10000x144xf32, #tpu.memory_space<vmem_shared>>
    tpu.wait_indirect_dma semaphore(%arg29 : memref<!tpu.dma_semaphore, #tpu.memory_space<semaphore_mem>>) src(%arg17 : memref<32x144xf32, #tpu.memory_space<vmem>>) dst(%dma_wait3A_202 : memref<10000x144xf32, #tpu.memory_space<vmem_shared>>)
    %barrier3A_203 = arith.constant 0 : index
    tpu.barrier barrier_id(%barrier3A_203)
    %mul3A_204 = arith.constant 10000 : i32
    %mul3A_205 = arith.muli %arg0, %mul3A_204 : i32
    %add3A_206 = arith.addi %mul3A_205, %mul3A_10 : i32
    "tpu.region"() ({
      %run_scoped3A = tpu.sem_alloc : memref<!tpu.dma_semaphore, #tpu.memory_space<semaphore_mem>>
      %dma_start3A_210 = arith.constant 0 : i32
      %dma_start3A_211 = tpu.memref_slice %arg7[%add3A_206, %dma_start3A_210] : memref<20000x144xf32, #tpu.memory_space<hbm>> -> memref<625x144xf32, #tpu.memory_space<hbm>>
      %dma_start3A_212 = arith.constant 0 : i32
      %dma_start3A_213 = tpu.memref_slice %arg22[%mul3A_10, %dma_start3A_212] : memref<10000x144xf32, #tpu.memory_space<vmem_shared>> -> memref<625x144xf32, #tpu.memory_space<vmem_shared>>
      tpu.enqueue_dma source(%dma_start3A_213 : memref<625x144xf32, #tpu.memory_space<vmem_shared>>) target(%dma_start3A_211 : memref<625x144xf32, #tpu.memory_space<hbm>>) target_semaphore(%run_scoped3A : memref<!tpu.dma_semaphore, #tpu.memory_space<semaphore_mem>>)
      %dma_wait3A_214 = arith.constant 0 : i32
      %dma_wait3A_215 = tpu.memref_slice %arg7[%add3A_206, %dma_wait3A_214] : memref<20000x144xf32, #tpu.memory_space<hbm>> -> memref<625x144xf32, #tpu.memory_space<hbm>>
      %dma_wait3A_216 = arith.constant 0 : i32
      %dma_wait3A_217 = tpu.memref_slice %arg22[%mul3A_10, %dma_wait3A_216] : memref<10000x144xf32, #tpu.memory_space<vmem_shared>> -> memref<625x144xf32, #tpu.memory_space<vmem_shared>>
      tpu.wait_dma2 semaphore(%run_scoped3A : memref<!tpu.dma_semaphore, #tpu.memory_space<semaphore_mem>>) src(%dma_wait3A_217 : memref<625x144xf32, #tpu.memory_space<vmem_shared>>) dst(%dma_wait3A_215 : memref<625x144xf32, #tpu.memory_space<hbm>>)
      tpu.yield
    }) : () -> ()
    %mul3A_207 = arith.constant 2 : i32
    %mul3A_208 = arith.muli %arg1, %mul3A_207 : i32
    %add3A_209 = arith.addi %mul3A_208, %arg0 : i32
    "tpu.region"() ({
      %run_scoped3A = tpu.sem_alloc : memref<!tpu.dma_semaphore, #tpu.memory_space<semaphore_mem>>
      %dma_start3A_210 = arith.constant 0 : i32
      %dma_start3A_211 = tpu.memref_slice %arg8[%add3A_209, %dma_start3A_210] : memref<32x10000xi32, #tpu.memory_space<hbm>> -> memref<1x10000xi32, #tpu.memory_space<hbm>>
      %dma_start3A_212 = tpu.memref_squeeze %dma_start3A_211 : memref<1x10000xi32, #tpu.memory_space<hbm>> -> memref<10000xi32, #tpu.memory_space<hbm>>
      %dma_start3A_213 = arith.constant 0 : i32
      %dma_start3A_214 = tpu.memref_slice %arg8[%add3A_209, %dma_start3A_213] : memref<32x10000xi32, #tpu.memory_space<hbm>> -> memref<1x10000xi32, #tpu.memory_space<hbm>>
      %dma_start3A_215 = tpu.memref_squeeze %dma_start3A_214 : memref<1x10000xi32, #tpu.memory_space<hbm>> -> memref<10000xi32, #tpu.memory_space<hbm>>
      tpu.enqueue_dma source(%arg21 : memref<10000xi32, #tpu.memory_space<vmem>>) target(%dma_start3A_215 : memref<10000xi32, #tpu.memory_space<hbm>>) target_semaphore(%run_scoped3A : memref<!tpu.dma_semaphore, #tpu.memory_space<semaphore_mem>>)
      %dma_wait3A_216 = arith.constant 0 : i32
      %dma_wait3A_217 = tpu.memref_slice %arg8[%add3A_209, %dma_wait3A_216] : memref<32x10000xi32, #tpu.memory_space<hbm>> -> memref<1x10000xi32, #tpu.memory_space<hbm>>
      %dma_wait3A_218 = tpu.memref_squeeze %dma_wait3A_217 : memref<1x10000xi32, #tpu.memory_space<hbm>> -> memref<10000xi32, #tpu.memory_space<hbm>>
      %dma_wait3A_219 = arith.constant 0 : i32
      %dma_wait3A_220 = tpu.memref_slice %arg8[%add3A_209, %dma_wait3A_219] : memref<32x10000xi32, #tpu.memory_space<hbm>> -> memref<1x10000xi32, #tpu.memory_space<hbm>>
      %dma_wait3A_221 = tpu.memref_squeeze %dma_wait3A_220 : memref<1x10000xi32, #tpu.memory_space<hbm>> -> memref<10000xi32, #tpu.memory_space<hbm>>
      tpu.wait_dma2 semaphore(%run_scoped3A : memref<!tpu.dma_semaphore, #tpu.memory_space<semaphore_mem>>) src(%arg21 : memref<10000xi32, #tpu.memory_space<vmem>>) dst(%dma_wait3A_221 : memref<10000xi32, #tpu.memory_space<hbm>>)
      tpu.yield
    }) : () -> ()
    return
  }
}

module attributes {stable_mosaic.version = 14 : i64} {
  func.func @_g_body(%arg0: i32, %arg1: i32, %arg2: memref<2000x128xf32, #tpu.memory_space<vmem>>, %arg3: memref<1x128x144xf32, #tpu.memory_space<vmem>>, %arg4: memref<1x1x144xf32, #tpu.memory_space<vmem>>, %arg5: memref<2000x144xf32, #tpu.memory_space<vmem>>) attributes {dimension_semantics = [#tpu.dimension_semantics<arbitrary>, #tpu.dimension_semantics<arbitrary>], iteration_bounds = array<i64: 2, 5>, scalar_prefetch = 0 : i64, scratch_operands = 0 : i64, tpu.core_type = #tpu.core_type<tc>, window_params = [{transform_indices = @transform_0, window_bounds = array<i64: 2000, 128>}, {transform_indices = @transform_1, window_bounds = array<i64: 1, 128, 144>}, {transform_indices = @transform_2, window_bounds = array<i64: 1, 1, 144>}, {transform_indices = @transform_3, window_bounds = array<i64: 2000, 144>}]} {
    %get3A = arith.constant 0 : index
    %get3A_0 = arith.constant 0 : index
    %get3A_1 = vector.load %arg2[%get3A, %get3A_0] : memref<2000x128xf32, #tpu.memory_space<vmem>>, vector<2000x128xf32>
    %get3A_2 = arith.constant 0 : index
    %get3A_3 = arith.constant 0 : index
    %get3A_4 = arith.constant 0 : index
    %get3A_5 = vector.load %arg3[%get3A_2, %get3A_3, %get3A_4] : memref<1x128x144xf32, #tpu.memory_space<vmem>>, vector<1x128x144xf32>
    %get3A_6 = vector.shape_cast %get3A_5 : vector<1x128x144xf32> to vector<128x144xf32>
    %dot_general3A = arith.constant dense<0.000000e+00> : vector<2000x144xf32>
    %dot_general3A_7 = tpu.matmul %get3A_1, %get3A_6, %dot_general3A {dimension_numbers = #tpu.dot_dimension_numbers<[1], [0], [0], [1], [0, 0, 1, 1], [], []>, transpose_lhs_hint = false} : vector<2000x128xf32>, vector<128x144xf32>, vector<2000x144xf32> -> vector<2000x144xf32>
    %get3A_8 = arith.constant 0 : index
    %get3A_9 = arith.constant 0 : index
    %get3A_10 = arith.constant 0 : index
    %get3A_11 = vector.load %arg4[%get3A_8, %get3A_9, %get3A_10] : memref<1x1x144xf32, #tpu.memory_space<vmem>>, vector<1x1x144xf32>
    %get3A_12 = vector.shape_cast %get3A_11 : vector<1x1x144xf32> to vector<1x144xf32>
    %add3A = vector.broadcast %get3A_12 : vector<1x144xf32> to vector<2000x144xf32>
    %add3A_13 = arith.addf %dot_general3A_7, %add3A : vector<2000x144xf32>
    %swap3A = arith.constant 0 : index
    %swap3A_14 = arith.constant 0 : index
    %swap3A_15 = vector.load %arg5[%swap3A, %swap3A_14] : memref<2000x144xf32, #tpu.memory_space<vmem>>, vector<2000x144xf32>
    tpu.vector_store %arg5[%swap3A, %swap3A_14], %add3A_13 {strides = array<i32>} : memref<2000x144xf32, #tpu.memory_space<vmem>>, vector<2000x144xf32>,
    return
  }
  func.func @transform_0(%arg0: i32, %arg1: i32) -> (i32, i32) {
    %c0_i32 = arith.constant 0 : i32
    %c0_i32_0 = arith.constant 0 : i32
    return %arg1, %c0_i32 : i32, i32
  }
  func.func @transform_1(%arg0: i32, %arg1: i32) -> (i32, i32, i32) {
    %c0_i32 = arith.constant 0 : i32
    %c0_i32_0 = arith.constant 0 : i32
    %c0_i32_1 = arith.constant 0 : i32
    return %arg0, %c0_i32, %c0_i32_0 : i32, i32, i32
  }
  func.func @transform_2(%arg0: i32, %arg1: i32) -> (i32, i32, i32) {
    %c0_i32 = arith.constant 0 : i32
    %c0_i32_0 = arith.constant 0 : i32
    %c0_i32_1 = arith.constant 0 : i32
    return %arg0, %c0_i32, %c0_i32_0 : i32, i32, i32
  }
  func.func @transform_3(%arg0: i32, %arg1: i32) -> (i32, i32) {
    %mul3A = arith.constant 5 : i32
    %mul3A_0 = arith.muli %arg0, %mul3A : i32
    %add3A = arith.addi %mul3A_0, %arg1 : i32
    %c0_i32 = arith.constant 0 : i32
    %c0_i32_1 = arith.constant 0 : i32
    return %add3A, %c0_i32 : i32, i32
  }
}

module attributes {stable_mosaic.version = 14 : i64} {
  func.func @_a_body(%arg0: i32, %arg1: i32, %arg2: memref<4000x16xf32, #tpu.memory_space<vmem>>, %arg3: memref<1x16x128xf32, #tpu.memory_space<vmem>>, %arg4: memref<4000x128xf32, #tpu.memory_space<vmem>>) attributes {dimension_semantics = [#tpu.dimension_semantics<arbitrary>, #tpu.dimension_semantics<arbitrary>], iteration_bounds = array<i64: 2, 80>, scalar_prefetch = 0 : i64, scratch_operands = 0 : i64, tpu.core_type = #tpu.core_type<tc>, window_params = [{transform_indices = @transform_0, window_bounds = array<i64: 4000, 16>}, {transform_indices = @transform_1, window_bounds = array<i64: 1, 16, 128>}, {transform_indices = @transform_2, window_bounds = array<i64: 4000, 128>}]} {
    %get3A = arith.constant 0 : index
    %get3A_0 = arith.constant 0 : index
    %get3A_1 = vector.load %arg2[%get3A, %get3A_0] : memref<4000x16xf32, #tpu.memory_space<vmem>>, vector<4000x16xf32>
    %get3A_2 = arith.constant 0 : index
    %get3A_3 = arith.constant 0 : index
    %get3A_4 = arith.constant 0 : index
    %get3A_5 = vector.load %arg3[%get3A_2, %get3A_3, %get3A_4] : memref<1x16x128xf32, #tpu.memory_space<vmem>>, vector<1x16x128xf32>
    %get3A_6 = vector.shape_cast %get3A_5 : vector<1x16x128xf32> to vector<16x128xf32>
    %dot_general3A = arith.constant dense<0.000000e+00> : vector<4000x128xf32>
    %dot_general3A_7 = tpu.matmul %get3A_1, %get3A_6, %dot_general3A {dimension_numbers = #tpu.dot_dimension_numbers<[1], [0], [0], [1], [0, 0, 1, 1], [], []>, transpose_lhs_hint = false} : vector<4000x16xf32>, vector<16x128xf32>, vector<4000x128xf32> -> vector<4000x128xf32>
    %swap3A = arith.constant 0 : index
    %swap3A_8 = arith.constant 0 : index
    %swap3A_9 = vector.load %arg4[%swap3A, %swap3A_8] : memref<4000x128xf32, #tpu.memory_space<vmem>>, vector<4000x128xf32>
    tpu.vector_store %arg4[%swap3A, %swap3A_8], %dot_general3A_7 {strides = array<i32>} : memref<4000x128xf32, #tpu.memory_space<vmem>>, vector<4000x128xf32>,
    return
  }
  func.func @transform_0(%arg0: i32, %arg1: i32) -> (i32, i32) {
    %c0_i32 = arith.constant 0 : i32
    %c0_i32_0 = arith.constant 0 : i32
    return %arg1, %c0_i32 : i32, i32
  }
  func.func @transform_1(%arg0: i32, %arg1: i32) -> (i32, i32, i32) {
    %c0_i32 = arith.constant 0 : i32
    %c0_i32_0 = arith.constant 0 : i32
    %c0_i32_1 = arith.constant 0 : i32
    return %arg0, %c0_i32, %c0_i32_0 : i32, i32, i32
  }
  func.func @transform_2(%arg0: i32, %arg1: i32) -> (i32, i32) {
    %mul3A = arith.constant 80 : i32
    %mul3A_0 = arith.muli %arg0, %mul3A : i32
    %add3A = arith.addi %mul3A_0, %arg1 : i32
    %c0_i32 = arith.constant 0 : i32
    %c0_i32_1 = arith.constant 0 : i32
    return %add3A, %c0_i32 : i32, i32
  }
}

module attributes {stable_mosaic.version = 14 : i64} {
  func.func @_atail_body(%arg0: i32, %arg1: i32, %arg2: memref<2000x128xf32, #tpu.memory_space<vmem>>, %arg3: memref<1x128x128xf32, #tpu.memory_space<vmem>>, %arg4: memref<2000x128xf32, #tpu.memory_space<vmem>>) attributes {dimension_semantics = [#tpu.dimension_semantics<arbitrary>, #tpu.dimension_semantics<arbitrary>], iteration_bounds = array<i64: 2, 20>, scalar_prefetch = 0 : i64, scratch_operands = 0 : i64, tpu.core_type = #tpu.core_type<tc>, window_params = [{transform_indices = @transform_0, window_bounds = array<i64: 2000, 128>}, {transform_indices = @transform_1, window_bounds = array<i64: 1, 128, 128>}, {transform_indices = @transform_2, window_bounds = array<i64: 2000, 128>}]} {
    %get3A = arith.constant 0 : index
    %get3A_0 = arith.constant 0 : index
    %get3A_1 = vector.load %arg2[%get3A, %get3A_0] : memref<2000x128xf32, #tpu.memory_space<vmem>>, vector<2000x128xf32>
    %get3A_2 = arith.constant 0 : index
    %get3A_3 = arith.constant 0 : index
    %get3A_4 = arith.constant 0 : index
    %get3A_5 = vector.load %arg3[%get3A_2, %get3A_3, %get3A_4] : memref<1x128x128xf32, #tpu.memory_space<vmem>>, vector<1x128x128xf32>
    %get3A_6 = vector.shape_cast %get3A_5 : vector<1x128x128xf32> to vector<128x128xf32>
    %dot_general3A = arith.constant dense<0.000000e+00> : vector<2000x128xf32>
    %dot_general3A_7 = tpu.matmul %get3A_1, %get3A_6, %dot_general3A {dimension_numbers = #tpu.dot_dimension_numbers<[1], [0], [0], [1], [0, 0, 1, 1], [], []>, transpose_lhs_hint = false} : vector<2000x128xf32>, vector<128x128xf32>, vector<2000x128xf32> -> vector<2000x128xf32>
    %swap3A = arith.constant 0 : index
    %swap3A_8 = arith.constant 0 : index
    %swap3A_9 = vector.load %arg4[%swap3A, %swap3A_8] : memref<2000x128xf32, #tpu.memory_space<vmem>>, vector<2000x128xf32>
    tpu.vector_store %arg4[%swap3A, %swap3A_8], %dot_general3A_7 {strides = array<i32>} : memref<2000x128xf32, #tpu.memory_space<vmem>>, vector<2000x128xf32>,
    return
  }
  func.func @transform_0(%arg0: i32, %arg1: i32) -> (i32, i32) {
    %c0_i32 = arith.constant 0 : i32
    %c0_i32_0 = arith.constant 0 : i32
    return %arg1, %c0_i32 : i32, i32
  }
  func.func @transform_1(%arg0: i32, %arg1: i32) -> (i32, i32, i32) {
    %c0_i32 = arith.constant 0 : i32
    %c0_i32_0 = arith.constant 0 : i32
    %c0_i32_1 = arith.constant 0 : i32
    return %arg0, %c0_i32, %c0_i32_0 : i32, i32, i32
  }
  func.func @transform_2(%arg0: i32, %arg1: i32) -> (i32, i32) {
    %mul3A = arith.constant 20 : i32
    %mul3A_0 = arith.muli %arg0, %mul3A : i32
    %add3A = arith.addi %mul3A_0, %arg1 : i32
    %c0_i32 = arith.constant 0 : i32
    %c0_i32_1 = arith.constant 0 : i32
    return %add3A, %c0_i32 : i32, i32
  }
}

module attributes {stable_mosaic.version = 14 : i64} {
  func.func @_final_body(%arg0: i32, %arg1: memref<2000x128xf32, #tpu.memory_space<vmem>>, %arg2: memref<2000x144xf32, #tpu.memory_space<vmem>>, %arg3: memref<2000x144xf32, #tpu.memory_space<vmem>>, %arg4: memref<2000x32xi32, #tpu.memory_space<vmem>>, %arg5: memref<288x144xf32, #tpu.memory_space<vmem>>, %arg6: memref<1x144xf32, #tpu.memory_space<vmem>>, %arg7: memref<272x544xf32, #tpu.memory_space<vmem>>, %arg8: memref<1x544xf32, #tpu.memory_space<vmem>>, %arg9: memref<544x128xf32, #tpu.memory_space<vmem>>, %arg10: memref<1x128xf32, #tpu.memory_space<vmem>>, %arg11: memref<2000x128xf32, #tpu.memory_space<vmem>>) attributes {dimension_semantics = [#tpu.dimension_semantics<arbitrary>], iteration_bounds = array<i64: 5>, scalar_prefetch = 0 : i64, scratch_operands = 0 : i64, tpu.core_type = #tpu.core_type<tc>, window_params = [{transform_indices = @transform_0, window_bounds = array<i64: 2000, 128>}, {transform_indices = @transform_1, window_bounds = array<i64: 2000, 144>}, {transform_indices = @transform_2, window_bounds = array<i64: 2000, 144>}, {transform_indices = @transform_3, window_bounds = array<i64: 2000, 32>}, {pipeline_mode = #tpu.pipeline_mode<synchronous>, transform_indices = @transform_4, window_bounds = array<i64: 288, 144>}, {pipeline_mode = #tpu.pipeline_mode<synchronous>, transform_indices = @transform_5, window_bounds = array<i64: 1, 144>}, {pipeline_mode = #tpu.pipeline_mode<synchronous>, transform_indices = @transform_6, window_bounds = array<i64: 272, 544>}, {pipeline_mode = #tpu.pipeline_mode<synchronous>, transform_indices = @transform_7, window_bounds = array<i64: 1, 544>}, {pipeline_mode = #tpu.pipeline_mode<synchronous>, transform_indices = @transform_8, window_bounds = array<i64: 544, 128>}, {pipeline_mode = #tpu.pipeline_mode<synchronous>, transform_indices = @transform_9, window_bounds = array<i64: 1, 128>}, {transform_indices = @transform_10, window_bounds = array<i64: 2000, 128>}]} {
    %get3A = arith.constant 0 : index
    %get3A_0 = arith.constant 0 : index
    %get3A_1 = vector.load %arg4[%get3A, %get3A_0] : memref<2000x32xi32, #tpu.memory_space<vmem>>, vector<2000x32xi32>
    %reduce_sum3A = arith.constant dense<0> : vector<2000xi32>
    %reduce_sum3A_2 = vector.multi_reduction <add>, %get3A_1, %reduce_sum3A [1] : vector<2000x32xi32> to vector<2000xi32>
    %convert_element_type3A = arith.sitofp %reduce_sum3A_2 : vector<2000xi32> to vector<2000xf32>
    %mul3A = arith.constant 5.000000e-01 : f32
    %mul3A_3 = vector.broadcast %mul3A : f32 to vector<2000xf32>
    %mul3A_4 = arith.mulf %convert_element_type3A, %mul3A_3 : vector<2000xf32>
    %max3A = arith.constant 1.000000e+00 : f32
    %max3A_5 = vector.broadcast %max3A : f32 to vector<2000xf32>
    %max3A_6 = arith.maximumf %mul3A_4, %max3A_5 : vector<2000xf32>
    %div3A = arith.constant 1.000000e+00 : f32
    %div3A_7 = vector.broadcast %div3A : f32 to vector<2000xf32>
    %div3A_8 = arith.divf %div3A_7, %max3A_6 : vector<2000xf32>
    %gt3A = arith.constant 0.000000e+00 : f32
    %gt3A_9 = vector.broadcast %gt3A : f32 to vector<2000xf32>
    %gt3A_10 = arith.cmpf ogt, %mul3A_4, %gt3A_9 : vector<2000xf32>
    %convert_element_type3A_11 = arith.extui %gt3A_10 : vector<2000xi1> to vector<2000xi32>
    %convert_element_type3A_12 = arith.sitofp %convert_element_type3A_11 : vector<2000xi32> to vector<2000xf32>
    %get3A_13 = arith.constant 0 : index
    %get3A_14 = arith.constant 0 : index
    %get3A_15 = vector.load %arg2[%get3A_13, %get3A_14] : memref<2000x144xf32, #tpu.memory_space<vmem>>, vector<2000x144xf32>
    %broadcast_in_dim3A = vector.shape_cast %div3A_8 : vector<2000xf32> to vector<2000x1xf32>
    %mul3A_16 = vector.broadcast %broadcast_in_dim3A : vector<2000x1xf32> to vector<2000x144xf32>
    %mul3A_17 = arith.mulf %get3A_15, %mul3A_16 : vector<2000x144xf32>
    %get3A_18 = arith.constant 0 : index
    %get3A_19 = arith.constant 0 : index
    %get3A_20 = vector.load %arg3[%get3A_18, %get3A_19] : memref<2000x144xf32, #tpu.memory_space<vmem>>, vector<2000x144xf32>
    %broadcast_in_dim3A_21 = vector.shape_cast %div3A_8 : vector<2000xf32> to vector<2000x1xf32>
    %mul3A_22 = vector.broadcast %broadcast_in_dim3A_21 : vector<2000x1xf32> to vector<2000x144xf32>
    %mul3A_23 = arith.mulf %get3A_20, %mul3A_22 : vector<2000x144xf32>
    %get3A_24 = arith.constant 0 : index
    %get3A_25 = arith.constant 0 : index
    %get3A_26 = vector.load %arg5[%get3A_24, %get3A_25] : memref<288x144xf32, #tpu.memory_space<vmem>>, vector<288x144xf32>
    %slice3A = vector.extract_strided_slice %get3A_26 {offsets = [0, 0], sizes = [144, 144], strides = [1, 1]} : vector<288x144xf32> to vector<144x144xf32>
    %dot_general3A = arith.constant dense<0.000000e+00> : vector<2000x144xf32>
    %dot_general3A_27 = tpu.matmul %mul3A_17, %slice3A, %dot_general3A {dimension_numbers = #tpu.dot_dimension_numbers<[1], [0], [0], [1], [0, 0, 1, 1], [], []>, transpose_lhs_hint = false} : vector<2000x144xf32>, vector<144x144xf32>, vector<2000x144xf32> -> vector<2000x144xf32>
    %slice3A_28 = vector.extract_strided_slice %get3A_26 {offsets = [144, 0], sizes = [144, 144], strides = [1, 1]} : vector<288x144xf32> to vector<144x144xf32>
    %dot_general3A_29 = arith.constant dense<0.000000e+00> : vector<2000x144xf32>
    %dot_general3A_30 = tpu.matmul %mul3A_23, %slice3A_28, %dot_general3A_29 {dimension_numbers = #tpu.dot_dimension_numbers<[1], [0], [0], [1], [0, 0, 1, 1], [], []>, transpose_lhs_hint = false} : vector<2000x144xf32>, vector<144x144xf32>, vector<2000x144xf32> -> vector<2000x144xf32>
    %add3A = arith.addf %dot_general3A_27, %dot_general3A_30 : vector<2000x144xf32>
    %broadcast_in_dim3A_31 = vector.shape_cast %convert_element_type3A_12 : vector<2000xf32> to vector<2000x1xf32>
    %get3A_32 = arith.constant 0 : index
    %get3A_33 = arith.constant 0 : index
    %get3A_34 = vector.load %arg6[%get3A_32, %get3A_33] : memref<1x144xf32, #tpu.memory_space<vmem>>, vector<1x144xf32>
    %mul3A_35 = vector.broadcast %broadcast_in_dim3A_31 : vector<2000x1xf32> to vector<2000x144xf32>
    %mul3A_36 = vector.broadcast %get3A_34 : vector<1x144xf32> to vector<2000x144xf32>
    %mul3A_37 = arith.mulf %mul3A_35, %mul3A_36 : vector<2000x144xf32>
    %add3A_38 = arith.addf %add3A, %mul3A_37 : vector<2000x144xf32>
    %get3A_39 = arith.constant 0 : index
    %get3A_40 = arith.constant 0 : index
    %get3A_41 = vector.load %arg7[%get3A_39, %get3A_40] : memref<272x544xf32, #tpu.memory_space<vmem>>, vector<272x544xf32>
    %get3A_42 = arith.constant 0 : index
    %get3A_43 = arith.constant 0 : index
    %get3A_44 = vector.load %arg1[%get3A_42, %get3A_43] : memref<2000x128xf32, #tpu.memory_space<vmem>>, vector<2000x128xf32>
    %slice3A_45 = vector.extract_strided_slice %get3A_41 {offsets = [0, 0], sizes = [128, 544], strides = [1, 1]} : vector<272x544xf32> to vector<128x544xf32>
    %dot_general3A_46 = arith.constant dense<0.000000e+00> : vector<2000x544xf32>
    %dot_general3A_47 = tpu.matmul %get3A_44, %slice3A_45, %dot_general3A_46 {dimension_numbers = #tpu.dot_dimension_numbers<[1], [0], [0], [1], [0, 0, 1, 1], [], []>, transpose_lhs_hint = false} : vector<2000x128xf32>, vector<128x544xf32>, vector<2000x544xf32> -> vector<2000x544xf32>
    %slice3A_48 = vector.extract_strided_slice %get3A_41 {offsets = [128, 0], sizes = [144, 544], strides = [1, 1]} : vector<272x544xf32> to vector<144x544xf32>
    %dot_general3A_49 = arith.constant dense<0.000000e+00> : vector<2000x544xf32>
    %dot_general3A_50 = tpu.matmul %add3A_38, %slice3A_48, %dot_general3A_49 {dimension_numbers = #tpu.dot_dimension_numbers<[1], [0], [0], [1], [0, 0, 1, 1], [], []>, transpose_lhs_hint = false} : vector<2000x144xf32>, vector<144x544xf32>, vector<2000x544xf32> -> vector<2000x544xf32>
    %add3A_51 = arith.addf %dot_general3A_47, %dot_general3A_50 : vector<2000x544xf32>
    %get3A_52 = arith.constant 0 : index
    %get3A_53 = arith.constant 0 : index
    %get3A_54 = vector.load %arg8[%get3A_52, %get3A_53] : memref<1x544xf32, #tpu.memory_space<vmem>>, vector<1x544xf32>
    %add3A_55 = vector.broadcast %get3A_54 : vector<1x544xf32> to vector<2000x544xf32>
    %add3A_56 = arith.addf %add3A_51, %add3A_55 : vector<2000x544xf32>
    %gt3A_57 = arith.constant 0.000000e+00 : f32
    %gt3A_58 = vector.broadcast %gt3A_57 : f32 to vector<2000x544xf32>
    %gt3A_59 = arith.cmpf ogt, %add3A_56, %gt3A_58 : vector<2000x544xf32>
    %mul3A_60 = arith.constant 0.00999999977 : f32
    %mul3A_61 = vector.broadcast %mul3A_60 : f32 to vector<2000x544xf32>
    %mul3A_62 = arith.mulf %mul3A_61, %add3A_56 : vector<2000x544xf32>
    %select_n3A = arith.select %gt3A_59, %add3A_56, %mul3A_62 : vector<2000x544xi1>, vector<2000x544xf32>
    %get3A_63 = arith.constant 0 : index
    %get3A_64 = arith.constant 0 : index
    %get3A_65 = vector.load %arg9[%get3A_63, %get3A_64] : memref<544x128xf32, #tpu.memory_space<vmem>>, vector<544x128xf32>
    %dot_general3A_66 = arith.constant dense<0.000000e+00> : vector<2000x128xf32>
    %dot_general3A_67 = tpu.matmul %select_n3A, %get3A_65, %dot_general3A_66 {dimension_numbers = #tpu.dot_dimension_numbers<[1], [0], [0], [1], [0, 0, 1, 1], [], []>, transpose_lhs_hint = false} : vector<2000x544xf32>, vector<544x128xf32>, vector<2000x128xf32> -> vector<2000x128xf32>
    %get3A_68 = arith.constant 0 : index
    %get3A_69 = arith.constant 0 : index
    %get3A_70 = vector.load %arg10[%get3A_68, %get3A_69] : memref<1x128xf32, #tpu.memory_space<vmem>>, vector<1x128xf32>
    %add3A_71 = vector.broadcast %get3A_70 : vector<1x128xf32> to vector<2000x128xf32>
    %add3A_72 = arith.addf %dot_general3A_67, %add3A_71 : vector<2000x128xf32>
    %swap3A = arith.constant 0 : index
    %swap3A_73 = arith.constant 0 : index
    %swap3A_74 = vector.load %arg11[%swap3A, %swap3A_73] : memref<2000x128xf32, #tpu.memory_space<vmem>>, vector<2000x128xf32>
    tpu.vector_store %arg11[%swap3A, %swap3A_73], %add3A_72 {strides = array<i32>} : memref<2000x128xf32, #tpu.memory_space<vmem>>, vector<2000x128xf32>,
    return
  }
  func.func @transform_0(%arg0: i32) -> (i32, i32) {
    %c0_i32 = arith.constant 0 : i32
    %c0_i32_0 = arith.constant 0 : i32
    return %arg0, %c0_i32 : i32, i32
  }
  func.func @transform_1(%arg0: i32) -> (i32, i32) {
    %c0_i32 = arith.constant 0 : i32
    %c0_i32_0 = arith.constant 0 : i32
    return %arg0, %c0_i32 : i32, i32
  }
  func.func @transform_2(%arg0: i32) -> (i32, i32) {
    %add3A = arith.constant 5 : i32
    %add3A_0 = arith.addi %add3A, %arg0 : i32
    %c0_i32 = arith.constant 0 : i32
    %c0_i32_1 = arith.constant 0 : i32
    return %add3A_0, %c0_i32 : i32, i32
  }
  func.func @transform_3(%arg0: i32) -> (i32, i32) {
    %c0_i32 = arith.constant 0 : i32
    %c0_i32_0 = arith.constant 0 : i32
    return %arg0, %c0_i32 : i32, i32
  }
  func.func @transform_4(%arg0: i32) -> (i32, i32) {
    %c0_i32 = arith.constant 0 : i32
    %c0_i32_0 = arith.constant 0 : i32
    %c0_i32_1 = arith.constant 0 : i32
    return %c0_i32, %c0_i32_0 : i32, i32
  }
  func.func @transform_5(%arg0: i32) -> (i32, i32) {
    %c0_i32 = arith.constant 0 : i32
    %c0_i32_0 = arith.constant 0 : i32
    %c0_i32_1 = arith.constant 0 : i32
    return %c0_i32, %c0_i32_0 : i32, i32
  }
  func.func @transform_6(%arg0: i32) -> (i32, i32) {
    %c0_i32 = arith.constant 0 : i32
    %c0_i32_0 = arith.constant 0 : i32
    %c0_i32_1 = arith.constant 0 : i32
    return %c0_i32, %c0_i32_0 : i32, i32
  }
  func.func @transform_7(%arg0: i32) -> (i32, i32) {
    %c0_i32 = arith.constant 0 : i32
    %c0_i32_0 = arith.constant 0 : i32
    %c0_i32_1 = arith.constant 0 : i32
    return %c0_i32, %c0_i32_0 : i32, i32
  }
  func.func @transform_8(%arg0: i32) -> (i32, i32) {
    %c0_i32 = arith.constant 0 : i32
    %c0_i32_0 = arith.constant 0 : i32
    %c0_i32_1 = arith.constant 0 : i32
    return %c0_i32, %c0_i32_0 : i32, i32
  }
  func.func @transform_9(%arg0: i32) -> (i32, i32) {
    %c0_i32 = arith.constant 0 : i32
    %c0_i32_0 = arith.constant 0 : i32
    %c0_i32_1 = arith.constant 0 : i32
    return %c0_i32, %c0_i32_0 : i32, i32
  }
  func.func @transform_10(%arg0: i32) -> (i32, i32) {
    %c0_i32 = arith.constant 0 : i32
    %c0_i32_0 = arith.constant 0 : i32
    return %arg0, %c0_i32 : i32, i32
  }
}

</mosaic_0001>

<sc_bundles>
// kernel: kernel.7.cloned.1.call-start
scs
__scs_entry_jumppad:
0x0: {  	(pc) =	sbr.rel $0x88, $3  }
0x1: {  	(tag) =	ssettag $0x0;
	lr =	simm.s32 $0x1  }
0x2: {  	[smem:$0x3F96] =	sst lr;
	_ =	strace $0xD0000000  }
0x3: {  	_ = 	snop  }
0x4: {  	_ = 	snop  }
0x5: {  	_ = 	snop  }
0x6: {  	_ = 	snop  }
0x7: {  	_ = 	snop  }
__scs_overlays_trampoline_lowered:
0x8: {  	[smem:$0x3FA5] =	sst s0  }
0x9: {  	[smem:$0x3FA6] =	sst s1  }
0xa: {  	[smem:$0x3FA7] =	sst s2  }
0xb: {  	[smem:$0x3FA8] =	sst s3  }
0xc: {  	[smem:$0x3FA9] =	sst s4  }
0xd: {  	[smem:$0x3FAA] =	sst s5  }
0xe: {  	[smem:$0x3FAB] =	sst s6  }
0xf: {  	[smem:$0x3FAC] =	sst s7  }
0x10: {  	[smem:$0x3FAD] =	sst s8  }
0x11: {  	[smem:$0x3FAE] =	sst s9;
	s0 =	simm.s32 @!p0 $0x0  }
0x12: {  	s1 =	sld [smem:$0x3F94];
	s0 =	simm.s32 @p0 $0x1  }
0x13: {  	[smem:$0x3FAF] =	sst s0;
	s0 =	simm.s32 @!p1 $0x0  }
0x14: {  	s2 =	sld [smem:$0x3F93];
	s0 =	simm.s32 @p1 $0x1  }
0x15: {  	[smem:$0x3FB0] =	sst s0;
	s0 =	simm.s32 @!p2 $0x0  }
0x16: {  	s3 =	sld [smem:$0x3FDB];
	s0 =	simm.s32 @p2 $0x1  }
0x17: {  	s4 =	simm.s32 $0x1BF5;
	[smem:$0x3FB2] =	sst s0  }
0x18: {  	s0 =	sld [smem:$0x3F95];
	_ =	swait.ge [sflag:s4], $0x0  }
0x19: {  	s7 =	sld [smem:$0x3F96]  }
0x1a: {  	s8 =	sadd.s32 $0xFFFFE003, lr  }
0x1b: {  	s9 =	sadd.s32 $0xFFFFFEF7, lr;
	s5 =	simm.s32 $0xFFFFFFFF;
	p2 =	slt.u32 s8, $0xFFFFF086  }
0x1c: {  	p1 =	slt.u32 s9, $0xF7A;
	s5 =	simm.s32 @!p2 $0x0  }
0x1d: {  	s5 =	simm.s32 @p1 $0x1;
	p0 =	seq.s32 s7, s2  }
0x1e: {  	s7 =	smul.u32 @!p0 $0xF7A, s2;
	p2 =	seq.s32 @!p0 s5, $0x0  }
0x1f: {  	s9 =	smul.u32 $0xF7A, s1;
	s8 =	simm.s32 @!p0 $0x1BF5;
	p2 =	por !p2, p0  }
0x20: {  	[sflag:s8] =	ssyncset.s32 @!p0 $0xFFFFF086;
	s6 =	sadd.s32 @!p0 s3, s7;
	s7 =	simm.s32 @!p0 $0x108  }
0x21: {  	s3 =	sadd.s32 s3, s9;
	s6 =	sadd.s32 @!p0 $0x88, s6;
	s7 =	simm.s32 @p2 $0x1082  }
0x22: {  	[simem:s7], [sflag:s8] =	dma.local @!p0 [hbm:s6], $0xF7A  }
0x23: {  	s9 =	sor.u32 $0xD0000000, s2;
	s6 =	simm.s32 $0x108;
	_ =	swait.ge @!p0 [sflag:s8], $0x0  }
0x24: {  	s3 =	sadd.s32 $0x88, s3;
	s6 =	simm.s32 @!p1 $0x1082;
	[sflag:s4] =	ssyncset.s32 $0xFFFFF086  }
0x25: {  	[simem:s6], [sflag:s4] =	dma.local [hbm:s3], $0xF7A  }
0x26: {  	[smem:$0x3F96] =	sst s1;
	(tag) =	ssettag s2;
	_ =	strace s9  }
0x27: {  	s1 =	sld [smem:$0x3FA6]  }
0x28: {  	s2 =	sld [smem:$0x3FA7]  }
0x29: {  	s4 =	sld [smem:$0x3FA9]  }
0x2a: {  	p0 =	seq.s32 s5, $0x0;
	s5 =	sld [smem:$0x3FAA]  }
0x2b: {  	s6 =	sld [smem:$0x3FAB]  }
0x2c: {  	s7 =	sld [smem:$0x3FAC]  }
0x2d: {  	s3 =	simm.s32 $0x108;
	s8 =	sld [smem:$0x3FAD]  }
0x2e: {  	s3 =	simm.s32 @!p0 $0x1082;
	s9 =	sld [smem:$0x3FAE]  }
0x2f: {  	lr =	sadd.s32 s0, s3;
	s0 =	sld [smem:$0x3FA5]  }
0x30: {  	s3 =	sld [smem:$0x3FA8]  }
0x31: {  	[smem:$0x3FB1] =	sst s10  }
0x32: {  	s10 =	sld [smem:$0x3FAF];
	_ =	sdelay $0x3  }
0x33: {  	p0 =	seq.s32 s10, $0x1;
	s10 =	sld [smem:$0x3FB1];
	_ =	sdelay $0x3  }
0x34: {  	[smem:$0x3FB1] =	sst s10  }
0x35: {  	s10 =	sld [smem:$0x3FB0];
	_ =	sdelay $0x3  }
0x36: {  	p1 =	seq.s32 s10, $0x1;
	s10 =	sld [smem:$0x3FB1];
	_ =	sdelay $0x3  }
0x37: {  	[smem:$0x3FB1] =	sst s10  }
0x38: {  	s10 =	sld [smem:$0x3FB2]  }
0x39: {  	_ = 	snop;
	(pc) =	sbr.ind lr, $3  }
0x3a: {  	_ = 	snop  }
0x3b: {  	_ = 	snop  }
0x3c: {  	p2 =	seq.s32 s10, $0x1;
	s10 =	sld [smem:$0x3FB1]  }
0x3d: {  	_ =	shalt  }
0x3e: {  	_ =	shalt  }
0x3f: {  	_ =	shalt  }
0x40: {  	_ =	shalt  }
0x41: {  	_ =	shalt  }
0x42: {  	_ =	shalt  }
0x43: {  	_ =	shalt  }
0x44: {  	_ =	shalt  }
0x45: {  	_ =	shalt  }
0x46: {  	_ =	shalt  }
0x47: {  	_ =	shalt  }
0x48: {  	_ =	shalt  }
0x49: {  	_ =	shalt  }
0x4a: {  	_ =	shalt  }
0x4b: {  	_ =	shalt  }
0x4c: {  	_ =	shalt  }
0x4d: {  	_ =	shalt  }
0x4e: {  	_ =	shalt  }
0x4f: {  	_ =	shalt  }
0x50: {  	_ =	shalt  }
0x51: {  	_ =	shalt  }
0x52: {  	_ =	shalt  }
0x53: {  	_ =	shalt  }
0x54: {  	_ =	shalt  }
0x55: {  	_ =	shalt  }
0x56: {  	_ =	shalt  }
0x57: {  	_ =	shalt  }
0x58: {  	_ =	shalt  }
0x59: {  	_ =	shalt  }
0x5a: {  	_ =	shalt  }
0x5b: {  	_ =	shalt  }
0x5c: {  	_ =	shalt  }
0x5d: {  	_ =	shalt  }
0x5e: {  	_ =	shalt  }
0x5f: {  	_ =	shalt  }
0x60: {  	_ =	shalt  }
0x61: {  	_ =	shalt  }
0x62: {  	_ =	shalt  }
0x63: {  	_ =	shalt  }
0x64: {  	_ =	shalt  }
0x65: {  	_ =	shalt  }
0x66: {  	_ =	shalt  }
0x67: {  	_ =	shalt  }
0x68: {  	_ =	shalt  }
0x69: {  	_ =	shalt  }
0x6a: {  	_ =	shalt  }
0x6b: {  	_ =	shalt  }
0x6c: {  	_ =	shalt  }
0x6d: {  	_ =	shalt  }
0x6e: {  	_ =	shalt  }
0x6f: {  	_ =	shalt  }
0x70: {  	_ =	shalt  }
0x71: {  	_ =	shalt  }
0x72: {  	_ =	shalt  }
0x73: {  	_ =	shalt  }
0x74: {  	_ =	shalt  }
0x75: {  	_ =	shalt  }
0x76: {  	_ =	shalt  }
0x77: {  	_ =	shalt  }
0x78: {  	_ =	shalt  }
0x79: {  	_ =	shalt  }
0x7a: {  	_ =	shalt  }
0x7b: {  	_ =	shalt  }
0x7c: {  	_ =	shalt  }
0x7d: {  	_ =	shalt  }
0x7e: {  	_ =	shalt  }
0x7f: {  	_ =	shalt  }
0x80: {  	_ =	shalt  }
0x81: {  	_ =	shalt  }
0x82: {  	_ =	shalt  }
0x83: {  	_ =	shalt  }
0x84: {  	_ =	shalt  }
0x85: {  	_ =	shalt  }
0x86: {  	_ =	shalt  }
0x87: {  	_ =	shalt  }
.Lfunc_end0:
.L_simem_size_0:
called_computation_lowered:
.L_overlay_start_0:
0x88: {  	s2 =	sld [smem:$0x3FD9]  }
0x89: {  	s3 =	sld [smem:$0x3FFE];
	_ =	sdelay $0x1  }
0x8a: {  	s1 =	srdreg.scid  }
0x8b: {  	s0 =	sand.u32 $0x1, s1  }
0x8c: {  	s17 =	sshll.u32 s0, $0xA;
	s2 =	sadd.s32 s3, s2  }
0x8d: {  	s2 =	sadd.s32 s2, s17  }
0x8e: {  	[smem:$0x3FBD] =	sst s2  }
0x8f: {  	_ = 	snop  }
0x90: {  	s2 =	sld [smem:$0x3FD0];
	(tm) =	ssettm $0x1  }
0x91: {  	s18 =	sld [smem:$0x3FFB];
	_ =	sdelay $0x3  }
0x92: {  	_ =	strace s18  }
0x93: {  	s3 =	sld [smem:$0x3FFC];
	_ =	sdelay $0x3  }
0x94: {  	_ =	strace s3  }
0x95: {  	s3 =	sld [smem:$0x3FFD];
	_ =	sdelay $0x3  }
0x96: {  	_ =	strace s3  }
0x97: {  	_ =	strace $0x8FFFFFFF  }
0x98: {  	s19 =	sld [smem:$0x3FDB];
	_ =	sdelay $0x1  }
0x99: {  	s4 =	simm.s32 $_scs_section_size  }
0x9a: {  	s5 =	simm.s32 $_size__tile_overlayer_lowered;
	s6 =	simm.s32 $_tile_overlayer_lowered  }
0x9b: {  	s22 =	simm.s32 $0x1BFF;
	s21 =	sshll.u32 s6, $0x1;
	s3 =	sadd.s32 s4, s19  }
0x9c: {  	s7 =	simm.s32 $0x0;
	s20 =	sshll.u32 s5, $0x1;
	s5 =	sadd.s32 s21, s3  }
0x9d: {  	[timem:s7], [sflag:s22] =	dma.local [hbm:s5], s20  }
0x9e: {  	_ =	swait.ge [sflag:s22], s20  }
0x9f: {  	s4 =	ssub.s32 $0x0, s20;
	[sflag:s22] =	ssyncset.done $0x0  }
0xa0: {  	[sflag:s22] =	ssyncadd.s32 s4;
	_ =	sdelay $0x1  }
0xa1: {  	s23 =	simm.s32 $0x1B8B  }
0xa2: {  	_ =	swait.ge [sflag:s23], $0x1  }
0xa3: {  	[sflag:s23] =	ssyncset.done $0x0  }
0xa4: {  	s25 =	simm.s32 $0x1B8E;
	s24 =	sld [smem:$0x3FFE];
	[sflag:s23] =	ssyncadd.s32 $0xFFFFFFFF  }
0xa5: {  	s26 =	simm.s32 $execute0_lowered;
	[smem:$0x3FD2] =	sst s25  }
0xa6: {  	s5 =	sshll.u32 s26, $0x1;
	_ =	strace $0x80000046;
	[dreg:$0x1] =	wrdreg $0xFFFFFFFF  }
0xa7: {  	s28 =	simm.s32 $_size_execute0_lowered;
	s3 =	sadd.s32 s3, s5;
	[dreg:$0x0] =	wrdreg $0x0  }
0xa8: {  	s5 =	sshll.u32 s28, $0x1;
	[dreg:$0x2] =	wrdreg s3  }
0xa9: {  	[dreg:$0x3] =	wrdreg s5  }
0xaa: {  	[dreg:$0x4] =	wrdreg $0xC0  }
0xab: {  	_ =	task [dreg:s7], $0x5FFFF  }
0xac: {  	[dreg:$0x1] =	wrdreg $0xFFFFFFFF  }
0xad: {  	[dreg:$0x0] =	wrdreg $0x60  }
0xae: {  	[dreg:$0x2] =	wrdreg s24  }
0xaf: {  	[dreg:$0x3] =	wrdreg s2  }
0xb0: {  	[dreg:$0x4] =	wrdreg $0x70100  }
0xb1: {  	[dreg:$0x5] =	wrdreg $0x9  }
0xb2: {  	_ =	task.clear_ibuf [dreg:s7], $0x6FFFF;
	_ =	strace $0x90000046  }
0xb3: {  	s29 =	simm.s32 $0x9;
	_ =	strace $0x80000048  }
0xb4: {  	_ =	swait.ge [sflag:s29], $0x1  }
0xb5: {  	[sflag:s29] =	ssyncadd.s32 $0xFFFFFFFF  }
0xb6: {  	_ =	strace $0x90000048  }
0xb7: {  	_ =	sfence  }
0xb8: {  	s30 =	sld [smem:$0x0];
	_ =	sdelay $0x2  }
0xb9: {  	s31 =	sshll.u32 s1, $0xD;
	s1 =	sshrl.u32 s1, $0x2  }
0xba: {  	s3 =	sand.u32 $0x4000, s31;
	s1 =	sadd.s32 s1, s30  }
0xbb: {  	s0 =	sor.u32 s3, s0;
	s1 =	sshll.u32 s1, $0x11  }
0xbc: {  	s0 =	sor.u32 s1, s0  }
0xbd: {  	s0 =	sadd.s32 $0x8F2B, s0  }
0xbe: {  	[sflag:s0] =	ssyncadd.remote.s32 $0x1  }
0xbf: {  	_ =	sfence.sel $0xFFFF  }
0xc0: {  	[dreg:$0x0] =	wrdreg $0xFFFFFFFF;
	(pc) =	sbr.abs _section_cstart, $3  }
0xc1: {  	[dreg:$0x1] =	wrdreg $0xFFFFFFFF  }
0xc2: {  	_ =	task.clear_ibuf [dreg:s7], $0x2FFFF;
	_ =	strace $0x9FFFFFFF  }
0xc3: {  	(tm) =	ssettm $0x7FFFFFFF  }
tec
execute0_lowered:
.L_overlay_start_1:
0x0: {  	(tag) =	ssettag $0x1  }
0x1: {  	s1 =	rddreg [dreg:$0x0];
	s0 =	srdreg.scid  }
0x2: {  	s2 =	rddreg [dreg:$0x1];
	s14 =	stileid.u32  }
0x3: {  	s3 =	rddreg [dreg:$0x2];
	s5 =	simm.s32 $0x0;
	s15 =	smul.u32 $0x271, s14  }
0x4: {  	s4 =	sand.u32 $0x1, s0;
	s7 =	sshll.u32 s14, $0x1;
	s12 =	smul.u32 $0x57E40, s14  }
0x5: {  	[smem:$0x7FF] =	sst s5;
	s8 =	sadd.s32 $0x5E4800, s1;
	s29 =	smul.u32 $0x4E20, s14  }
0x6: {  	s9 =	sadd.s32 $0x102800, s1;
	s0 =	smul.u32 $0x2710, s4;
	s25 =	sor.u32 s4, s7  }
0x7: {  	_ =	strace $0x80000047;
	s7 =	sadd.s32 $0xAA800, s1;
	s12 =	sshrl.u32 s12, $0x2  }
0x8: {  	s26 =	ssub.s32 $0x2, s4;
	[dreg:$0x4] =	wrdreg s15;
	s22 =	sadd.s32 s12, s3  }
0x9: {  	s17 =	sshrl.u32 s29, $0x3;
	s30 =	sadd.s32 $0x1200, s22;
	[dreg:$0x5] =	wrdreg s22  }
0xa: {  	s6 =	sadd.s32 s15, s0;
	s14 =	sadd.s32 $0x2400, s22;
	[dreg:$0x6] =	wrdreg s30  }
0xb: {  	s10 =	smul.u32 $0x12, s6;
	s16 =	sadd.s32 $0x3600, s22;
	[dreg:$0x7] =	wrdreg s14  }
0xc: {  	s6 =	sadd.s32 $0x4600, s1;
	s18 =	sadd.s32 $0x4800, s22;
	[dreg:$0x8] =	wrdreg s16  }
0xd: {  	s20 =	sadd.s32 $0x4, s17;
	[dreg:$0x9] =	wrdreg s18;
	s19 =	sadd.s32 s6, s17  }
0xe: {  	s11 =	smul.u32 $0x4E2, s25;
	s21 =	sadd.s32 s6, s20;
	[dreg:$0xa] =	wrdreg s19  }
0xf: {  	s14 =	smul.u32 $0x4E200, s4;
	s4 =	sadd.s32 s2, s20;
	[dreg:$0xc] =	wrdreg s21  }
0x10: {  	s13 =	sshrl.u32 s26, $0x1;
	s30 =	sadd.s32 $0x7E00, s22;
	[dreg:$0xd] =	wrdreg s4  }
0x11: {  	s16 =	sadd.s32 $0xEA00, s22;
	s18 =	sadd.s32 $0x10E00, s22;
	[dreg:$0x13] =	wrdreg s30  }
0x12: {  	s10 =	sadd.s32 s10, s1;
	s1 =	sadd.s32 s11, s1;
	[dreg:$0x19] =	wrdreg s16  }
0x13: {  	s11 =	ssub.s32 s26, s13;
	s13 =	sadd.s32 s2, s17;
	[dreg:$0x1b] =	wrdreg s18  }
0x14: {  	s26 =	sadd.s32 $0x5A00, s22;
	[dreg:$0xb] =	wrdreg s13  }
0x15: {  	s4 =	sadd.s32 $0x9000, s22;
	[dreg:$0x11] =	wrdreg s26  }
0x16: {  	s17 =	sadd.s32 $0xFC00, s22;
	[dreg:$0x14] =	wrdreg s4  }
0x17: {  	s31 =	simm.s32 $0x80;
	s19 =	sadd.s32 $0x12000, s22;
	[dreg:$0x1a] =	wrdreg s17  }
0x18: {  	s28 =	simm.s32 $0x20;
	s30 =	sadd.s32 $0x5, s15;
	[dreg:$0x1c] =	wrdreg s19  }
0x19: {  	s16 =	simm.s32 $0x3;
	s24 =	sadd.s32 $0xE400, s10;
	[smem:$0x7FD] =	sst s30  }
0x1a: {  	s18 =	simm.s32 $0x4900;
	s1 =	sadd.s32 $0x66400, s1;
	[dreg:$0xe] =	wrdreg s24  }
0x1b: {  	s12 =	sadd.s32 s29, s14;
	s25 =	smax.u32 s11, $0x1;
	[dreg:$0xf] =	wrdreg s1  }
0x1c: {  	s29 =	sadd.s32 $0x6C00, s22;
	s10 =	sadd.s32 $0xA200, s22;
	[dreg:$0x10] =	wrdreg s25  }
0x1d: {  	s11 =	sadd.s32 $0xB400, s22;
	s13 =	sadd.s32 $0xD800, s22;
	[dreg:$0x12] =	wrdreg s29  }
0x1e: {  	s26 =	sadd.s32 $0x1, s15;
	s4 =	simm.s32 $0x11;
	[dreg:$0x15] =	wrdreg s10  }
0x1f: {  	s17 =	simm.s32 $0x5;
	s19 =	simm.s32 $0x8;
	[dreg:$0x16] =	wrdreg s11  }
0x20: {  	s23 =	sshll.u32 s12, $0x4;
	s12 =	sshll.u32 s12, $0x1;
	[dreg:$0x18] =	wrdreg s13  }
0x21: {  	s24 =	sadd.s32 $0x14400, s22;
	s25 =	sadd.s32 $0x15600, s22;
	[smem:$0x7FB] =	sst s26  }
0x22: {  	s29 =	sadd.s32 $0x4, s15;
	s11 =	simm.s32 $0x1300;
	s15 =	simm.s32 $0x1  }
0x23: {  	s10 =	simm.s32 $0x7;
	s13 =	simm.s32 $0x6;
	[dreg:$0x1e] =	wrdreg s24  }
0x24: {  	s1 =	simm.s32 $0x0;
	s20 =	sadd.s32 s8, s23;
	[dreg:$0x1f] =	wrdreg s25  }
0x25: {  	s21 =	sadd.s32 s9, s12;
	s12 =	sadd.s32 $0xC600, s22;
	[smem:$0x7FC] =	sst s29  }
0x26: {  	v1 =	vimm.f32 $0.0e+00;
	s23 =	sadd.s32 $0x13200, s22;
	s24 =	simm.s32 $0x100;
	[dreg:$0x17] =	wrdreg s12  }
0x27: {  	v2 =	vimm.s32 $0x0;
	v3 =	vimm.s32 $0x1;
	v0 =	vmov s0;
	[dreg:$0x1d] =	wrdreg s23;
	s23 =	simm.s32 $0x2;
	s12 =	simm.s32 $0x4  }
.LBB2_1:
0x28: {  	[smem:$0x7FA] =	sst s1;
	s0 =	simm.s32 $0x0;
	s1 =	simm.s32 $0x240  }
.LBB2_2:
0x29: {  	p0 =	sne.s32 s1, $0x45C0;
	[tilespmem:s0+$0x180] =	vst v1  }
0x2a: {  	[tilespmem:s0+$0x100] =	vst v1  }
0x2b: {  	[tilespmem:s0+$0x110] =	vst v1  }
0x2c: {  	[tilespmem:s0+$0x120] =	vst v1  }
.Ltmp0:
0x2d: {  	[tilespmem:s0+$0x130] =	vst v1;
	(pc) =	sbr.rel @p0 .LBB2_2-.Ltmp0, $4  }
0x2e: {  	[tilespmem:s0+$0x140] =	vst v1  }
0x2f: {  	[tilespmem:s0+$0x150] =	vst v1  }
0x30: {  	[tilespmem:s0+$0x160] =	vst v1  }
0x31: {  	[tilespmem:s0+$0x170] =	vst v1;
	s0 =	sshra.s32 s1, $0x2;
	s1 =	sadd.s32 $0x240, s1  }
0x32: {  	[tilespmem:s0+$0x180] =	vst v1  }
0x33: {  	[tilespmem:s0+$0x100] =	vst v1  }
0x34: {  	[tilespmem:s0+$0x110] =	vst v1  }
0x35: {  	[tilespmem:s0+$0x120] =	vst v1  }
0x36: {  	[tilespmem:s0+$0x130] =	vst v1  }
0x37: {  	[tilespmem:s0+$0x140] =	vst v1  }
0x38: {  	[tilespmem:s0+$0x150] =	vst v1  }
0x39: {  	[tilespmem:s0+$0x160] =	vst v1  }
0x3a: {  	[tilespmem:s0+$0x170] =	vst v1  }
0x3b: {  	[spmem:s22] =	stream.linear.scatter [tilespmem:s24], [sflag:$0x11], $0x1200, $0x38;
	[tilespmem:$0x1CFA0] =	vst v63  }
0x3c: {  	_ =	swait.ge [sflag:s4], $0x1200  }
0x3d: {  	[sflag:s4] =	ssyncset.done $0x0  }
0x3e: {  	s30 =	rddreg [dreg:$0x6];
	[sflag:s4] =	ssyncadd.s32 $0xFFFFEE00  }
0x3f: {  	[spmem:s30] =	stream.linear.scatter [tilespmem:s24], [sflag:$0x11], $0x1200, $0x38;
	[tilespmem:$0x1CFA0] =	vst v63  }
0x40: {  	_ =	swait.ge [sflag:s4], $0x1200  }
0x41: {  	[sflag:s4] =	ssyncset.done $0x0  }
0x42: {  	s1 =	rddreg [dreg:$0x7];
	[sflag:s4] =	ssyncadd.s32 $0xFFFFEE00  }
0x43: {  	[spmem:s1] =	stream.linear.scatter [tilespmem:s24], [sflag:$0x11], $0x1200, $0x38;
	[tilespmem:$0x1CFA0] =	vst v63  }
0x44: {  	_ =	swait.ge [sflag:s4], $0x1200  }
0x45: {  	[sflag:s4] =	ssyncset.done $0x0  }
0x46: {  	s22 =	rddreg [dreg:$0x8];
	[sflag:s4] =	ssyncadd.s32 $0xFFFFEE00  }
0x47: {  	[spmem:s22] =	stream.linear.scatter [tilespmem:s24], [sflag:$0x11], $0x1200, $0x38;
	[tilespmem:$0x1CFA0] =	vst v63  }
0x48: {  	_ =	swait.ge [sflag:s4], $0x1200  }
0x49: {  	[sflag:s4] =	ssyncset.done $0x0  }
0x4a: {  	s25 =	rddreg [dreg:$0x9];
	[sflag:s4] =	ssyncadd.s32 $0xFFFFEE00  }
0x4b: {  	[spmem:s25] =	stream.linear.scatter [tilespmem:s24], [sflag:$0x11], $0x1200, $0x38;
	[tilespmem:$0x1CFA0] =	vst v63  }
0x4c: {  	_ =	swait.ge [sflag:s4], $0x1200  }
0x4d: {  	[sflag:s4] =	ssyncset.done $0x0  }
0x4e: {  	s26 =	rddreg [dreg:$0x11];
	[sflag:s4] =	ssyncadd.s32 $0xFFFFEE00  }
0x4f: {  	[spmem:s26] =	stream.linear.scatter [tilespmem:s24], [sflag:$0x11], $0x1200, $0x38;
	[tilespmem:$0x1CFA0] =	vst v63  }
0x50: {  	_ =	swait.ge [sflag:s4], $0x1200  }
0x51: {  	[sflag:s4] =	ssyncset.done $0x0  }
0x52: {  	s29 =	rddreg [dreg:$0x12];
	[sflag:s4] =	ssyncadd.s32 $0xFFFFEE00  }
0x53: {  	[spmem:s29] =	stream.linear.scatter [tilespmem:s24], [sflag:$0x11], $0x1200, $0x38;
	[tilespmem:$0x1CFA0] =	vst v63  }
0x54: {  	_ =	swait.ge [sflag:s4], $0x1200  }
0x55: {  	[sflag:s4] =	ssyncset.done $0x0  }
0x56: {  	s30 =	rddreg [dreg:$0x13];
	[sflag:s4] =	ssyncadd.s32 $0xFFFFEE00  }
0x57: {  	[spmem:s30] =	stream.linear.scatter [tilespmem:s24], [sflag:$0x11], $0x1200, $0x38;
	[tilespmem:$0x1CFA0] =	vst v63  }
0x58: {  	_ =	swait.ge [sflag:s4], $0x1200  }
0x59: {  	[sflag:s4] =	ssyncset.done $0x0  }
0x5a: {  	s1 =	rddreg [dreg:$0x14];
	[sflag:s4] =	ssyncadd.s32 $0xFFFFEE00  }
0x5b: {  	[spmem:s1] =	stream.linear.scatter [tilespmem:s24], [sflag:$0x11], $0x1200, $0x38;
	[tilespmem:$0x1CFA0] =	vst v63  }
0x5c: {  	_ =	swait.ge [sflag:s4], $0x1200  }
0x5d: {  	[sflag:s4] =	ssyncset.done $0x0  }
0x5e: {  	s22 =	rddreg [dreg:$0x15];
	[sflag:s4] =	ssyncadd.s32 $0xFFFFEE00  }
0x5f: {  	[spmem:s22] =	stream.linear.scatter [tilespmem:s24], [sflag:$0x11], $0x1200, $0x38;
	[tilespmem:$0x1CFA0] =	vst v63  }
0x60: {  	_ =	swait.ge [sflag:s4], $0x1200  }
0x61: {  	[sflag:s4] =	ssyncset.done $0x0  }
0x62: {  	s25 =	rddreg [dreg:$0x16];
	[sflag:s4] =	ssyncadd.s32 $0xFFFFEE00  }
0x63: {  	[spmem:s25] =	stream.linear.scatter [tilespmem:s24], [sflag:$0x11], $0x1200, $0x38;
	[tilespmem:$0x1CFA0] =	vst v63  }
0x64: {  	_ =	swait.ge [sflag:s4], $0x1200  }
0x65: {  	[sflag:s4] =	ssyncset.done $0x0  }
0x66: {  	s26 =	rddreg [dreg:$0x17];
	[sflag:s4] =	ssyncadd.s32 $0xFFFFEE00  }
0x67: {  	[spmem:s26] =	stream.linear.scatter [tilespmem:s24], [sflag:$0x11], $0x1200, $0x38;
	[tilespmem:$0x1CFA0] =	vst v63  }
0x68: {  	_ =	swait.ge [sflag:s4], $0x1200  }
0x69: {  	[sflag:s4] =	ssyncset.done $0x0  }
0x6a: {  	s29 =	rddreg [dreg:$0x18];
	[sflag:s4] =	ssyncadd.s32 $0xFFFFEE00  }
0x6b: {  	[spmem:s29] =	stream.linear.scatter [tilespmem:s24], [sflag:$0x11], $0x1200, $0x38;
	[tilespmem:$0x1CFA0] =	vst v63  }
0x6c: {  	_ =	swait.ge [sflag:s4], $0x1200  }
0x6d: {  	[sflag:s4] =	ssyncset.done $0x0  }
0x6e: {  	s30 =	rddreg [dreg:$0x19];
	[sflag:s4] =	ssyncadd.s32 $0xFFFFEE00  }
0x6f: {  	[spmem:s30] =	stream.linear.scatter [tilespmem:s24], [sflag:$0x11], $0x1200, $0x38;
	[tilespmem:$0x1CFA0] =	vst v63  }
0x70: {  	_ =	swait.ge [sflag:s4], $0x1200  }
0x71: {  	[sflag:s4] =	ssyncset.done $0x0  }
0x72: {  	s1 =	rddreg [dreg:$0x1a];
	[sflag:s4] =	ssyncadd.s32 $0xFFFFEE00  }
0x73: {  	[spmem:s1] =	stream.linear.scatter [tilespmem:s24], [sflag:$0x11], $0x1200, $0x38;
	[tilespmem:$0x1CFA0] =	vst v63  }
0x74: {  	_ =	swait.ge [sflag:s4], $0x1200  }
0x75: {  	[sflag:s4] =	ssyncset.done $0x0  }
0x76: {  	s22 =	rddreg [dreg:$0x1b];
	[sflag:s4] =	ssyncadd.s32 $0xFFFFEE00  }
0x77: {  	[spmem:s22] =	stream.linear.scatter [tilespmem:s24], [sflag:$0x11], $0x1200, $0x38;
	[tilespmem:$0x1CFA0] =	vst v63  }
0x78: {  	_ =	swait.ge [sflag:s4], $0x1200  }
0x79: {  	[sflag:s4] =	ssyncset.done $0x0  }
0x7a: {  	s25 =	rddreg [dreg:$0x1c];
	[sflag:s4] =	ssyncadd.s32 $0xFFFFEE00  }
0x7b: {  	[spmem:s25] =	stream.linear.scatter [tilespmem:s24], [sflag:$0x11], $0x1200, $0x38;
	[tilespmem:$0x1CFA0] =	vst v63  }
0x7c: {  	_ =	swait.ge [sflag:s4], $0x1200  }
0x7d: {  	[sflag:s4] =	ssyncset.done $0x0  }
0x7e: {  	s26 =	rddreg [dreg:$0x1d];
	[sflag:s4] =	ssyncadd.s32 $0xFFFFEE00  }
0x7f: {  	[spmem:s26] =	stream.linear.scatter [tilespmem:s24], [sflag:$0x11], $0x1200, $0x38;
	[tilespmem:$0x1CFA0] =	vst v63  }
0x80: {  	_ =	swait.ge [sflag:s4], $0x1200  }
0x81: {  	[sflag:s4] =	ssyncset.done $0x0  }
0x82: {  	s29 =	rddreg [dreg:$0x1e];
	[sflag:s4] =	ssyncadd.s32 $0xFFFFEE00  }
0x83: {  	[spmem:s29] =	stream.linear.scatter [tilespmem:s24], [sflag:$0x11], $0x1200, $0x38;
	[tilespmem:$0x1CFA0] =	vst v63  }
0x84: {  	_ =	swait.ge [sflag:s4], $0x1200  }
0x85: {  	[sflag:s4] =	ssyncset.done $0x0  }
0x86: {  	s30 =	rddreg [dreg:$0x1f];
	[sflag:s4] =	ssyncadd.s32 $0xFFFFEE00  }
0x87: {  	[spmem:s30] =	stream.linear.scatter [tilespmem:s24], [sflag:$0x11], $0x990, $0x38;
	[tilespmem:$0x1CFA0] =	vst v63  }
0x88: {  	_ =	swait.ge [sflag:s4], $0x990  }
0x89: {  	[sflag:s4] =	ssyncset.done $0x0  }
0x8a: {  	s0 =	simm.s32 $0x40;
	s1 =	simm.s32 $0x0;
	[sflag:s4] =	ssyncadd.s32 $0xFFFFF670  }
.LBB2_4:
0x8b: {  	p0 =	sne.s32 s0, $0x9C00;
	[tilespmem:s1+$0x4900] =	vst v2;
	s1 =	smov.u32 s0;
	s0 =	sadd.s32 $0x40, s0  }
.Ltmp1:
0x8c: {  	(pc) =	sbr.rel @p0 .LBB2_4-.Ltmp1, $2  }
0x8d: {  	_ =	sdelay $0x2  }
0x8e: {  	s1 =	sshra.s32 s1, $0x2  }
0x8f: {  	[tilespmem:s1+$0x4900] =	vst v2  }
0x90: {  	[bflag:$0x0] =	sbarrier.arrive $0xFFFF  }
0x91: {  	s0 =	simm.s32 $0x0;
	s4 =	rddreg [dreg:$0xa]  }
0x92: {  	[tilespmem:s0], [sflag:$0x9] =	stream.linear.gather [hbm4b:s4+s0], $0x20, $0x38;
	[tilespmem:$0x1CFA0] =	vst v63  }
0x93: {  	s22 =	rddreg [dreg:$0xb]  }
0x94: {  	[tilespmem:s31], [sflag:$0xD] =	stream.linear.gather [hbm4b:s22+s0], $0x20, $0x38;
	[tilespmem:$0x1CFA0] =	vst v63  }
0x95: {  	s25 =	rddreg [dreg:$0xc]  }
0x96: {  	[tilespmem:s28], [sflag:$0xA] =	stream.linear.gather [hbm4b:s25+s0], $0x20, $0x38;
	[tilespmem:$0x1CFA0] =	vst v63  }
0x97: {  	s29 =	simm.s32 $0x9;
	s26 =	rddreg [dreg:$0xd];
	s4 =	simm.s32 $0xA0  }
0x98: {  	[tilespmem:s4], [sflag:$0xE] =	stream.linear.gather [hbm4b:s26+s0], $0x20, $0x38;
	[tilespmem:$0x1CFA0] =	vst v63  }
0x99: {  	_ =	swait.ge [sflag:s29], $0x20  }
0x9a: {  	[sflag:s29] =	ssyncset.done $0x0  }
0x9b: {  	s30 =	simm.s32 $0xD;
	[sflag:s29] =	ssyncadd.s32 $0xFFFFFFE0  }
0x9c: {  	_ =	swait.ge [sflag:s30], $0x20  }
0x9d: {  	[sflag:s30] =	ssyncset.done $0x0  }
0x9e: {  	[sflag:s30] =	ssyncadd.s32 $0xFFFFFFE0  }
0x9f: {  	v4 =	vld [tilespmem:$0x0]  }
0xa0: {  	v5 =	vld [tilespmem:$0x10];
	_ =	sdelay $0x3  }
0xa1: {  	v4 =	vadd.s32 v0, v4  }
0xa2: {  	[tilespmem:$0x0] =	vst v4;
	v4 =	vadd.s32 v0, v5  }
0xa3: {  	s1 =	simm.s32 $0x10;
	[tilespmem:$0x10] =	vst v4  }
0xa4: {  	[tilespmem:s24], [sflag:$0x1] =	stream.indirect.gather [hbm4b:s7+s28], $0x90, s0, s28, $0xb8;
	[tilespmem:$0x1CFA0] =	vst v63  }
0xa5: {  	s22 =	sadd.s32 $0x0, s20;
	s4 =	simm.s32 $0x2590;
	s0 =	simm.s32 $0x2500  }
.LBB2_6:
0xa6: {  	[tilespmem:s0], [sflag:$0x3] =	stream.linear.gather [hbm4b:s22+s5], $0x80, $0x38;
	[tilespmem:$0x1CFA0] =	vst v63  }
0xa7: {  	s22 =	smov.u32 s1;
	s0 =	smov.u32 s4;
	p0 =	sne.s32 s1, $0x1F0  }
.Ltmp2:
0xa8: {  	s1 =	sadd.s32 $0x10, s1;
	(pc) =	sbr.rel @p0 .LBB2_6-.Ltmp2, $2  }
0xa9: {  	_ =	sdelay $0x2  }
0xaa: {  	s4 =	sadd.s32 $0x90, s4;
	s22 =	sadd.s32 s22, s20  }
0xab: {  	[tilespmem:s0], [sflag:$0x3] =	stream.linear.gather [hbm4b:s22+s5], $0x80, $0x38;
	[tilespmem:$0x1CFA0] =	vst v63  }
0xac: {  	s26 =	simm.s32 $0x0;
	s0 =	simm.s32 $0x2580  }
0xad: {  	s1 =	simm.s32 $0x2;
	s22 =	sadd.s32 $0x0, s21;
	s4 =	simm.s32 $0x2610  }
.LBB2_8:
0xae: {  	[tilespmem:s0], [sflag:$0x5] =	stream.linear.gather [hbm4b:s22+s26], $0x10, $0x38;
	[tilespmem:$0x1CFA0] =	vst v63  }
0xaf: {  	s22 =	smov.u32 s1;
	s0 =	smov.u32 s4;
	p0 =	sne.s32 s1, $0x3E  }
.Ltmp3:
0xb0: {  	s1 =	sadd.s32 $0x2, s1;
	(pc) =	sbr.rel @p0 .LBB2_8-.Ltmp3, $2  }
0xb1: {  	_ =	sdelay $0x2  }
0xb2: {  	s4 =	sadd.s32 $0x90, s4;
	s22 =	sadd.s32 s22, s21  }
0xb3: {  	[tilespmem:s0], [sflag:$0x5] =	stream.linear.gather [hbm4b:s22+s26], $0x10, $0x38;
	[tilespmem:$0x1CFA0] =	vst v63  }
.LBB2_10:
0xb4: {  	p0 =	seq.s32 s26, $0x0  }
0xb5: {  	s0 =	simm.s32 @!p0 $0x8  }
0xb6: {  	_ =	swait.ge @!p0 [sflag:s0], $0x1200  }
0xb7: {  	[sflag:s0] =	ssyncset.done @!p0 $0x0  }
0xb8: {  	s4 =	simm.s32 $0xA;
	[sflag:s0] =	ssyncadd.s32 @!p0 $0xFFFFEE00  }
0xb9: {  	_ =	swait.ge [sflag:s4], $0x20  }
0xba: {  	[sflag:s4] =	ssyncset.done $0x0  }
0xbb: {  	s22 =	simm.s32 $0xE;
	[sflag:s4] =	ssyncadd.s32 $0xFFFFFFE0  }
0xbc: {  	_ =	swait.ge [sflag:s22], $0x20  }
0xbd: {  	[sflag:s22] =	ssyncset.done $0x0;
	s25 =	sld [smem:$0x7FB]  }
0xbe: {  	[sflag:s22] =	ssyncadd.s32 $0xFFFFFFE0  }
0xbf: {  	s1 =	sshll.u32 s26, $0x2;
	v4 =	vld [tilespmem:$0x20]  }
0xc0: {  	v5 =	vld [tilespmem:$0x30];
	s0 =	sadd.s32 s1, s25  }
0xc1: {  	s0 =	sshll.u32 s0, $0x5  }
0xc2: {  	s0 =	sadd.s32 s14, s0  }
0xc3: {  	s4 =	sshll.u32 s0, $0x4  }
0xc4: {  	v4 =	vadd.s32 v0, v4;
	s4 =	sand.u32 $0x1FFFFE00, s4  }
0xc5: {  	s29 =	simm.s32 $0x10;
	[tilespmem:$0x20] =	vst v4;
	v4 =	vadd.s32 v0, v5;
	s4 =	sadd.s32 s8, s4  }
0xc6: {  	s22 =	simm.s32 $0x3700;
	s25 =	simm.s32 $0x3790;
	[tilespmem:$0x30] =	vst v4;
	s30 =	sadd.s32 $0x0, s4  }
0xc7: {  	[tilespmem:s11], [sflag:$0x2] =	stream.indirect.gather [hbm4b:s7+s28], $0x90, s28, s28, $0xb8;
	[tilespmem:$0x1CFA0] =	vst v63  }
.LBB2_11:
0xc8: {  	[tilespmem:s22], [sflag:$0x4] =	stream.linear.gather [hbm4b:s30+s5], $0x80, $0x38;
	[tilespmem:$0x1CFA0] =	vst v63  }
0xc9: {  	s30 =	smov.u32 s29;
	s22 =	smov.u32 s25;
	p0 =	sne.s32 s29, $0x1F0  }
.Ltmp4:
0xca: {  	s29 =	sadd.s32 $0x10, s29;
	(pc) =	sbr.rel @p0 .LBB2_11-.Ltmp4, $2  }
0xcb: {  	_ =	sdelay $0x2  }
0xcc: {  	s25 =	sadd.s32 $0x90, s25;
	s30 =	sadd.s32 s30, s4  }
0xcd: {  	[tilespmem:s22], [sflag:$0x4] =	stream.linear.gather [hbm4b:s30+s5], $0x80, $0x38;
	[tilespmem:$0x1CFA0] =	vst v63  }
0xce: {  	s0 =	sshll.u32 s0, $0x1  }
0xcf: {  	s0 =	sand.u32 $0x1FFFFFC0, s0  }
0xd0: {  	s4 =	simm.s32 $0x3780;
	s0 =	sadd.s32 s9, s0  }
0xd1: {  	s22 =	simm.s32 $0x2;
	s25 =	simm.s32 $0x3810;
	s29 =	sadd.s32 $0x0, s0  }
.LBB2_13:
0xd2: {  	[tilespmem:s4], [sflag:$0x6] =	stream.linear.gather [hbm4b:s29+s5], $0x10, $0x38;
	[tilespmem:$0x1CFA0] =	vst v63  }
0xd3: {  	s29 =	smov.u32 s22;
	s4 =	smov.u32 s25;
	p0 =	sne.s32 s22, $0x3E  }
.Ltmp5:
0xd4: {  	s22 =	sadd.s32 $0x2, s22;
	(pc) =	sbr.rel @p0 .LBB2_13-.Ltmp5, $2  }
0xd5: {  	_ =	sdelay $0x2  }
0xd6: {  	s25 =	sadd.s32 $0x90, s25;
	s29 =	sadd.s32 s29, s0  }
0xd7: {  	[tilespmem:s4], [sflag:$0x6] =	stream.linear.gather [hbm4b:s29+s5], $0x10, $0x38;
	[tilespmem:$0x1CFA0] =	vst v63  }
0xd8: {  	s0 =	rddreg [dreg:$0x4]  }
0xd9: {  	s0 =	sadd.s32 s1, s0  }
0xda: {  	s29 =	sadd.s32 $0x2, s0  }
0xdb: {  	s4 =	sshll.u32 s29, $0x2  }
0xdc: {  	s25 =	simm.s32 $0x0;
	s30 =	simm.s32 $0x40;
	s22 =	sadd.s32 s6, s4  }
0xdd: {  	[tilespmem:s30], [sflag:$0xB] =	stream.linear.gather [hbm4b:s22+s25], $0x20, $0x38;
	[tilespmem:$0x1CFA0] =	vst v63  }
0xde: {  	s4 =	sadd.s32 s2, s4;
	s30 =	simm.s32 $0xC0  }
0xdf: {  	[tilespmem:s30], [sflag:$0xF] =	stream.linear.gather [hbm4b:s4+s25], $0x20, $0x38;
	[tilespmem:$0x1CFA0] =	vst v63  }
0xe0: {  	_ =	swait.ge [sflag:s15], $0x1200  }
0xe1: {  	[sflag:s15] =	ssyncset.done $0x0  }
0xe2: {  	[sflag:s15] =	ssyncadd.s32 $0xFFFFEE00  }
0xe3: {  	_ =	swait.ge [sflag:s16], $0x1000  }
0xe4: {  	[sflag:s16] =	ssyncset.done $0x0  }
0xe5: {  	[sflag:s16] =	ssyncadd.s32 $0xFFFFF000  }
0xe6: {  	_ =	swait.ge [sflag:s17], $0x200  }
0xe7: {  	[sflag:s17] =	ssyncset.done $0x0  }
0xe8: {  	s4 =	simm.s32 $0x0;
	[sflag:s17] =	ssyncadd.s32 $0xFFFFFE00  }
0xe9: {  	v10 =	vld [tilespmem:s4+$0x2500]  }
0xea: {  	v13 =	vld [tilespmem:s4+$0x2510]  }
0xeb: {  	v19 =	vld [tilespmem:s4+$0x2520]  }
0xec: {  	v9 =	vld [tilespmem:s4+$0x2530]  }
0xed: {  	v8 =	vld [tilespmem:s4+$0x2540]  }
0xee: {  	v7 =	vld [tilespmem:s4+$0x2550]  }
0xef: {  	v6 =	vld [tilespmem:s4+$0x2560]  }
0xf0: {  	v5 =	vld [tilespmem:s4+$0x2570]  }
0xf1: {  	v4 =	vld [tilespmem:s4+$0x2580]  }
0xf2: {  	v11 =	vld [tilespmem:s4+$0x100]  }
0xf3: {  	v15 =	vld [tilespmem:s4+$0x110]  }
0xf4: {  	v20 =	vld [tilespmem:s4+$0x120]  }
0xf5: {  	v16 =	vld [tilespmem:s4+$0x130]  }
0xf6: {  	v14 =	vld [tilespmem:s4+$0x140]  }
0xf7: {  	v12 =	vld [tilespmem:s4+$0x150];
	v17 =	vadd.f32 v10, v11  }
0xf8: {  	v11 =	vld [tilespmem:s4+$0x160];
	v15 =	vadd.f32 v13, v15  }
0xf9: {  	s22 =	simm.s32 $0x240;
	v13 =	vadd.f32 v19, v20;
	v10 =	vld [tilespmem:s4+$0x170];
	v18 =	vmul.f32 $9.999999770e-03, v17  }
.LBB2_15:
0xfa: {  	s25 =	sshra.s32 s22, $0x2;
	p0 =	sne.s32 s22, $0x45C0;
	v19 =	vmul.f32 $9.999999770e-03, v15;
	v16 =	vadd.f32 v9, v16;
	v20 =	vld [tilespmem:s4+$0x180]  }
0xfb: {  	v21 =	vld [tilespmem:s25+$0x2500];
	v9 =	vmax.f32 v17, v18;
	v17 =	vmul.f32 $9.999999770e-03, v13;
	v14 =	vadd.f32 v8, v14  }
0xfc: {  	v18 =	vld [tilespmem:s25+$0x2510];
	[tilespmem:s4+$0x100] =	vst v9;
	v8 =	vmax.f32 v15, v19;
	v15 =	vmul.f32 $9.999999770e-03, v16;
	v12 =	vadd.f32 v7, v12  }
0xfd: {  	v19 =	vld [tilespmem:s25+$0x2520];
	[tilespmem:s4+$0x110] =	vst v8;
	v7 =	vmax.f32 v13, v17;
	v13 =	vmul.f32 $9.999999770e-03, v14;
	v11 =	vadd.f32 v6, v11  }
0xfe: {  	v9 =	vld [tilespmem:s25+$0x2530];
	[tilespmem:s4+$0x120] =	vst v7;
	v6 =	vmax.f32 v16, v15;
	v15 =	vmul.f32 $9.999999770e-03, v12;
	v10 =	vadd.f32 v5, v10  }
0xff: {  	v8 =	vld [tilespmem:s25+$0x2540];
	[tilespmem:s4+$0x130] =	vst v6;
	v5 =	vmax.f32 v14, v13;
	v13 =	vmul.f32 $9.999999770e-03, v11;
	v14 =	vadd.f32 v4, v20  }
0x100: {  	v7 =	vld [tilespmem:s25+$0x2550];
	[tilespmem:s4+$0x140] =	vst v5;
	v4 =	vmax.f32 v12, v15;
	v12 =	vmul.f32 $9.999999770e-03, v10  }
0x101: {  	v6 =	vld [tilespmem:s25+$0x2560];
	[tilespmem:s4+$0x150] =	vst v4;
	v4 =	vmax.f32 v11, v13;
	v11 =	vmul.f32 $9.999999770e-03, v14  }
0x102: {  	v5 =	vld [tilespmem:s25+$0x2570];
	[tilespmem:s4+$0x160] =	vst v4;
	v10 =	vmax.f32 v10, v12  }
0x103: {  	v4 =	vld [tilespmem:s25+$0x2580];
	[tilespmem:s4+$0x170] =	vst v10;
	v10 =	vmax.f32 v14, v11  }
0x104: {  	v11 =	vld [tilespmem:s25+$0x100];
	[tilespmem:s4+$0x180] =	vst v10;
	s4 =	smov.u32 s25  }
0x105: {  	v10 =	vld [tilespmem:s4+$0x110]  }
0x106: {  	v13 =	vld [tilespmem:s4+$0x120]  }
.Ltmp6:
0x107: {  	v16 =	vld [tilespmem:s4+$0x130];
	(pc) =	sbr.rel @p0 .LBB2_15-.Ltmp6, $4  }
0x108: {  	v14 =	vld [tilespmem:s4+$0x140]  }
0x109: {  	v17 =	vadd.f32 v21, v11;
	v12 =	vld [tilespmem:s4+$0x150]  }
0x10a: {  	v15 =	vadd.f32 v18, v10;
	v11 =	vld [tilespmem:s4+$0x160]  }
0x10b: {  	s22 =	sadd.s32 $0x240, s22;
	v18 =	vmul.f32 $9.999999770e-03, v17;
	v13 =	vadd.f32 v19, v13;
	v10 =	vld [tilespmem:s4+$0x170]  }
0x10c: {  	v19 =	vmul.f32 $9.999999770e-03, v15;
	v9 =	vadd.f32 v9, v16;
	v54 =	vld [tilespmem:s4+$0x180]  }
0x10d: {  	v17 =	vmax.f32 v17, v18;
	v55 =	vmul.f32 $9.999999770e-03, v13;
	v8 =	vadd.f32 v8, v14  }
0x10e: {  	[tilespmem:s4+$0x100] =	vst v17;
	v56 =	vmax.f32 v15, v19;
	v57 =	vmul.f32 $9.999999770e-03, v9;
	v7 =	vadd.f32 v7, v12  }
0x10f: {  	[tilespmem:s4+$0x110] =	vst v56;
	v58 =	vmax.f32 v13, v55;
	v59 =	vmul.f32 $9.999999770e-03, v8;
	v6 =	vadd.f32 v6, v11  }
0x110: {  	[tilespmem:s4+$0x120] =	vst v58;
	v9 =	vmax.f32 v9, v57;
	v60 =	vmul.f32 $9.999999770e-03, v7;
	v5 =	vadd.f32 v5, v10  }
0x111: {  	[tilespmem:s4+$0x130] =	vst v9;
	v8 =	vmax.f32 v8, v59;
	v61 =	vmul.f32 $9.999999770e-03, v6;
	v4 =	vadd.f32 v4, v54  }
0x112: {  	[tilespmem:s4+$0x140] =	vst v8;
	v7 =	vmax.f32 v7, v60;
	v62 =	vmul.f32 $9.999999770e-03, v5  }
0x113: {  	[tilespmem:s4+$0x150] =	vst v7;
	v6 =	vmax.f32 v6, v61;
	v63 =	vmul.f32 $9.999999770e-03, v4  }
0x114: {  	[tilespmem:s4+$0x160] =	vst v6;
	v5 =	vmax.f32 v5, v62  }
0x115: {  	[tilespmem:s4+$0x170] =	vst v5;
	v4 =	vmax.f32 v4, v63  }
0x116: {  	[tilespmem:s4+$0x180] =	vst v4  }
0x117: {  	[spmem:s3] =	stream.indirect.scatter.add.f32 [tilespmem:s24], [sflag:$0x7], $0x90, s31, s28, $0xb8;
	[tilespmem:$0x1CFA0] =	vst v63  }
0x118: {  	v4 =	vld [tilespmem:$0x80];
	_ =	sdelay $0x7  }
0x119: {  	[tilespmem:v4+s18+$0x0] =	vst.idx.add.s32.msk $0xffff, v3  }
0x11a: {  	v4 =	vld [tilespmem:$0x90];
	_ =	sdelay $0x7  }
0x11b: {  	[tilespmem:v4+s18+$0x0] =	vst.idx.add.s32.msk $0xffff, v3  }
0x11c: {  	_ =	swait.ge [sflag:s10], $0x1200  }
0x11d: {  	[sflag:s10] =	ssyncset.done $0x0  }
0x11e: {  	s25 =	simm.s32 $0xB;
	[sflag:s10] =	ssyncadd.s32 $0xFFFFEE00  }
0x11f: {  	_ =	swait.ge [sflag:s25], $0x20  }
0x120: {  	[sflag:s25] =	ssyncset.done $0x0  }
0x121: {  	s22 =	simm.s32 $0xF;
	[sflag:s25] =	ssyncadd.s32 $0xFFFFFFE0  }
0x122: {  	_ =	swait.ge [sflag:s22], $0x20  }
0x123: {  	[sflag:s22] =	ssyncset.done $0x0  }
0x124: {  	[sflag:s22] =	ssyncadd.s32 $0xFFFFFFE0  }
0x125: {  	v4 =	vld [tilespmem:$0x40]  }
0x126: {  	v5 =	vld [tilespmem:$0x50];
	_ =	sdelay $0x3  }
0x127: {  	s25 =	sshll.u32 s29, $0x5;
	v4 =	vadd.s32 v0, v4  }
0x128: {  	s4 =	sadd.s32 s14, s25;
	[tilespmem:$0x40] =	vst v4;
	v4 =	vadd.s32 v0, v5  }
0x129: {  	s25 =	sshll.u32 s4, $0x4;
	s22 =	simm.s32 $0x40;
	[tilespmem:$0x50] =	vst v4  }
0x12a: {  	[tilespmem:s24], [sflag:$0x1] =	stream.indirect.gather [hbm4b:s7+s28], $0x90, s22, s28, $0xb8;
	[tilespmem:$0x1CFA0] =	vst v63  }
0x12b: {  	s22 =	sand.u32 $0x1FFFFE00, s25  }
0x12c: {  	s30 =	simm.s32 $0x2590;
	s22 =	sadd.s32 s8, s22  }
0x12d: {  	s29 =	simm.s32 $0x2500;
	s25 =	simm.s32 $0x10;
	s31 =	sadd.s32 $0x0, s22  }
.LBB2_17:
0x12e: {  	[tilespmem:s29], [sflag:$0x3] =	stream.linear.gather [hbm4b:s31+s5], $0x80, $0x38;
	[tilespmem:$0x1CFA0] =	vst v63  }
0x12f: {  	s31 =	smov.u32 s25;
	s29 =	smov.u32 s30;
	p0 =	sne.s32 s25, $0x1F0  }
.Ltmp7:
0x130: {  	s25 =	sadd.s32 $0x10, s25;
	(pc) =	sbr.rel @p0 .LBB2_17-.Ltmp7, $2  }
0x131: {  	_ =	sdelay $0x2  }
0x132: {  	s30 =	sadd.s32 $0x90, s30;
	s31 =	sadd.s32 s31, s22  }
0x133: {  	[tilespmem:s29], [sflag:$0x3] =	stream.linear.gather [hbm4b:s31+s5], $0x80, $0x38;
	[tilespmem:$0x1CFA0] =	vst v63  }
0x134: {  	s4 =	sshll.u32 s4, $0x1  }
0x135: {  	s4 =	sand.u32 $0x1FFFFFC0, s4  }
0x136: {  	s22 =	simm.s32 $0x2580;
	s4 =	sadd.s32 s9, s4  }
0x137: {  	s25 =	simm.s32 $0x2;
	s29 =	simm.s32 $0x2610;
	s30 =	sadd.s32 $0x0, s4  }
.LBB2_19:
0x138: {  	[tilespmem:s22], [sflag:$0x5] =	stream.linear.gather [hbm4b:s30+s5], $0x10, $0x38;
	[tilespmem:$0x1CFA0] =	vst v63  }
0x139: {  	s30 =	smov.u32 s25;
	s22 =	smov.u32 s29;
	p0 =	sne.s32 s25, $0x3E  }
.Ltmp8:
0x13a: {  	s25 =	sadd.s32 $0x2, s25;
	(pc) =	sbr.rel @p0 .LBB2_19-.Ltmp8, $2  }
0x13b: {  	_ =	sdelay $0x2  }
0x13c: {  	s29 =	sadd.s32 $0x90, s29;
	s30 =	sadd.s32 s30, s4  }
0x13d: {  	[tilespmem:s22], [sflag:$0x5] =	stream.linear.gather [hbm4b:s30+s5], $0x10, $0x38;
	[tilespmem:$0x1CFA0] =	vst v63  }
0x13e: {  	s0 =	sadd.s32 $0x3, s0  }
0x13f: {  	s4 =	sshll.u32 s0, $0x2  }
0x140: {  	s25 =	simm.s32 $0x0;
	s29 =	simm.s32 $0x60;
	s30 =	sadd.s32 s6, s4  }
0x141: {  	[tilespmem:s29], [sflag:$0xC] =	stream.linear.gather [hbm4b:s30+s25], $0x20, $0x38;
	[tilespmem:$0x1CFA0] =	vst v63  }
0x142: {  	s4 =	sadd.s32 s2, s4;
	s30 =	simm.s32 $0xE0  }
0x143: {  	[tilespmem:s30], [sflag:$0x10] =	stream.linear.gather [hbm4b:s4+s25], $0x20, $0x38;
	[tilespmem:$0x1CFA0] =	vst v63  }
0x144: {  	_ =	swait.ge [sflag:s23], $0x1200  }
0x145: {  	[sflag:s23] =	ssyncset.done $0x0  }
0x146: {  	[sflag:s23] =	ssyncadd.s32 $0xFFFFEE00  }
0x147: {  	_ =	swait.ge [sflag:s12], $0x1000  }
0x148: {  	[sflag:s12] =	ssyncset.done $0x0  }
0x149: {  	[sflag:s12] =	ssyncadd.s32 $0xFFFFF000  }
0x14a: {  	_ =	swait.ge [sflag:s13], $0x200  }
0x14b: {  	[sflag:s13] =	ssyncset.done $0x0  }
0x14c: {  	s4 =	simm.s32 $0x0;
	[sflag:s13] =	ssyncadd.s32 $0xFFFFFE00  }
0x14d: {  	v10 =	vld [tilespmem:s4+$0x3700]  }
0x14e: {  	v13 =	vld [tilespmem:s4+$0x3710]  }
0x14f: {  	v19 =	vld [tilespmem:s4+$0x3720]  }
0x150: {  	v9 =	vld [tilespmem:s4+$0x3730]  }
0x151: {  	v8 =	vld [tilespmem:s4+$0x3740]  }
0x152: {  	v7 =	vld [tilespmem:s4+$0x3750]  }
0x153: {  	v6 =	vld [tilespmem:s4+$0x3760]  }
0x154: {  	v5 =	vld [tilespmem:s4+$0x3770]  }
0x155: {  	v4 =	vld [tilespmem:s4+$0x3780]  }
0x156: {  	v11 =	vld [tilespmem:s4+$0x1300]  }
0x157: {  	v15 =	vld [tilespmem:s4+$0x1310]  }
0x158: {  	v20 =	vld [tilespmem:s4+$0x1320]  }
0x159: {  	v16 =	vld [tilespmem:s4+$0x1330]  }
0x15a: {  	v14 =	vld [tilespmem:s4+$0x1340]  }
0x15b: {  	v12 =	vld [tilespmem:s4+$0x1350];
	v17 =	vadd.f32 v10, v11  }
0x15c: {  	v11 =	vld [tilespmem:s4+$0x1360];
	v15 =	vadd.f32 v13, v15  }
0x15d: {  	s22 =	simm.s32 $0x240;
	s31 =	simm.s32 $0x80;
	v13 =	vadd.f32 v19, v20;
	v10 =	vld [tilespmem:s4+$0x1370];
	v18 =	vmul.f32 $9.999999770e-03, v17  }
.LBB2_21:
0x15e: {  	s25 =	sshra.s32 s22, $0x2;
	p0 =	sne.s32 s22, $0x45C0;
	v19 =	vmul.f32 $9.999999770e-03, v15;
	v16 =	vadd.f32 v9, v16;
	v20 =	vld [tilespmem:s4+$0x1380]  }
0x15f: {  	v21 =	vld [tilespmem:s25+$0x3700];
	v9 =	vmax.f32 v17, v18;
	v17 =	vmul.f32 $9.999999770e-03, v13;
	v14 =	vadd.f32 v8, v14  }
0x160: {  	v18 =	vld [tilespmem:s25+$0x3710];
	[tilespmem:s4+$0x1300] =	vst v9;
	v8 =	vmax.f32 v15, v19;
	v15 =	vmul.f32 $9.999999770e-03, v16;
	v12 =	vadd.f32 v7, v12  }
0x161: {  	v19 =	vld [tilespmem:s25+$0x3720];
	[tilespmem:s4+$0x1310] =	vst v8;
	v7 =	vmax.f32 v13, v17;
	v13 =	vmul.f32 $9.999999770e-03, v14;
	v11 =	vadd.f32 v6, v11  }
0x162: {  	v9 =	vld [tilespmem:s25+$0x3730];
	[tilespmem:s4+$0x1320] =	vst v7;
	v6 =	vmax.f32 v16, v15;
	v15 =	vmul.f32 $9.999999770e-03, v12;
	v10 =	vadd.f32 v5, v10  }
0x163: {  	v8 =	vld [tilespmem:s25+$0x3740];
	[tilespmem:s4+$0x1330] =	vst v6;
	v5 =	vmax.f32 v14, v13;
	v13 =	vmul.f32 $9.999999770e-03, v11;
	v14 =	vadd.f32 v4, v20  }
0x164: {  	v7 =	vld [tilespmem:s25+$0x3750];
	[tilespmem:s4+$0x1340] =	vst v5;
	v4 =	vmax.f32 v12, v15;
	v12 =	vmul.f32 $9.999999770e-03, v10  }
0x165: {  	v6 =	vld [tilespmem:s25+$0x3760];
	[tilespmem:s4+$0x1350] =	vst v4;
	v4 =	vmax.f32 v11, v13;
	v11 =	vmul.f32 $9.999999770e-03, v14  }
0x166: {  	v5 =	vld [tilespmem:s25+$0x3770];
	[tilespmem:s4+$0x1360] =	vst v4;
	v10 =	vmax.f32 v10, v12  }
0x167: {  	v4 =	vld [tilespmem:s25+$0x3780];
	[tilespmem:s4+$0x1370] =	vst v10;
	v10 =	vmax.f32 v14, v11  }
0x168: {  	v11 =	vld [tilespmem:s25+$0x1300];
	[tilespmem:s4+$0x1380] =	vst v10;
	s4 =	smov.u32 s25  }
0x169: {  	v10 =	vld [tilespmem:s4+$0x1310]  }
0x16a: {  	v13 =	vld [tilespmem:s4+$0x1320]  }
.Ltmp9:
0x16b: {  	v16 =	vld [tilespmem:s4+$0x1330];
	(pc) =	sbr.rel @p0 .LBB2_21-.Ltmp9, $4  }
0x16c: {  	v14 =	vld [tilespmem:s4+$0x1340]  }
0x16d: {  	v17 =	vadd.f32 v21, v11;
	v12 =	vld [tilespmem:s4+$0x1350]  }
0x16e: {  	v15 =	vadd.f32 v18, v10;
	v11 =	vld [tilespmem:s4+$0x1360]  }
0x16f: {  	s22 =	sadd.s32 $0x240, s22;
	v18 =	vmul.f32 $9.999999770e-03, v17;
	v13 =	vadd.f32 v19, v13;
	v10 =	vld [tilespmem:s4+$0x1370]  }
0x170: {  	v19 =	vmul.f32 $9.999999770e-03, v15;
	v9 =	vadd.f32 v9, v16;
	v54 =	vld [tilespmem:s4+$0x1380]  }
0x171: {  	v17 =	vmax.f32 v17, v18;
	v55 =	vmul.f32 $9.999999770e-03, v13;
	v8 =	vadd.f32 v8, v14  }
0x172: {  	[tilespmem:s4+$0x1300] =	vst v17;
	v56 =	vmax.f32 v15, v19;
	v57 =	vmul.f32 $9.999999770e-03, v9;
	v7 =	vadd.f32 v7, v12  }
0x173: {  	[tilespmem:s4+$0x1310] =	vst v56;
	v58 =	vmax.f32 v13, v55;
	v59 =	vmul.f32 $9.999999770e-03, v8;
	v6 =	vadd.f32 v6, v11  }
0x174: {  	[tilespmem:s4+$0x1320] =	vst v58;
	v9 =	vmax.f32 v9, v57;
	v60 =	vmul.f32 $9.999999770e-03, v7;
	v5 =	vadd.f32 v5, v10  }
0x175: {  	[tilespmem:s4+$0x1330] =	vst v9;
	v8 =	vmax.f32 v8, v59;
	v61 =	vmul.f32 $9.999999770e-03, v6;
	v4 =	vadd.f32 v4, v54  }
0x176: {  	[tilespmem:s4+$0x1340] =	vst v8;
	v7 =	vmax.f32 v7, v60;
	v62 =	vmul.f32 $9.999999770e-03, v5  }
0x177: {  	[tilespmem:s4+$0x1350] =	vst v7;
	v6 =	vmax.f32 v6, v61;
	v63 =	vmul.f32 $9.999999770e-03, v4  }
0x178: {  	[tilespmem:s4+$0x1360] =	vst v6;
	v5 =	vmax.f32 v5, v62  }
0x179: {  	[tilespmem:s4+$0x1370] =	vst v5;
	v4 =	vmax.f32 v4, v63  }
0x17a: {  	s25 =	simm.s32 $0xA0;
	[tilespmem:s4+$0x1380] =	vst v4  }
0x17b: {  	[spmem:s3] =	stream.indirect.scatter.add.f32 [tilespmem:s11], [sflag:$0x8], $0x90, s25, s28, $0xb8;
	[tilespmem:$0x1CFA0] =	vst v63  }
0x17c: {  	v4 =	vld [tilespmem:$0xA0];
	_ =	sdelay $0x7  }
0x17d: {  	[tilespmem:v4+s18+$0x0] =	vst.idx.add.s32.msk $0xffff, v3  }
0x17e: {  	v4 =	vld [tilespmem:$0xB0];
	_ =	sdelay $0x7  }
0x17f: {  	[tilespmem:v4+s18+$0x0] =	vst.idx.add.s32.msk $0xffff, v3  }
0x180: {  	_ =	swait.ge [sflag:s19], $0x1200  }
0x181: {  	[sflag:s19] =	ssyncset.done $0x0  }
0x182: {  	s22 =	simm.s32 $0xC;
	[sflag:s19] =	ssyncadd.s32 $0xFFFFEE00  }
0x183: {  	_ =	swait.ge [sflag:s22], $0x20  }
0x184: {  	[sflag:s22] =	ssyncset.done $0x0  }
0x185: {  	s25 =	simm.s32 $0x10;
	[sflag:s22] =	ssyncadd.s32 $0xFFFFFFE0  }
0x186: {  	_ =	swait.ge [sflag:s25], $0x20  }
0x187: {  	[sflag:s25] =	ssyncset.done $0x0  }
0x188: {  	[sflag:s25] =	ssyncadd.s32 $0xFFFFFFE0  }
0x189: {  	v4 =	vld [tilespmem:$0x60]  }
0x18a: {  	v5 =	vld [tilespmem:$0x70];
	_ =	sdelay $0x1  }
0x18b: {  	s0 =	sshll.u32 s0, $0x5  }
0x18c: {  	s0 =	sadd.s32 s14, s0  }
0x18d: {  	s25 =	sshll.u32 s0, $0x4;
	v4 =	vadd.s32 v0, v4  }
0x18e: {  	s4 =	sand.u32 $0x1FFFFE00, s25;
	[tilespmem:$0x60] =	vst v4;
	v4 =	vadd.s32 v0, v5  }
0x18f: {  	s29 =	simm.s32 $0x3790;
	s22 =	simm.s32 $0x60;
	s4 =	sadd.s32 s8, s4;
	[tilespmem:$0x70] =	vst v4  }
0x190: {  	[tilespmem:s11], [sflag:$0x2] =	stream.indirect.gather [hbm4b:s7+s28], $0x90, s22, s28, $0xb8;
	[tilespmem:$0x1CFA0] =	vst v63  }
0x191: {  	s25 =	simm.s32 $0x10;
	s30 =	sadd.s32 $0x0, s4;
	s22 =	simm.s32 $0x3700  }
.LBB2_23:
0x192: {  	[tilespmem:s22], [sflag:$0x4] =	stream.linear.gather [hbm4b:s30+s5], $0x80, $0x38;
	[tilespmem:$0x1CFA0] =	vst v63  }
0x193: {  	s30 =	smov.u32 s25;
	s22 =	smov.u32 s29;
	p0 =	sne.s32 s25, $0x1F0  }
.Ltmp10:
0x194: {  	s25 =	sadd.s32 $0x10, s25;
	(pc) =	sbr.rel @p0 .LBB2_23-.Ltmp10, $2  }
0x195: {  	_ =	sdelay $0x2  }
0x196: {  	s29 =	sadd.s32 $0x90, s29;
	s30 =	sadd.s32 s30, s4  }
0x197: {  	[tilespmem:s22], [sflag:$0x4] =	stream.linear.gather [hbm4b:s30+s5], $0x80, $0x38;
	[tilespmem:$0x1CFA0] =	vst v63  }
0x198: {  	s0 =	sshll.u32 s0, $0x1  }
0x199: {  	s0 =	sand.u32 $0x1FFFFFC0, s0  }
0x19a: {  	s4 =	simm.s32 $0x3780;
	s0 =	sadd.s32 s9, s0  }
0x19b: {  	s22 =	simm.s32 $0x2;
	s25 =	simm.s32 $0x3810;
	s29 =	sadd.s32 $0x0, s0  }
.LBB2_25:
0x19c: {  	[tilespmem:s4], [sflag:$0x6] =	stream.linear.gather [hbm4b:s29+s5], $0x10, $0x38;
	[tilespmem:$0x1CFA0] =	vst v63  }
0x19d: {  	s29 =	smov.u32 s22;
	s4 =	smov.u32 s25;
	p0 =	sne.s32 s22, $0x3E  }
.Ltmp11:
0x19e: {  	s22 =	sadd.s32 $0x2, s22;
	(pc) =	sbr.rel @p0 .LBB2_25-.Ltmp11, $2  }
0x19f: {  	_ =	sdelay $0x2  }
0x1a0: {  	s25 =	sadd.s32 $0x90, s25;
	s29 =	sadd.s32 s29, s0  }
0x1a1: {  	s0 =	sld [smem:$0x7FC];
	_ =	sdelay $0x1  }
0x1a2: {  	[tilespmem:s4], [sflag:$0x6] =	stream.linear.gather [hbm4b:s29+s5], $0x10, $0x38;
	[tilespmem:$0x1CFA0] =	vst v63  }
0x1a3: {  	s0 =	sadd.s32 s1, s0  }
0x1a4: {  	s30 =	sshll.u32 s0, $0x2  }
0x1a5: {  	s25 =	simm.s32 $0x0;
	s22 =	sadd.s32 s6, s30  }
0x1a6: {  	[tilespmem:s25], [sflag:$0x9] =	stream.linear.gather [hbm4b:s22+s25], $0x20, $0x38;
	[tilespmem:$0x1CFA0] =	vst v63  }
0x1a7: {  	s4 =	sadd.s32 s2, s30  }
0x1a8: {  	[tilespmem:s31], [sflag:$0xD] =	stream.linear.gather [hbm4b:s4+s25], $0x20, $0x38;
	[tilespmem:$0x1CFA0] =	vst v63  }
0x1a9: {  	_ =	swait.ge [sflag:s15], $0x1200  }
0x1aa: {  	[sflag:s15] =	ssyncset.done $0x0  }
0x1ab: {  	[sflag:s15] =	ssyncadd.s32 $0xFFFFEE00  }
0x1ac: {  	_ =	swait.ge [sflag:s16], $0x1000  }
0x1ad: {  	[sflag:s16] =	ssyncset.done $0x0  }
0x1ae: {  	[sflag:s16] =	ssyncadd.s32 $0xFFFFF000  }
0x1af: {  	_ =	swait.ge [sflag:s17], $0x200  }
0x1b0: {  	[sflag:s17] =	ssyncset.done $0x0  }
0x1b1: {  	s4 =	simm.s32 $0x0;
	[sflag:s17] =	ssyncadd.s32 $0xFFFFFE00  }
0x1b2: {  	v10 =	vld [tilespmem:s4+$0x2500]  }
0x1b3: {  	v13 =	vld [tilespmem:s4+$0x2510]  }
0x1b4: {  	v19 =	vld [tilespmem:s4+$0x2520]  }
0x1b5: {  	v9 =	vld [tilespmem:s4+$0x2530]  }
0x1b6: {  	v8 =	vld [tilespmem:s4+$0x2540]  }
0x1b7: {  	v7 =	vld [tilespmem:s4+$0x2550]  }
0x1b8: {  	v6 =	vld [tilespmem:s4+$0x2560]  }
0x1b9: {  	v5 =	vld [tilespmem:s4+$0x2570]  }
0x1ba: {  	v4 =	vld [tilespmem:s4+$0x2580]  }
0x1bb: {  	v11 =	vld [tilespmem:s4+$0x100]  }
0x1bc: {  	v15 =	vld [tilespmem:s4+$0x110]  }
0x1bd: {  	v20 =	vld [tilespmem:s4+$0x120]  }
0x1be: {  	v16 =	vld [tilespmem:s4+$0x130]  }
0x1bf: {  	v14 =	vld [tilespmem:s4+$0x140]  }
0x1c0: {  	v12 =	vld [tilespmem:s4+$0x150];
	v17 =	vadd.f32 v10, v11  }
0x1c1: {  	v11 =	vld [tilespmem:s4+$0x160];
	v15 =	vadd.f32 v13, v15  }
0x1c2: {  	s22 =	simm.s32 $0x240;
	v13 =	vadd.f32 v19, v20;
	v10 =	vld [tilespmem:s4+$0x170];
	v18 =	vmul.f32 $9.999999770e-03, v17  }
.LBB2_27:
0x1c3: {  	s25 =	sshra.s32 s22, $0x2;
	p0 =	sne.s32 s22, $0x45C0;
	v19 =	vmul.f32 $9.999999770e-03, v15;
	v16 =	vadd.f32 v9, v16;
	v20 =	vld [tilespmem:s4+$0x180]  }
0x1c4: {  	v21 =	vld [tilespmem:s25+$0x2500];
	v9 =	vmax.f32 v17, v18;
	v17 =	vmul.f32 $9.999999770e-03, v13;
	v14 =	vadd.f32 v8, v14  }
0x1c5: {  	v18 =	vld [tilespmem:s25+$0x2510];
	[tilespmem:s4+$0x100] =	vst v9;
	v8 =	vmax.f32 v15, v19;
	v15 =	vmul.f32 $9.999999770e-03, v16;
	v12 =	vadd.f32 v7, v12  }
0x1c6: {  	v19 =	vld [tilespmem:s25+$0x2520];
	[tilespmem:s4+$0x110] =	vst v8;
	v7 =	vmax.f32 v13, v17;
	v13 =	vmul.f32 $9.999999770e-03, v14;
	v11 =	vadd.f32 v6, v11  }
0x1c7: {  	v9 =	vld [tilespmem:s25+$0x2530];
	[tilespmem:s4+$0x120] =	vst v7;
	v6 =	vmax.f32 v16, v15;
	v15 =	vmul.f32 $9.999999770e-03, v12;
	v10 =	vadd.f32 v5, v10  }
0x1c8: {  	v8 =	vld [tilespmem:s25+$0x2540];
	[tilespmem:s4+$0x130] =	vst v6;
	v5 =	vmax.f32 v14, v13;
	v13 =	vmul.f32 $9.999999770e-03, v11;
	v14 =	vadd.f32 v4, v20  }
0x1c9: {  	v7 =	vld [tilespmem:s25+$0x2550];
	[tilespmem:s4+$0x140] =	vst v5;
	v4 =	vmax.f32 v12, v15;
	v12 =	vmul.f32 $9.999999770e-03, v10  }
0x1ca: {  	v6 =	vld [tilespmem:s25+$0x2560];
	[tilespmem:s4+$0x150] =	vst v4;
	v4 =	vmax.f32 v11, v13;
	v11 =	vmul.f32 $9.999999770e-03, v14  }
0x1cb: {  	v5 =	vld [tilespmem:s25+$0x2570];
	[tilespmem:s4+$0x160] =	vst v4;
	v10 =	vmax.f32 v10, v12  }
0x1cc: {  	v4 =	vld [tilespmem:s25+$0x2580];
	[tilespmem:s4+$0x170] =	vst v10;
	v10 =	vmax.f32 v14, v11  }
0x1cd: {  	v11 =	vld [tilespmem:s25+$0x100];
	[tilespmem:s4+$0x180] =	vst v10;
	s4 =	smov.u32 s25  }
0x1ce: {  	v10 =	vld [tilespmem:s4+$0x110]  }
0x1cf: {  	v13 =	vld [tilespmem:s4+$0x120]  }
.Ltmp12:
0x1d0: {  	v16 =	vld [tilespmem:s4+$0x130];
	(pc) =	sbr.rel @p0 .LBB2_27-.Ltmp12, $4  }
0x1d1: {  	v14 =	vld [tilespmem:s4+$0x140]  }
0x1d2: {  	v17 =	vadd.f32 v21, v11;
	v12 =	vld [tilespmem:s4+$0x150]  }
0x1d3: {  	v15 =	vadd.f32 v18, v10;
	v11 =	vld [tilespmem:s4+$0x160]  }
0x1d4: {  	s22 =	sadd.s32 $0x240, s22;
	v18 =	vmul.f32 $9.999999770e-03, v17;
	v13 =	vadd.f32 v19, v13;
	v10 =	vld [tilespmem:s4+$0x170]  }
0x1d5: {  	v19 =	vmul.f32 $9.999999770e-03, v15;
	v9 =	vadd.f32 v9, v16;
	v54 =	vld [tilespmem:s4+$0x180]  }
0x1d6: {  	v17 =	vmax.f32 v17, v18;
	v55 =	vmul.f32 $9.999999770e-03, v13;
	v8 =	vadd.f32 v8, v14  }
0x1d7: {  	[tilespmem:s4+$0x100] =	vst v17;
	v56 =	vmax.f32 v15, v19;
	v57 =	vmul.f32 $9.999999770e-03, v9;
	v7 =	vadd.f32 v7, v12  }
0x1d8: {  	[tilespmem:s4+$0x110] =	vst v56;
	v58 =	vmax.f32 v13, v55;
	v59 =	vmul.f32 $9.999999770e-03, v8;
	v6 =	vadd.f32 v6, v11  }
0x1d9: {  	[tilespmem:s4+$0x120] =	vst v58;
	v9 =	vmax.f32 v9, v57;
	v60 =	vmul.f32 $9.999999770e-03, v7;
	v5 =	vadd.f32 v5, v10  }
0x1da: {  	[tilespmem:s4+$0x130] =	vst v9;
	v8 =	vmax.f32 v8, v59;
	v61 =	vmul.f32 $9.999999770e-03, v6;
	v4 =	vadd.f32 v4, v54  }
0x1db: {  	[tilespmem:s4+$0x140] =	vst v8;
	v7 =	vmax.f32 v7, v60;
	v62 =	vmul.f32 $9.999999770e-03, v5  }
0x1dc: {  	[tilespmem:s4+$0x150] =	vst v7;
	v6 =	vmax.f32 v6, v61;
	v63 =	vmul.f32 $9.999999770e-03, v4  }
0x1dd: {  	[tilespmem:s4+$0x160] =	vst v6;
	v5 =	vmax.f32 v5, v62  }
0x1de: {  	[tilespmem:s4+$0x170] =	vst v5;
	v4 =	vmax.f32 v4, v63  }
0x1df: {  	s25 =	simm.s32 $0xC0;
	[tilespmem:s4+$0x180] =	vst v4  }
0x1e0: {  	[spmem:s3] =	stream.indirect.scatter.add.f32 [tilespmem:s24], [sflag:$0x7], $0x90, s25, s28, $0xb8;
	[tilespmem:$0x1CFA0] =	vst v63  }
0x1e1: {  	v4 =	vld [tilespmem:$0xC0];
	_ =	sdelay $0x7  }
0x1e2: {  	[tilespmem:v4+s18+$0x0] =	vst.idx.add.s32.msk $0xffff, v3  }
0x1e3: {  	v4 =	vld [tilespmem:$0xD0];
	_ =	sdelay $0x7  }
0x1e4: {  	[tilespmem:v4+s18+$0x0] =	vst.idx.add.s32.msk $0xffff, v3  }
0x1e5: {  	_ =	swait.ge [sflag:s10], $0x1200  }
0x1e6: {  	[sflag:s10] =	ssyncset.done $0x0  }
0x1e7: {  	s22 =	simm.s32 $0x9;
	[sflag:s10] =	ssyncadd.s32 $0xFFFFEE00  }
0x1e8: {  	_ =	swait.ge [sflag:s22], $0x20  }
0x1e9: {  	[sflag:s22] =	ssyncset.done $0x0  }
0x1ea: {  	s25 =	simm.s32 $0xD;
	[sflag:s22] =	ssyncadd.s32 $0xFFFFFFE0  }
0x1eb: {  	_ =	swait.ge [sflag:s25], $0x20  }
0x1ec: {  	[sflag:s25] =	ssyncset.done $0x0  }
0x1ed: {  	[sflag:s25] =	ssyncadd.s32 $0xFFFFFFE0  }
0x1ee: {  	v4 =	vld [tilespmem:$0x0]  }
0x1ef: {  	v5 =	vld [tilespmem:$0x10];
	_ =	sdelay $0x1  }
0x1f0: {  	s0 =	sshll.u32 s0, $0x5  }
0x1f1: {  	s0 =	sadd.s32 s14, s0  }
0x1f2: {  	s25 =	sshll.u32 s0, $0x4;
	v4 =	vadd.s32 v0, v4  }
0x1f3: {  	s4 =	sand.u32 $0x1FFFFE00, s25;
	[tilespmem:$0x0] =	vst v4;
	v4 =	vadd.s32 v0, v5  }
0x1f4: {  	s29 =	simm.s32 $0x2590;
	s22 =	simm.s32 $0x0;
	s4 =	sadd.s32 s8, s4;
	[tilespmem:$0x10] =	vst v4  }
0x1f5: {  	[tilespmem:s24], [sflag:$0x1] =	stream.indirect.gather [hbm4b:s7+s28], $0x90, s22, s28, $0xb8;
	[tilespmem:$0x1CFA0] =	vst v63  }
0x1f6: {  	s25 =	simm.s32 $0x10;
	s30 =	sadd.s32 $0x0, s4;
	s22 =	simm.s32 $0x2500  }
.LBB2_29:
0x1f7: {  	[tilespmem:s22], [sflag:$0x3] =	stream.linear.gather [hbm4b:s30+s5], $0x80, $0x38;
	[tilespmem:$0x1CFA0] =	vst v63  }
0x1f8: {  	s30 =	smov.u32 s25;
	s22 =	smov.u32 s29;
	p0 =	sne.s32 s25, $0x1F0  }
.Ltmp13:
0x1f9: {  	s25 =	sadd.s32 $0x10, s25;
	(pc) =	sbr.rel @p0 .LBB2_29-.Ltmp13, $2  }
0x1fa: {  	_ =	sdelay $0x2  }
0x1fb: {  	s29 =	sadd.s32 $0x90, s29;
	s30 =	sadd.s32 s30, s4  }
0x1fc: {  	[tilespmem:s22], [sflag:$0x3] =	stream.linear.gather [hbm4b:s30+s5], $0x80, $0x38;
	[tilespmem:$0x1CFA0] =	vst v63  }
0x1fd: {  	s0 =	sshll.u32 s0, $0x1  }
0x1fe: {  	s0 =	sand.u32 $0x1FFFFFC0, s0  }
0x1ff: {  	s4 =	simm.s32 $0x2580;
	s0 =	sadd.s32 s9, s0  }
0x200: {  	s22 =	simm.s32 $0x2;
	s25 =	simm.s32 $0x2610;
	s29 =	sadd.s32 $0x0, s0  }
.LBB2_31:
0x201: {  	[tilespmem:s4], [sflag:$0x5] =	stream.linear.gather [hbm4b:s29+s5], $0x10, $0x38;
	[tilespmem:$0x1CFA0] =	vst v63  }
0x202: {  	s29 =	smov.u32 s22;
	s4 =	smov.u32 s25;
	p0 =	sne.s32 s22, $0x3E  }
.Ltmp14:
0x203: {  	s22 =	sadd.s32 $0x2, s22;
	(pc) =	sbr.rel @p0 .LBB2_31-.Ltmp14, $2  }
0x204: {  	_ =	sdelay $0x2  }
0x205: {  	s25 =	sadd.s32 $0x90, s25;
	s29 =	sadd.s32 s29, s0  }
0x206: {  	s0 =	sld [smem:$0x7FD]  }
0x207: {  	[tilespmem:s4], [sflag:$0x5] =	stream.linear.gather [hbm4b:s29+s5], $0x10, $0x38;
	[tilespmem:$0x1CFA0] =	vst v63  }
0x208: {  	p0 =	seq.s32 s26, $0x9B  }
0x209: {  	s0 =	sadd.s32 @!p0 s1, s0  }
0x20a: {  	s0 =	sshll.u32 @!p0 s0, $0x2  }
0x20b: {  	s4 =	simm.s32 @!p0 $0x0;
	s22 =	simm.s32 @!p0 $0x20;
	s1 =	sadd.s32 @!p0 s6, s0  }
0x20c: {  	[tilespmem:s22], [sflag:$0xA] =	stream.linear.gather @!p0 [hbm4b:s1+s4], $0x20, $0x38;
	[tilespmem:$0x1CFA0] =	vst v63  }
0x20d: {  	s0 =	sadd.s32 @!p0 s2, s0;
	s1 =	simm.s32 @!p0 $0xA0  }
0x20e: {  	[tilespmem:s1], [sflag:$0xE] =	stream.linear.gather @!p0 [hbm4b:s0+s4], $0x20, $0x38;
	[tilespmem:$0x1CFA0] =	vst v63  }
0x20f: {  	_ =	swait.ge [sflag:s23], $0x1200  }
0x210: {  	[sflag:s23] =	ssyncset.done $0x0  }
0x211: {  	[sflag:s23] =	ssyncadd.s32 $0xFFFFEE00  }
0x212: {  	_ =	swait.ge [sflag:s12], $0x1000  }
0x213: {  	[sflag:s12] =	ssyncset.done $0x0  }
0x214: {  	[sflag:s12] =	ssyncadd.s32 $0xFFFFF000  }
0x215: {  	_ =	swait.ge [sflag:s13], $0x200  }
0x216: {  	[sflag:s13] =	ssyncset.done $0x0  }
0x217: {  	s0 =	simm.s32 $0x0;
	[sflag:s13] =	ssyncadd.s32 $0xFFFFFE00  }
0x218: {  	v10 =	vld [tilespmem:s0+$0x3700]  }
0x219: {  	v13 =	vld [tilespmem:s0+$0x3710]  }
0x21a: {  	v19 =	vld [tilespmem:s0+$0x3720]  }
0x21b: {  	v9 =	vld [tilespmem:s0+$0x3730]  }
0x21c: {  	v8 =	vld [tilespmem:s0+$0x3740]  }
0x21d: {  	v7 =	vld [tilespmem:s0+$0x3750]  }
0x21e: {  	v6 =	vld [tilespmem:s0+$0x3760]  }
0x21f: {  	v5 =	vld [tilespmem:s0+$0x3770]  }
0x220: {  	v4 =	vld [tilespmem:s0+$0x3780]  }
0x221: {  	v11 =	vld [tilespmem:s0+$0x1300]  }
0x222: {  	v15 =	vld [tilespmem:s0+$0x1310]  }
0x223: {  	v20 =	vld [tilespmem:s0+$0x1320]  }
0x224: {  	v16 =	vld [tilespmem:s0+$0x1330]  }
0x225: {  	v14 =	vld [tilespmem:s0+$0x1340]  }
0x226: {  	v12 =	vld [tilespmem:s0+$0x1350];
	v17 =	vadd.f32 v10, v11  }
0x227: {  	v11 =	vld [tilespmem:s0+$0x1360];
	v15 =	vadd.f32 v13, v15  }
0x228: {  	s1 =	simm.s32 $0x240;
	v13 =	vadd.f32 v19, v20;
	v10 =	vld [tilespmem:s0+$0x1370];
	v18 =	vmul.f32 $9.999999770e-03, v17  }
.LBB2_33:
0x229: {  	s4 =	sshra.s32 s1, $0x2;
	p0 =	sne.s32 s1, $0x45C0;
	v19 =	vmul.f32 $9.999999770e-03, v15;
	v16 =	vadd.f32 v9, v16;
	v20 =	vld [tilespmem:s0+$0x1380]  }
0x22a: {  	v21 =	vld [tilespmem:s4+$0x3700];
	v9 =	vmax.f32 v17, v18;
	v17 =	vmul.f32 $9.999999770e-03, v13;
	v14 =	vadd.f32 v8, v14  }
0x22b: {  	v18 =	vld [tilespmem:s4+$0x3710];
	[tilespmem:s0+$0x1300] =	vst v9;
	v8 =	vmax.f32 v15, v19;
	v15 =	vmul.f32 $9.999999770e-03, v16;
	v12 =	vadd.f32 v7, v12  }
0x22c: {  	v19 =	vld [tilespmem:s4+$0x3720];
	[tilespmem:s0+$0x1310] =	vst v8;
	v7 =	vmax.f32 v13, v17;
	v13 =	vmul.f32 $9.999999770e-03, v14;
	v11 =	vadd.f32 v6, v11  }
0x22d: {  	v9 =	vld [tilespmem:s4+$0x3730];
	[tilespmem:s0+$0x1320] =	vst v7;
	v6 =	vmax.f32 v16, v15;
	v15 =	vmul.f32 $9.999999770e-03, v12;
	v10 =	vadd.f32 v5, v10  }
0x22e: {  	v8 =	vld [tilespmem:s4+$0x3740];
	[tilespmem:s0+$0x1330] =	vst v6;
	v5 =	vmax.f32 v14, v13;
	v13 =	vmul.f32 $9.999999770e-03, v11;
	v14 =	vadd.f32 v4, v20  }
0x22f: {  	v7 =	vld [tilespmem:s4+$0x3750];
	[tilespmem:s0+$0x1340] =	vst v5;
	v4 =	vmax.f32 v12, v15;
	v12 =	vmul.f32 $9.999999770e-03, v10  }
0x230: {  	v6 =	vld [tilespmem:s4+$0x3760];
	[tilespmem:s0+$0x1350] =	vst v4;
	v4 =	vmax.f32 v11, v13;
	v11 =	vmul.f32 $9.999999770e-03, v14  }
0x231: {  	v5 =	vld [tilespmem:s4+$0x3770];
	[tilespmem:s0+$0x1360] =	vst v4;
	v10 =	vmax.f32 v10, v12  }
0x232: {  	v4 =	vld [tilespmem:s4+$0x3780];
	[tilespmem:s0+$0x1370] =	vst v10;
	v10 =	vmax.f32 v14, v11  }
0x233: {  	v11 =	vld [tilespmem:s4+$0x1300];
	[tilespmem:s0+$0x1380] =	vst v10;
	s0 =	smov.u32 s4  }
0x234: {  	v10 =	vld [tilespmem:s0+$0x1310]  }
0x235: {  	v13 =	vld [tilespmem:s0+$0x1320]  }
.Ltmp15:
0x236: {  	v16 =	vld [tilespmem:s0+$0x1330];
	(pc) =	sbr.rel @p0 .LBB2_33-.Ltmp15, $4  }
0x237: {  	v14 =	vld [tilespmem:s0+$0x1340]  }
0x238: {  	v17 =	vadd.f32 v21, v11;
	v12 =	vld [tilespmem:s0+$0x1350]  }
0x239: {  	v15 =	vadd.f32 v18, v10;
	v11 =	vld [tilespmem:s0+$0x1360]  }
0x23a: {  	s1 =	sadd.s32 $0x240, s1;
	v18 =	vmul.f32 $9.999999770e-03, v17;
	v13 =	vadd.f32 v19, v13;
	v10 =	vld [tilespmem:s0+$0x1370]  }
0x23b: {  	v19 =	vmul.f32 $9.999999770e-03, v15;
	v9 =	vadd.f32 v9, v16;
	v54 =	vld [tilespmem:s0+$0x1380]  }
0x23c: {  	v17 =	vmax.f32 v17, v18;
	v55 =	vmul.f32 $9.999999770e-03, v13;
	v8 =	vadd.f32 v8, v14  }
0x23d: {  	[tilespmem:s0+$0x1300] =	vst v17;
	v56 =	vmax.f32 v15, v19;
	v57 =	vmul.f32 $9.999999770e-03, v9;
	v7 =	vadd.f32 v7, v12  }
0x23e: {  	[tilespmem:s0+$0x1310] =	vst v56;
	v58 =	vmax.f32 v13, v55;
	v59 =	vmul.f32 $9.999999770e-03, v8;
	v6 =	vadd.f32 v6, v11  }
0x23f: {  	[tilespmem:s0+$0x1320] =	vst v58;
	v9 =	vmax.f32 v9, v57;
	v60 =	vmul.f32 $9.999999770e-03, v7;
	v5 =	vadd.f32 v5, v10  }
0x240: {  	[tilespmem:s0+$0x1330] =	vst v9;
	v8 =	vmax.f32 v8, v59;
	v61 =	vmul.f32 $9.999999770e-03, v6;
	v4 =	vadd.f32 v4, v54  }
0x241: {  	[tilespmem:s0+$0x1340] =	vst v8;
	v7 =	vmax.f32 v7, v60;
	v62 =	vmul.f32 $9.999999770e-03, v5  }
0x242: {  	[tilespmem:s0+$0x1350] =	vst v7;
	v6 =	vmax.f32 v6, v61;
	v63 =	vmul.f32 $9.999999770e-03, v4  }
0x243: {  	[tilespmem:s0+$0x1360] =	vst v6;
	v5 =	vmax.f32 v5, v62  }
0x244: {  	[tilespmem:s0+$0x1370] =	vst v5;
	v4 =	vmax.f32 v4, v63  }
0x245: {  	s30 =	simm.s32 $0xE0;
	[tilespmem:s0+$0x1380] =	vst v4  }
0x246: {  	[spmem:s3] =	stream.indirect.scatter.add.f32 [tilespmem:s11], [sflag:$0x8], $0x90, s30, s28, $0xb8;
	[tilespmem:$0x1CFA0] =	vst v63  }
0x247: {  	v4 =	vld [tilespmem:$0xE0];
	_ =	sdelay $0x7  }
0x248: {  	[tilespmem:v4+s18+$0x0] =	vst.idx.add.s32.msk $0xffff, v3  }
0x249: {  	v4 =	vld [tilespmem:$0xF0];
	_ =	sdelay $0x1  }
0x24a: {  	s26 =	sadd.s32 $0x1, s26  }
0x24b: {  	p0 =	sne.s32 s26, $0x9C  }
.Ltmp16:
0x24c: {  	_ = 	snop;
	(pc) =	sbr.rel @p0 .LBB2_10-.Ltmp16, $2  }
0x24d: {  	_ =	sdelay $0x2  }
0x24e: {  	[tilespmem:v4+s18+$0x0] =	vst.idx.add.s32.msk $0xffff, v3  }
0x24f: {  	_ =	swait.ge [sflag:s19], $0x1200  }
0x250: {  	[sflag:s19] =	ssyncset.done $0x0  }
0x251: {  	[sflag:s19] =	ssyncadd.s32 $0xFFFFEE00  }
0x252: {  	_ =	swait.ge [sflag:s15], $0x1200  }
0x253: {  	[sflag:s15] =	ssyncset.done $0x0  }
0x254: {  	[sflag:s15] =	ssyncadd.s32 $0xFFFFEE00  }
0x255: {  	_ =	swait.ge [sflag:s16], $0x1000  }
0x256: {  	[sflag:s16] =	ssyncset.done $0x0  }
0x257: {  	[sflag:s16] =	ssyncadd.s32 $0xFFFFF000  }
0x258: {  	_ =	swait.ge [sflag:s17], $0x200  }
0x259: {  	[sflag:s17] =	ssyncset.done $0x0  }
0x25a: {  	s0 =	simm.s32 $0x0;
	[sflag:s17] =	ssyncadd.s32 $0xFFFFFE00  }
0x25b: {  	v10 =	vld [tilespmem:s0+$0x2500]  }
0x25c: {  	v13 =	vld [tilespmem:s0+$0x2510]  }
0x25d: {  	v19 =	vld [tilespmem:s0+$0x2520]  }
0x25e: {  	v9 =	vld [tilespmem:s0+$0x2530]  }
0x25f: {  	v8 =	vld [tilespmem:s0+$0x2540]  }
0x260: {  	v7 =	vld [tilespmem:s0+$0x2550]  }
0x261: {  	v6 =	vld [tilespmem:s0+$0x2560]  }
0x262: {  	v5 =	vld [tilespmem:s0+$0x2570]  }
0x263: {  	v4 =	vld [tilespmem:s0+$0x2580]  }
0x264: {  	v11 =	vld [tilespmem:s0+$0x100]  }
0x265: {  	v15 =	vld [tilespmem:s0+$0x110]  }
0x266: {  	v20 =	vld [tilespmem:s0+$0x120]  }
0x267: {  	v16 =	vld [tilespmem:s0+$0x130]  }
0x268: {  	v14 =	vld [tilespmem:s0+$0x140]  }
0x269: {  	v12 =	vld [tilespmem:s0+$0x150];
	v17 =	vadd.f32 v10, v11  }
0x26a: {  	v11 =	vld [tilespmem:s0+$0x160];
	v15 =	vadd.f32 v13, v15  }
0x26b: {  	s1 =	simm.s32 $0x240;
	s22 =	rddreg [dreg:$0x5];
	v13 =	vadd.f32 v19, v20;
	v10 =	vld [tilespmem:s0+$0x170];
	v18 =	vmul.f32 $9.999999770e-03, v17  }
.LBB2_36:
0x26c: {  	s4 =	sshra.s32 s1, $0x2;
	p0 =	sne.s32 s1, $0x45C0;
	v19 =	vmul.f32 $9.999999770e-03, v15;
	v16 =	vadd.f32 v9, v16;
	v20 =	vld [tilespmem:s0+$0x180]  }
0x26d: {  	v21 =	vld [tilespmem:s4+$0x2500];
	v9 =	vmax.f32 v17, v18;
	v17 =	vmul.f32 $9.999999770e-03, v13;
	v14 =	vadd.f32 v8, v14  }
0x26e: {  	v18 =	vld [tilespmem:s4+$0x2510];
	[tilespmem:s0+$0x100] =	vst v9;
	v8 =	vmax.f32 v15, v19;
	v15 =	vmul.f32 $9.999999770e-03, v16;
	v12 =	vadd.f32 v7, v12  }
0x26f: {  	v19 =	vld [tilespmem:s4+$0x2520];
	[tilespmem:s0+$0x110] =	vst v8;
	v7 =	vmax.f32 v13, v17;
	v13 =	vmul.f32 $9.999999770e-03, v14;
	v11 =	vadd.f32 v6, v11  }
0x270: {  	v9 =	vld [tilespmem:s4+$0x2530];
	[tilespmem:s0+$0x120] =	vst v7;
	v6 =	vmax.f32 v16, v15;
	v15 =	vmul.f32 $9.999999770e-03, v12;
	v10 =	vadd.f32 v5, v10  }
0x271: {  	v8 =	vld [tilespmem:s4+$0x2540];
	[tilespmem:s0+$0x130] =	vst v6;
	v5 =	vmax.f32 v14, v13;
	v13 =	vmul.f32 $9.999999770e-03, v11;
	v14 =	vadd.f32 v4, v20  }
0x272: {  	v7 =	vld [tilespmem:s4+$0x2550];
	[tilespmem:s0+$0x140] =	vst v5;
	v4 =	vmax.f32 v12, v15;
	v12 =	vmul.f32 $9.999999770e-03, v10  }
0x273: {  	v6 =	vld [tilespmem:s4+$0x2560];
	[tilespmem:s0+$0x150] =	vst v4;
	v4 =	vmax.f32 v11, v13;
	v11 =	vmul.f32 $9.999999770e-03, v14  }
0x274: {  	v5 =	vld [tilespmem:s4+$0x2570];
	[tilespmem:s0+$0x160] =	vst v4;
	v10 =	vmax.f32 v10, v12  }
0x275: {  	v4 =	vld [tilespmem:s4+$0x2580];
	[tilespmem:s0+$0x170] =	vst v10;
	v10 =	vmax.f32 v14, v11  }
0x276: {  	v11 =	vld [tilespmem:s4+$0x100];
	[tilespmem:s0+$0x180] =	vst v10;
	s0 =	smov.u32 s4  }
0x277: {  	v10 =	vld [tilespmem:s0+$0x110]  }
0x278: {  	v13 =	vld [tilespmem:s0+$0x120]  }
.Ltmp17:
0x279: {  	v16 =	vld [tilespmem:s0+$0x130];
	(pc) =	sbr.rel @p0 .LBB2_36-.Ltmp17, $4  }
0x27a: {  	v14 =	vld [tilespmem:s0+$0x140]  }
0x27b: {  	v17 =	vadd.f32 v21, v11;
	v12 =	vld [tilespmem:s0+$0x150]  }
0x27c: {  	v15 =	vadd.f32 v18, v10;
	v11 =	vld [tilespmem:s0+$0x160]  }
0x27d: {  	s1 =	sadd.s32 $0x240, s1;
	v18 =	vmul.f32 $9.999999770e-03, v17;
	v13 =	vadd.f32 v19, v13;
	v10 =	vld [tilespmem:s0+$0x170]  }
0x27e: {  	v19 =	vmul.f32 $9.999999770e-03, v15;
	v9 =	vadd.f32 v9, v16;
	v54 =	vld [tilespmem:s0+$0x180]  }
0x27f: {  	v17 =	vmax.f32 v17, v18;
	v55 =	vmul.f32 $9.999999770e-03, v13;
	v8 =	vadd.f32 v8, v14  }
0x280: {  	[tilespmem:s0+$0x100] =	vst v17;
	v56 =	vmax.f32 v15, v19;
	v57 =	vmul.f32 $9.999999770e-03, v9;
	v7 =	vadd.f32 v7, v12  }
0x281: {  	[tilespmem:s0+$0x110] =	vst v56;
	v58 =	vmax.f32 v13, v55;
	v59 =	vmul.f32 $9.999999770e-03, v8;
	v6 =	vadd.f32 v6, v11  }
0x282: {  	[tilespmem:s0+$0x120] =	vst v58;
	v9 =	vmax.f32 v9, v57;
	v60 =	vmul.f32 $9.999999770e-03, v7;
	v5 =	vadd.f32 v5, v10  }
0x283: {  	[tilespmem:s0+$0x130] =	vst v9;
	v8 =	vmax.f32 v8, v59;
	v61 =	vmul.f32 $9.999999770e-03, v6;
	v4 =	vadd.f32 v4, v54  }
0x284: {  	[tilespmem:s0+$0x140] =	vst v8;
	v7 =	vmax.f32 v7, v60;
	v62 =	vmul.f32 $9.999999770e-03, v5  }
0x285: {  	[tilespmem:s0+$0x150] =	vst v7;
	v6 =	vmax.f32 v6, v61;
	v63 =	vmul.f32 $9.999999770e-03, v4  }
0x286: {  	[tilespmem:s0+$0x160] =	vst v6;
	v5 =	vmax.f32 v5, v62  }
0x287: {  	[tilespmem:s0+$0x170] =	vst v5;
	v4 =	vmax.f32 v4, v63  }
0x288: {  	[tilespmem:s0+$0x180] =	vst v4  }
0x289: {  	[spmem:s3] =	stream.indirect.scatter.add.f32 [tilespmem:s24], [sflag:$0x7], $0x90, s31, s28, $0xb8;
	[tilespmem:$0x1CFA0] =	vst v63  }
0x28a: {  	v4 =	vld [tilespmem:$0x80];
	_ =	sdelay $0x7  }
0x28b: {  	[tilespmem:v4+s18+$0x0] =	vst.idx.add.s32.msk $0xffff, v3  }
0x28c: {  	v4 =	vld [tilespmem:$0x90];
	_ =	sdelay $0x7  }
0x28d: {  	[tilespmem:v4+s18+$0x0] =	vst.idx.add.s32.msk $0xffff, v3  }
0x28e: {  	_ =	swait.ge [sflag:s10], $0x1200  }
0x28f: {  	[sflag:s10] =	ssyncset.done $0x0  }
0x290: {  	s25 =	stileid.u32;
	[sflag:s10] =	ssyncadd.s32 $0xFFFFEE00  }
0x291: {  	s0 =	sshll.u32 s25, $0x6;
	[bflag:$0x0] =	sbarrier.arrive $0xFFFF  }
0x292: {  	s1 =	sshrl.u32 s22, $0x3;
	s0 =	sor.u32 $0x1C11, s0;
	s4 =	rddreg [dreg:$0xe]  }
0x293: {  	[hbm:s4], [sflag:s0] =	dma.local [spmem:s1], $0x2BF2  }
0x294: {  	s4 =	simm.s32 $0x11  }
0x295: {  	_ =	swait.ge [sflag:s4], $0x2BF2  }
0x296: {  	[sflag:s4] =	ssyncset.done $0x0  }
0x297: {  	s26 =	rddreg [dreg:$0xf];
	[sflag:s4] =	ssyncadd.s32 $0xFFFFD40E  }
0x298: {  	[hbm4b:s26+s5] =	stream.linear.scatter [tilespmem:s18], [sflag:$0x11], $0x2710, $0x38;
	[tilespmem:$0x1CFA0] =	vst v63  }
0x299: {  	_ =	swait.ge [sflag:s4], $0x2710  }
0x29a: {  	s29 =	sld [smem:$0x7FA];
	_ =	sdelay $0x2  }
0x29b: {  	s30 =	rddreg [dreg:$0x10];
	s1 =	sadd.s32 $0x1, s29  }
0x29c: {  	p0 =	sne.s32 s1, s30  }
.Ltmp18:
0x29d: {  	_ = 	snop;
	(pc) =	sbr.rel @p0 .LBB2_1-.Ltmp18, $3  }
0x29e: {  	_ =	sdelay $0x1  }
0x29f: {  	[sflag:s4] =	ssyncset.done $0x0  }
0x2a0: {  	[sflag:s4] =	ssyncadd.s32 $0xFFFFD8F0  }
0x2a1: {  	_ =	sfence.sel $0x180000  }
0x2a2: {  	[bflag:$0x0] =	sbarrier.arrive $0xFFFF  }
0x2a3: {  	_ =	strace $0x90000047  }
0x2a4: {  	s0 =	stileid.u32;
	[bflag:$0x2] =	sbarrier.arrive $0xFFFF  }
0x2a5: {  	p0 =	sne.s32 s0, $0x0;
	s0 =	rddreg [dreg:$0x3]  }
0x2a6: {  	s0 =	sadd.s32 @!p0 $0x100000, s0  }
0x2a7: {  	[sflag:s0] =	ssyncadd.tile.s32 @!p0 $0x1;
	_ =	shalt  }
.Lfunc_end2:
_tile_overlayer_lowered:
.L_overlay_start_2:
0x2a8: {  	(tag) =	ssettag $0x2  }
0x2a9: {  	s0 =	rddreg [dreg:$0x0];
	s2 =	stileid.u32  }
0x2aa: {  	s1 =	rddreg [dreg:$0x1];
	p0 =	sne.s32 s2, $0x0  }
0x2ab: {  	s3 =	rddreg [dreg:$0x2];
	[bflag:$0x3] =	sbarrier.arrive $0xFFFF;
	s2 =	simm.s32 @!p0 $0x1C11  }
0x2ac: {  	[timem:s3], [sflag:s2] =	dma.local @!p0 [hbm:s0], s1  }
0x2ad: {  	s0 =	simm.s32 @!p0 $0x11  }
0x2ae: {  	_ =	swait.ge @!p0 [sflag:s0], s1  }
0x2af: {  	s1 =	ssub.s32 @!p0 $0x0, s1;
	[sflag:s0] =	ssyncset.done @!p0 $0x0  }
0x2b0: {  	[sflag:s0] =	ssyncadd.s32 @!p0 s1  }
0x2b1: {  	[bflag:$0x3] =	sbarrier.arrive $0xFFFF  }
0x2b2: {  	_ =	shalt  }

</sc_bundles>
